<compile_context>
chip_gen: v7x
topology: tpu7x:2x2x1
jax: 0.10.2.dev20260603
libtpu: 0.0.44.dev20260713+nightly
codegen_flags: <defaults>
</compile_context>

<pallas_src>
import functools

import jax
import jax.numpy as jnp
from jax import lax
from jax.experimental import pallas as pl
from jax.experimental.pallas import tpu as pltpu
from jax.experimental.pallas import tpu_sc as plsc

_EPS = 1e-5
_G = 8
_NC = 2
_NS = 16
_LANES = 16
_NW = _NC * _NS
_CHUNK = 128
_NBUF = 2
_ROWBLK = 1000


def _sc_degree(packed, n_pad):
    n_chunks = packed.shape[0]
    nk = n_chunks // _NW
    rpt = n_pad // _NS
    zeros_hbm = jnp.zeros((rpt,), jnp.float32)
    mesh = plsc.VectorSubcoreMesh(core_axis_name="c", subcore_axis_name="s")

    @functools.partial(
        pl.kernel, mesh=mesh,
        out_type=jax.ShapeDtypeStruct((_NC * n_pad,), jnp.float32),
        scratch_types=[
            pltpu.VMEM((2, _CHUNK), jnp.int32),
            pltpu.VMEM((2, _CHUNK), jnp.int32),
            pltpu.VMEM((_CHUNK,), jnp.float32),
            pltpu.VMEM_SHARED((n_pad,), jnp.float32),
        ],
    )
    def deg_kernel(pk_hbm, z_hbm, out_hbm, ib0, ib1, ones_v, acc):
        c = lax.axis_index("c")
        s = lax.axis_index("s")
        wid = s * _NC + c
        ibufs = (ib0, ib1)
        pltpu.sync_copy(z_hbm, acc.at[pl.ds(s * rpt, rpt)])
        for i in range(_CHUNK // _LANES):
            ones_v[pl.ds(i * _LANES, _LANES)] = jnp.ones((_LANES,), jnp.float32)
        plsc.subcore_barrier()

        def scoped(ss0, ss1):
            sss = (ss0, ss1)
            for t in (0, 1):
                pltpu.sync_copy(pk_hbm.at[wid + t * _NW], ibufs[t])

            def body(j, carry):
                for t in (0, 1):
                    k = 2 * j + t
                    pltpu.async_copy(ones_v, acc.at[ibufs[t].at[1]],
                                     sss[t], add=True)

                    @pl.when(k + 2 < nk)
                    def _():
                        pltpu.make_async_copy(
                            ones_v, acc.at[ibufs[t].at[1]], sss[t]).wait()
                        pltpu.sync_copy(pk_hbm.at[wid + (k + 2) * _NW],
                                        ibufs[t])
                return carry

            lax.fori_loop(0, nk // 2, body, 0)
            for t in (0, 1):
                pltpu.make_async_copy(
                    ones_v, acc.at[ibufs[t].at[1]], sss[t]).wait()

        pl.run_scoped(scoped, pltpu.SemaphoreType.DMA,
                      pltpu.SemaphoreType.DMA)
        plsc.subcore_barrier()
        pltpu.sync_copy(acc.at[pl.ds(s * rpt, rpt)],
                        out_hbm.at[pl.ds(c * n_pad + s * rpt, rpt)])

    return deg_kernel(packed, zeros_hbm)


def _sc_msgpass(p, packed, n_pad):
    n, d = p.shape
    n_chunks = packed.shape[0]
    nk = n_chunks // _NW
    rpt = n_pad // _NS
    zeros_hbm = jnp.zeros((rpt, d), jnp.float32)
    mesh = plsc.VectorSubcoreMesh(core_axis_name="c", subcore_axis_name="s")

    nbuf = _NBUF

    @functools.partial(
        pl.kernel, mesh=mesh,
        out_type=jax.ShapeDtypeStruct((_NC, n_pad, d), jnp.float32),
        scratch_types=(
            [pltpu.VMEM((2, _CHUNK), jnp.int32) for _ in range(nbuf)]
            + [pltpu.VMEM((_CHUNK, d), jnp.float32) for _ in range(nbuf)]
            + [pltpu.VMEM_SHARED((n_pad, d), jnp.float32)]
        ),
    )
    def mp_kernel(p_hbm, pk_hbm, z_hbm, out_hbm, *bufs):
        ibufs = bufs[:nbuf]
        rbufs = bufs[nbuf:2 * nbuf]
        acc = bufs[2 * nbuf]
        c = lax.axis_index("c")
        s = lax.axis_index("s")
        wid = s * _NC + c
        pltpu.sync_copy(z_hbm, acc.at[pl.ds(s * rpt, rpt)])
        plsc.subcore_barrier()

        def scoped(*sems):
            sgs = sems[:nbuf]
            sss = sems[nbuf:]
            for t in range(nbuf):
                pltpu.sync_copy(pk_hbm.at[wid + t * _NW], ibufs[t])
                pltpu.async_copy(p_hbm.at[ibufs[t].at[0]], rbufs[t], sgs[t])

            def body(j, carry):
                for t in range(nbuf):
                    k = nbuf * j + t
                    pltpu.make_async_copy(
                        p_hbm.at[ibufs[t].at[0]], rbufs[t], sgs[t]).wait()
                    pltpu.async_copy(rbufs[t], acc.at[ibufs[t].at[1]],
                                     sss[t], add=True)

                    @pl.when(k + nbuf < nk)
                    def _():
                        pltpu.make_async_copy(
                            rbufs[t], acc.at[ibufs[t].at[1]], sss[t]).wait()
                        pltpu.sync_copy(pk_hbm.at[wid + (k + nbuf) * _NW],
                                        ibufs[t])
                        pltpu.async_copy(p_hbm.at[ibufs[t].at[0]],
                                         rbufs[t], sgs[t])
                return carry

            lax.fori_loop(0, nk // nbuf, body, 0)
            for t in range(nbuf):
                pltpu.make_async_copy(
                    rbufs[t], acc.at[ibufs[t].at[1]], sss[t]).wait()

        pl.run_scoped(scoped,
                      *([pltpu.SemaphoreType.DMA] * (2 * nbuf)))
        plsc.subcore_barrier()
        pltpu.sync_copy(acc.at[pl.ds(s * rpt, rpt)],
                        out_hbm.at[c, pl.ds(s * rpt, rpt)])

    return mp_kernel(p, packed, zeros_hbm)


def _tc_prep(deg_partials, batch2d):
    n_pad = deg_partials.shape[1]

    def body(dp_ref, b_ref, dinv_ref, cnt_ref):
        deg = dp_ref[0, :] + dp_ref[1, :] + 1.0
        dinv_ref[...] = lax.rsqrt(deg)[None, :]
        iota = lax.broadcasted_iota(jnp.int32, (1, _G), 1)
        onehot = (b_ref[...] == iota).astype(jnp.float32)
        cnt = jnp.maximum(jnp.sum(onehot, axis=0), 1.0)
        cnt_ref[...] = jnp.broadcast_to(cnt[:, None], (_G, 128))

    return pl.pallas_call(
        body,
        out_shape=(
            jax.ShapeDtypeStruct((1, n_pad), jnp.float32),
            jax.ShapeDtypeStruct((_G, 128), jnp.float32),
        ),
    )(deg_partials, batch2d)


def _tc_in_proj(x, w, b2d, dinv_col):
    n, d_in = x.shape
    d_out = w.shape[1]
    grid = (n // _ROWBLK,)

    def body(x_ref, w_ref, b_ref, dv_ref, out_ref):
        h = jnp.dot(x_ref[...], w_ref[...],
                    preferred_element_type=jnp.float32) + b_ref[...]
        out_ref[...] = dv_ref[...] * h

    return pl.pallas_call(
        body,
        grid=grid,
        in_specs=[
            pl.BlockSpec((_ROWBLK, d_in), lambda i: (i, 0)),
            pl.BlockSpec((d_in, d_out), lambda i: (0, 0)),
            pl.BlockSpec((1, d_out), lambda i: (0, 0)),
            pl.BlockSpec((_ROWBLK, 1), lambda i: (i, 0)),
        ],
        out_shape=jax.ShapeDtypeStruct((n, d_out), jnp.float32),
        out_specs=pl.BlockSpec((_ROWBLK, d_out), lambda i: (i, 0)),
    )(x, w, b2d, dinv_col)


def _tc_layer_pre(qab, p, dinv_col, w, b2d, batch2d):
    n, d_in = p.shape
    d_out = w.shape[1]
    grid = (n // _ROWBLK,)

    def body(q_ref, p_ref, dv_ref, w_ref, b_ref, bt_ref,
             z_ref, s1_ref, s2_ref):
        i = pl.program_id(0)
        agg = dv_ref[...] * (q_ref[0] + q_ref[1] + p_ref[...])
        z = jnp.dot(agg, w_ref[...],
                    preferred_element_type=jnp.float32) + b_ref[...]
        z_ref[...] = z
        iota = lax.broadcasted_iota(jnp.int32, (1, _G), 1)
        onehot = (bt_ref[...] == iota).astype(jnp.float32)
        dn = (((0,), (0,)), ((), ()))
        s1 = lax.dot_general(onehot, z, dn,
                             preferred_element_type=jnp.float32)
        s2 = lax.dot_general(onehot, z * z, dn,
                             preferred_element_type=jnp.float32)

        @pl.when(i == 0)
        def _():
            s1_ref[...] = s1
            s2_ref[...] = s2

        @pl.when(i > 0)
        def _():
            s1_ref[...] += s1
            s2_ref[...] += s2

    return pl.pallas_call(
        body,
        grid=grid,
        in_specs=[
            pl.BlockSpec((2, _ROWBLK, d_in), lambda i: (0, i, 0)),
            pl.BlockSpec((_ROWBLK, d_in), lambda i: (i, 0)),
            pl.BlockSpec((_ROWBLK, 1), lambda i: (i, 0)),
            pl.BlockSpec((d_in, d_out), lambda i: (0, 0)),
            pl.BlockSpec((1, d_out), lambda i: (0, 0)),
            pl.BlockSpec((_ROWBLK, 1), lambda i: (i, 0)),
        ],
        out_shape=(
            jax.ShapeDtypeStruct((n, d_out), jnp.float32),
            jax.ShapeDtypeStruct((_G, d_out), jnp.float32),
            jax.ShapeDtypeStruct((_G, d_out), jnp.float32),
        ),
        out_specs=(
            pl.BlockSpec((_ROWBLK, d_out), lambda i: (i, 0)),
            pl.BlockSpec((_G, d_out), lambda i: (0, 0)),
            pl.BlockSpec((_G, d_out), lambda i: (0, 0)),
        ),
    )(qab, p, dinv_col, w, b2d, batch2d)


def _gnorm_rows(z, bt, s1_ref, s2_ref, cnt_ref, w_ref, bb_ref, a_ref):
    cntc = cnt_ref[:, 0:1]
    m = s1_ref[...] / cntc
    e2 = s2_ref[...] / cntc
    a = a_ref[...]
    var = e2 + (a * a - 2.0 * a) * (m * m)
    inv = lax.rsqrt(var + _EPS)
    iota = lax.broadcasted_iota(jnp.int32, (1, _G), 1)
    onehot = (bt == iota).astype(jnp.float32)
    rm = jnp.dot(onehot, m, preferred_element_type=jnp.float32)
    rinv = jnp.dot(onehot, inv, preferred_element_type=jnp.float32)
    out = (z - a * rm) * rinv
    return jnp.maximum(w_ref[...] * out + bb_ref[...], 0.0), onehot


def _tc_layer_post(z, s1, s2, cnt, batch2d, dinv_col, w2d, bb2d, a2d):
    n, d = z.shape
    grid = (n // _ROWBLK,)

    def body(z_ref, s1_ref, s2_ref, cnt_ref, bt_ref, dv_ref,
             w_ref, bb_ref, a_ref, out_ref):
        h, _ = _gnorm_rows(z_ref[...], bt_ref[...], s1_ref, s2_ref,
                           cnt_ref, w_ref, bb_ref, a_ref)
        out_ref[...] = dv_ref[...] * h

    return pl.pallas_call(
        body,
        grid=grid,
        in_specs=[
            pl.BlockSpec((_ROWBLK, d), lambda i: (i, 0)),
            pl.BlockSpec((_G, d), lambda i: (0, 0)),
            pl.BlockSpec((_G, d), lambda i: (0, 0)),
            pl.BlockSpec((_G, 128), lambda i: (0, 0)),
            pl.BlockSpec((_ROWBLK, 1), lambda i: (i, 0)),
            pl.BlockSpec((_ROWBLK, 1), lambda i: (i, 0)),
            pl.BlockSpec((1, d), lambda i: (0, 0)),
            pl.BlockSpec((1, d), lambda i: (0, 0)),
            pl.BlockSpec((1, d), lambda i: (0, 0)),
        ],
        out_shape=jax.ShapeDtypeStruct((n, d), jnp.float32),
        out_specs=pl.BlockSpec((_ROWBLK, d), lambda i: (i, 0)),
    )(z, s1, s2, cnt, batch2d, dinv_col, w2d, bb2d, a2d)


def _tc_final_pool(z, s1, s2, cnt, batch2d, w2d, bb2d, a2d):
    n, d = z.shape
    grid = (n // _ROWBLK,)
    last = n // _ROWBLK - 1

    def body(z_ref, s1_ref, s2_ref, cnt_ref, bt_ref,
             w_ref, bb_ref, a_ref, mean_ref, max_ref):
        i = pl.program_id(0)
        h, onehot = _gnorm_rows(z_ref[...], bt_ref[...], s1_ref, s2_ref,
                                cnt_ref, w_ref, bb_ref, a_ref)
        dn = (((0,), (0,)), ((), ()))
        hs = lax.dot_general(onehot, h, dn,
                             preferred_element_type=jnp.float32)
        bt = bt_ref[...]
        gmax = []
        for g in range(_G):
            mask = bt == g
            gmax.append(jnp.max(jnp.where(mask, h, -jnp.inf), axis=0))
        gm = jnp.stack(gmax, axis=0)

        @pl.when(i == 0)
        def _():
            mean_ref[...] = hs
            max_ref[...] = gm

        @pl.when(i > 0)
        def _():
            mean_ref[...] += hs
            max_ref[...] = jnp.maximum(max_ref[...], gm)

        @pl.when(i == last)
        def _():
            mean_ref[...] = mean_ref[...] / cnt_ref[:, 0:1]

    return pl.pallas_call(
        body,
        grid=grid,
        in_specs=[
            pl.BlockSpec((_ROWBLK, d), lambda i: (i, 0)),
            pl.BlockSpec((_G, d), lambda i: (0, 0)),
            pl.BlockSpec((_G, d), lambda i: (0, 0)),
            pl.BlockSpec((_G, 128), lambda i: (0, 0)),
            pl.BlockSpec((_ROWBLK, 1), lambda i: (i, 0)),
            pl.BlockSpec((1, d), lambda i: (0, 0)),
            pl.BlockSpec((1, d), lambda i: (0, 0)),
            pl.BlockSpec((1, d), lambda i: (0, 0)),
        ],
        out_shape=(
            jax.ShapeDtypeStruct((_G, d), jnp.float32),
            jax.ShapeDtypeStruct((_G, d), jnp.float32),
        ),
        out_specs=(
            pl.BlockSpec((_G, d), lambda i: (0, 0)),
            pl.BlockSpec((_G, d), lambda i: (0, 0)),
        ),
    )(z, s1, s2, cnt, batch2d, w2d, bb2d, a2d)


def kernel(x, edge_index, batch, W_in, b_in, W0, b0, gnw0, gnb0, gna0,
           W1, b1, gnw1, gnb1, gna1, W2, b2, gnw2, gnb2, gna2):
    n = x.shape[0]
    n_edges = edge_index.shape[1]
    batch2d = batch[:, None]

    n_pad = ((n + _NS * 16 - 1) // (_NS * 16)) * (_NS * 16)
    cpw = _NBUF * _NW * _CHUNK
    n_e_pad = ((n_edges + cpw - 1) // cpw) * cpw
    n_extra = n_e_pad - n_edges
    pad_src = (jnp.arange(n_extra, dtype=jnp.int32) * 7) % n
    pad_dst = n + (jnp.arange(n_extra, dtype=jnp.int32) % (n_pad - n))
    src = jnp.concatenate([edge_index[0], pad_src])
    dst = jnp.concatenate([edge_index[1], pad_dst])
    packed = jnp.stack([src, dst]).reshape(2, n_e_pad // _CHUNK,
                                           _CHUNK).transpose(1, 0, 2)

    deg_partials = _sc_degree(packed, n_pad).reshape(_NC, n_pad)
    dinv_row, cnt = _tc_prep(deg_partials, batch2d)
    dinv_col = dinv_row[0, :n, None]

    p = _tc_in_proj(x, W_in, b_in[None, :], dinv_col)
    layers = [
        (W0, b0, gnw0, gnb0, gna0),
        (W1, b1, gnw1, gnb1, gna1),
        (W2, b2, gnw2, gnb2, gna2),
    ]
    for li, (w, b, gw, gb, ga) in enumerate(layers):
        qab = _sc_msgpass(p, packed, n_pad)
        z, s1, s2 = _tc_layer_pre(qab, p, dinv_col, w, b[None, :], batch2d)
        if li < 2:
            p = _tc_layer_post(z, s1, s2, cnt, batch2d, dinv_col,
                               gw[None, :], gb[None, :], ga[None, :])
        else:
            pmean, pmax = _tc_final_pool(z, s1, s2, cnt, batch2d,
                                         gw[None, :], gb[None, :],
                                         ga[None, :])
    return jnp.concatenate([pmean, pmax], axis=1)

# --- scband reference (transcript-rebuilt; emitter-appended) ---
"""Pipeline reference for scband-dynamic-graph-neural-network-61821759258644 (READ-ONLY COPY).

The authoritative reference and input builder live on the scoring server;
editing this copy changes nothing except your own understanding.
"""

import jax, jax.numpy as jnp
import numpy as np

N = 10000
E = 320000
D_IN = 128
HID = 128
OUT = 256
G = 8
EPS = 1e-5

def setup_inputs(seed: int = 0):
    key = jax.random.key(seed)
    ks = jax.random.split(key, 24)
    inp = {}
    inp['x'] = jax.random.normal(ks[0], (N, D_IN), dtype=jnp.float32)
    inp['edge_index'] = jax.random.randint(ks[1], (2, E), 0, N, dtype=jnp.int32)
    inp['batch'] = jnp.sort(jax.random.randint(ks[2], (N,), 0, G, dtype=jnp.int32))
    inp['W_in'] = jax.random.normal(ks[3], (D_IN, HID), dtype=jnp.float32) * 0.05
    inp['b_in'] = jnp.zeros((HID,), dtype=jnp.float32)
    dims = [(HID, HID), (HID, HID), (HID, OUT)]
    for i, (di, do) in enumerate(dims):
        inp['W%d' % i] = jax.random.normal(ks[4 + i], (di, do), dtype=jnp.float32) * 0.05
        inp['b%d' % i] = jnp.zeros((do,), dtype=jnp.float32)
        inp['gnw%d' % i] = jnp.ones((do,), dtype=jnp.float32)
        inp['gnb%d' % i] = jnp.zeros((do,), dtype=jnp.float32)
        inp['gna%d' % i] = jnp.ones((do,), dtype=jnp.float32)
    return inp

def reference(x, edge_index, batch, W_in, b_in, W0, b0, gnw0, gnb0, gna0, W1, b1, gnw1, gnb1, gna1, W2, b2, gnw2, gnb2, gna2):
    num_nodes = x.shape[0]
    loop = jnp.arange(num_nodes, dtype=edge_index.dtype)
    src = jnp.concatenate([edge_index[0], loop])
    dst = jnp.concatenate([edge_index[1], loop])
    deg = jnp.zeros((num_nodes,), jnp.float32).at[dst].add(1.0)
    dinv = jnp.where(deg > 0, 1.0 / jnp.sqrt(deg), 0.0)
    norm = dinv[src] * dinv[dst]
    counts = jnp.maximum(jax.ops.segment_sum(jnp.ones((num_nodes,), jnp.float32), batch, num_segments=G), 1.0)

    def gcn(h, W, b):
        h = h @ W
        msg = h[src] * norm[:, None]
        agg = jnp.zeros((num_nodes, W.shape[1]), h.dtype).at[dst].add(msg)
        return agg + b

    def gnorm(h, w, bb, a):
        mean = jax.ops.segment_sum(h, batch, num_segments=G) / counts[:, None]
        out = h - a * mean[batch]
        var = jax.ops.segment_sum(out * out, batch, num_segments=G) / counts[:, None]
        out = out / jnp.sqrt(var + EPS)[batch]
        return w * out + bb

    h = x @ W_in + b_in
    for (W, b, w, bb, a) in [(W0, b0, gnw0, gnb0, gna0), (W1, b1, gnw1, gnb1, gna1), (W2, b2, gnw2, gnb2, gna2)]:
        h = gcn(h, W, b)
        h = gnorm(h, w, bb, a)
        h = jax.nn.relu(h)
    x_mean = jax.ops.segment_sum(h, batch, num_segments=G) / counts[:, None]
    x_max = jax.ops.segment_max(h, batch, num_segments=G)
    return jnp.concatenate([x_mean, x_max], axis=1)

if __name__ == "__main__":
    import jax
    _d = setup_inputs()
    print(jax.jit(kernel)(*tuple(_d.values())))

</pallas_src>

<mosaic_0001>
#map = affine_map<(d0, d1) -> (0, 0, 0)>
#map1 = affine_map<(d0, d1) -> (0)>
module attributes {stable_mosaic.version = 14 : i64} {
  func.func @deg_kernel(%arg0: i32, %arg1: i32, %arg2: memref<2560x2x128xi32, #tpu.memory_space<hbm>>, %arg3: memref<640xf32, #tpu.memory_space<hbm>>, %arg4: memref<20480xf32, #tpu.memory_space<hbm>>, %arg5: memref<2x128xi32, #tpu.memory_space<vmem>>, %arg6: memref<2x128xi32, #tpu.memory_space<vmem>>, %arg7: memref<128xf32, #tpu.memory_space<vmem>>, %arg8: memref<10240xf32, #tpu.memory_space<vmem_shared>>) attributes {dimension_semantics = [#tpu.dimension_semantics<core_parallel>, #tpu.dimension_semantics<subcore_parallel>], iteration_bounds = array<i64: 2, 16>, scalar_prefetch = 0 : i64, scratch_operands = 4 : i64, tpu.core_type = #tpu.core_type<sc_vector_subcore>, window_params = [{transform_indices = #map}, {transform_indices = #map1}, {transform_indices = #map1}]} {
    %mul3A = arith.constant 2 : i32
    %mul3A_0 = arith.muli %arg1, %mul3A : i32
    %add3A = arith.addi %mul3A_0, %arg0 : i32
    %mul3A_1 = arith.constant 640 : i32
    %mul3A_2 = arith.muli %arg1, %mul3A_1 : i32
    "tpu.region"() ({
      %run_scoped3A = tpu.sem_alloc : memref<!tpu.dma_semaphore, #tpu.memory_space<semaphore_mem>>
      %dma_start3A = tpu.memref_slice %arg8[%mul3A_2] : memref<10240xf32, #tpu.memory_space<vmem_shared>> -> memref<640xf32, #tpu.memory_space<vmem_shared>>
      tpu.enqueue_dma source(%arg3 : memref<640xf32, #tpu.memory_space<hbm>>) target(%dma_start3A : memref<640xf32, #tpu.memory_space<vmem_shared>>) target_semaphore(%run_scoped3A : memref<!tpu.dma_semaphore, #tpu.memory_space<semaphore_mem>>)
      %dma_wait3A = tpu.memref_slice %arg8[%mul3A_2] : memref<10240xf32, #tpu.memory_space<vmem_shared>> -> memref<640xf32, #tpu.memory_space<vmem_shared>>
      tpu.wait_dma2 semaphore(%run_scoped3A : memref<!tpu.dma_semaphore, #tpu.memory_space<semaphore_mem>>) src(%arg3 : memref<640xf32, #tpu.memory_space<hbm>>) dst(%dma_wait3A : memref<640xf32, #tpu.memory_space<vmem_shared>>)
      tpu.yield
    }) : () -> ()
    %broadcast_in_dim3A = arith.constant 1.000000e+00 : f32
    %broadcast_in_dim3A_3 = vector.broadcast %broadcast_in_dim3A : f32 to vector<16xf32>
    %swap3A = arith.constant 0 : index
    %swap3A_4 = tpu.vector_load %arg7[%swap3A] {strides = array<i32>} : memref<128xf32, #tpu.memory_space<vmem>>, vector<16xf32>,
    %swap3A_5 = vector.shape_cast %swap3A_4 : vector<16xf32> to vector<16xf32>
    %swap3A_6 = vector.shape_cast %broadcast_in_dim3A_3 : vector<16xf32> to vector<16xf32>
    tpu.vector_store %arg7[%swap3A], %swap3A_6 {strides = array<i32>} : memref<128xf32, #tpu.memory_space<vmem>>, vector<16xf32>,
    %broadcast_in_dim3A_7 = arith.constant 1.000000e+00 : f32
    %broadcast_in_dim3A_8 = vector.broadcast %broadcast_in_dim3A_7 : f32 to vector<16xf32>
    %swap3A_9 = arith.constant 16 : index
    %swap3A_10 = tpu.vector_load %arg7[%swap3A_9] {strides = array<i32>} : memref<128xf32, #tpu.memory_space<vmem>>, vector<16xf32>,
    %swap3A_11 = vector.shape_cast %swap3A_10 : vector<16xf32> to vector<16xf32>
    %swap3A_12 = vector.shape_cast %broadcast_in_dim3A_8 : vector<16xf32> to vector<16xf32>
    tpu.vector_store %arg7[%swap3A_9], %swap3A_12 {strides = array<i32>} : memref<128xf32, #tpu.memory_space<vmem>>, vector<16xf32>,
    %broadcast_in_dim3A_13 = arith.constant 1.000000e+00 : f32
    %broadcast_in_dim3A_14 = vector.broadcast %broadcast_in_dim3A_13 : f32 to vector<16xf32>
    %swap3A_15 = arith.constant 32 : index
    %swap3A_16 = tpu.vector_load %arg7[%swap3A_15] {strides = array<i32>} : memref<128xf32, #tpu.memory_space<vmem>>, vector<16xf32>,
    %swap3A_17 = vector.shape_cast %swap3A_16 : vector<16xf32> to vector<16xf32>
    %swap3A_18 = vector.shape_cast %broadcast_in_dim3A_14 : vector<16xf32> to vector<16xf32>
    tpu.vector_store %arg7[%swap3A_15], %swap3A_18 {strides = array<i32>} : memref<128xf32, #tpu.memory_space<vmem>>, vector<16xf32>,
    %broadcast_in_dim3A_19 = arith.constant 1.000000e+00 : f32
    %broadcast_in_dim3A_20 = vector.broadcast %broadcast_in_dim3A_19 : f32 to vector<16xf32>
    %swap3A_21 = arith.constant 48 : index
    %swap3A_22 = tpu.vector_load %arg7[%swap3A_21] {strides = array<i32>} : memref<128xf32, #tpu.memory_space<vmem>>, vector<16xf32>,
    %swap3A_23 = vector.shape_cast %swap3A_22 : vector<16xf32> to vector<16xf32>
    %swap3A_24 = vector.shape_cast %broadcast_in_dim3A_20 : vector<16xf32> to vector<16xf32>
    tpu.vector_store %arg7[%swap3A_21], %swap3A_24 {strides = array<i32>} : memref<128xf32, #tpu.memory_space<vmem>>, vector<16xf32>,
    %broadcast_in_dim3A_25 = arith.constant 1.000000e+00 : f32
    %broadcast_in_dim3A_26 = vector.broadcast %broadcast_in_dim3A_25 : f32 to vector<16xf32>
    %swap3A_27 = arith.constant 64 : index
    %swap3A_28 = tpu.vector_load %arg7[%swap3A_27] {strides = array<i32>} : memref<128xf32, #tpu.memory_space<vmem>>, vector<16xf32>,
    %swap3A_29 = vector.shape_cast %swap3A_28 : vector<16xf32> to vector<16xf32>
    %swap3A_30 = vector.shape_cast %broadcast_in_dim3A_26 : vector<16xf32> to vector<16xf32>
    tpu.vector_store %arg7[%swap3A_27], %swap3A_30 {strides = array<i32>} : memref<128xf32, #tpu.memory_space<vmem>>, vector<16xf32>,
    %broadcast_in_dim3A_31 = arith.constant 1.000000e+00 : f32
    %broadcast_in_dim3A_32 = vector.broadcast %broadcast_in_dim3A_31 : f32 to vector<16xf32>
    %swap3A_33 = arith.constant 80 : index
    %swap3A_34 = tpu.vector_load %arg7[%swap3A_33] {strides = array<i32>} : memref<128xf32, #tpu.memory_space<vmem>>, vector<16xf32>,
    %swap3A_35 = vector.shape_cast %swap3A_34 : vector<16xf32> to vector<16xf32>
    %swap3A_36 = vector.shape_cast %broadcast_in_dim3A_32 : vector<16xf32> to vector<16xf32>
    tpu.vector_store %arg7[%swap3A_33], %swap3A_36 {strides = array<i32>} : memref<128xf32, #tpu.memory_space<vmem>>, vector<16xf32>,
    %broadcast_in_dim3A_37 = arith.constant 1.000000e+00 : f32
    %broadcast_in_dim3A_38 = vector.broadcast %broadcast_in_dim3A_37 : f32 to vector<16xf32>
    %swap3A_39 = arith.constant 96 : index
    %swap3A_40 = tpu.vector_load %arg7[%swap3A_39] {strides = array<i32>} : memref<128xf32, #tpu.memory_space<vmem>>, vector<16xf32>,
    %swap3A_41 = vector.shape_cast %swap3A_40 : vector<16xf32> to vector<16xf32>
    %swap3A_42 = vector.shape_cast %broadcast_in_dim3A_38 : vector<16xf32> to vector<16xf32>
    tpu.vector_store %arg7[%swap3A_39], %swap3A_42 {strides = array<i32>} : memref<128xf32, #tpu.memory_space<vmem>>, vector<16xf32>,
    %broadcast_in_dim3A_43 = arith.constant 1.000000e+00 : f32
    %broadcast_in_dim3A_44 = vector.broadcast %broadcast_in_dim3A_43 : f32 to vector<16xf32>
    %swap3A_45 = arith.constant 112 : index
    %swap3A_46 = tpu.vector_load %arg7[%swap3A_45] {strides = array<i32>} : memref<128xf32, #tpu.memory_space<vmem>>, vector<16xf32>,
    %swap3A_47 = vector.shape_cast %swap3A_46 : vector<16xf32> to vector<16xf32>
    %swap3A_48 = vector.shape_cast %broadcast_in_dim3A_44 : vector<16xf32> to vector<16xf32>
    tpu.vector_store %arg7[%swap3A_45], %swap3A_48 {strides = array<i32>} : memref<128xf32, #tpu.memory_space<vmem>>, vector<16xf32>,
    %barrier3A = arith.constant 0 : index
    tpu.barrier barrier_id(%barrier3A)
    "tpu.region"() ({
      %run_scoped3A = tpu.sem_alloc : memref<!tpu.dma_semaphore, #tpu.memory_space<semaphore_mem>>
      %run_scoped3A_57 = tpu.sem_alloc : memref<!tpu.dma_semaphore, #tpu.memory_space<semaphore_mem>>
      %add3A_58 = arith.constant 0 : i32
      %add3A_59 = arith.addi %add3A, %add3A_58 : i32
      "tpu.region"() ({
        %run_scoped3A_78 = tpu.sem_alloc : memref<!tpu.dma_semaphore, #tpu.memory_space<semaphore_mem>>
        %dma_start3A = arith.constant 0 : i32
        %dma_start3A_79 = arith.constant 0 : i32
        %dma_start3A_80 = tpu.memref_slice %arg2[%add3A_59, %dma_start3A, %dma_start3A_79] : memref<2560x2x128xi32, #tpu.memory_space<hbm>> -> memref<1x2x128xi32, #tpu.memory_space<hbm>>
        %dma_start3A_81 = tpu.memref_squeeze %dma_start3A_80 : memref<1x2x128xi32, #tpu.memory_space<hbm>> -> memref<2x128xi32, #tpu.memory_space<hbm>>
        %dma_start3A_82 = arith.constant 0 : i32
        %dma_start3A_83 = arith.constant 0 : i32
        %dma_start3A_84 = tpu.memref_slice %arg2[%add3A_59, %dma_start3A_82, %dma_start3A_83] : memref<2560x2x128xi32, #tpu.memory_space<hbm>> -> memref<1x2x128xi32, #tpu.memory_space<hbm>>
        %dma_start3A_85 = tpu.memref_squeeze %dma_start3A_84 : memref<1x2x128xi32, #tpu.memory_space<hbm>> -> memref<2x128xi32, #tpu.memory_space<hbm>>
        tpu.enqueue_dma source(%dma_start3A_85 : memref<2x128xi32, #tpu.memory_space<hbm>>) target(%arg5 : memref<2x128xi32, #tpu.memory_space<vmem>>) target_semaphore(%run_scoped3A_78 : memref<!tpu.dma_semaphore, #tpu.memory_space<semaphore_mem>>)
        %dma_wait3A_86 = arith.constant 0 : i32
        %dma_wait3A_87 = arith.constant 0 : i32
        %dma_wait3A_88 = tpu.memref_slice %arg2[%add3A_59, %dma_wait3A_86, %dma_wait3A_87] : memref<2560x2x128xi32, #tpu.memory_space<hbm>> -> memref<1x2x128xi32, #tpu.memory_space<hbm>>
        %dma_wait3A_89 = tpu.memref_squeeze %dma_wait3A_88 : memref<1x2x128xi32, #tpu.memory_space<hbm>> -> memref<2x128xi32, #tpu.memory_space<hbm>>
        %dma_wait3A_90 = arith.constant 0 : i32
        %dma_wait3A_91 = arith.constant 0 : i32
        %dma_wait3A_92 = tpu.memref_slice %arg2[%add3A_59, %dma_wait3A_90, %dma_wait3A_91] : memref<2560x2x128xi32, #tpu.memory_space<hbm>> -> memref<1x2x128xi32, #tpu.memory_space<hbm>>
        %dma_wait3A_93 = tpu.memref_squeeze %dma_wait3A_92 : memref<1x2x128xi32, #tpu.memory_space<hbm>> -> memref<2x128xi32, #tpu.memory_space<hbm>>
        tpu.wait_dma2 semaphore(%run_scoped3A_78 : memref<!tpu.dma_semaphore, #tpu.memory_space<semaphore_mem>>) src(%dma_wait3A_93 : memref<2x128xi32, #tpu.memory_space<hbm>>) dst(%arg5 : memref<2x128xi32, #tpu.memory_space<vmem>>)
        tpu.yield
      }) : () -> ()
      %add3A_60 = arith.constant 32 : i32
      %add3A_61 = arith.addi %add3A, %add3A_60 : i32
      "tpu.region"() ({
        %run_scoped3A_78 = tpu.sem_alloc : memref<!tpu.dma_semaphore, #tpu.memory_space<semaphore_mem>>
        %dma_start3A = arith.constant 0 : i32
        %dma_start3A_79 = arith.constant 0 : i32
        %dma_start3A_80 = tpu.memref_slice %arg2[%add3A_61, %dma_start3A, %dma_start3A_79] : memref<2560x2x128xi32, #tpu.memory_space<hbm>> -> memref<1x2x128xi32, #tpu.memory_space<hbm>>
        %dma_start3A_81 = tpu.memref_squeeze %dma_start3A_80 : memref<1x2x128xi32, #tpu.memory_space<hbm>> -> memref<2x128xi32, #tpu.memory_space<hbm>>
        %dma_start3A_82 = arith.constant 0 : i32
        %dma_start3A_83 = arith.constant 0 : i32
        %dma_start3A_84 = tpu.memref_slice %arg2[%add3A_61, %dma_start3A_82, %dma_start3A_83] : memref<2560x2x128xi32, #tpu.memory_space<hbm>> -> memref<1x2x128xi32, #tpu.memory_space<hbm>>
        %dma_start3A_85 = tpu.memref_squeeze %dma_start3A_84 : memref<1x2x128xi32, #tpu.memory_space<hbm>> -> memref<2x128xi32, #tpu.memory_space<hbm>>
        tpu.enqueue_dma source(%dma_start3A_85 : memref<2x128xi32, #tpu.memory_space<hbm>>) target(%arg6 : memref<2x128xi32, #tpu.memory_space<vmem>>) target_semaphore(%run_scoped3A_78 : memref<!tpu.dma_semaphore, #tpu.memory_space<semaphore_mem>>)
        %dma_wait3A_86 = arith.constant 0 : i32
        %dma_wait3A_87 = arith.constant 0 : i32
        %dma_wait3A_88 = tpu.memref_slice %arg2[%add3A_61, %dma_wait3A_86, %dma_wait3A_87] : memref<2560x2x128xi32, #tpu.memory_space<hbm>> -> memref<1x2x128xi32, #tpu.memory_space<hbm>>
        %dma_wait3A_89 = tpu.memref_squeeze %dma_wait3A_88 : memref<1x2x128xi32, #tpu.memory_space<hbm>> -> memref<2x128xi32, #tpu.memory_space<hbm>>
        %dma_wait3A_90 = arith.constant 0 : i32
        %dma_wait3A_91 = arith.constant 0 : i32
        %dma_wait3A_92 = tpu.memref_slice %arg2[%add3A_61, %dma_wait3A_90, %dma_wait3A_91] : memref<2560x2x128xi32, #tpu.memory_space<hbm>> -> memref<1x2x128xi32, #tpu.memory_space<hbm>>
        %dma_wait3A_93 = tpu.memref_squeeze %dma_wait3A_92 : memref<1x2x128xi32, #tpu.memory_space<hbm>> -> memref<2x128xi32, #tpu.memory_space<hbm>>
        tpu.wait_dma2 semaphore(%run_scoped3A_78 : memref<!tpu.dma_semaphore, #tpu.memory_space<semaphore_mem>>) src(%dma_wait3A_93 : memref<2x128xi32, #tpu.memory_space<hbm>>) dst(%arg6 : memref<2x128xi32, #tpu.memory_space<vmem>>)
        tpu.yield
      }) : () -> ()
      %scan3A = arith.constant 0 : i32
      %scan3A_62 = arith.constant 0 : i32
      %scan3A_63 = arith.constant 40 : i32
      %scan3A_64 = arith.addi %scan3A_62, %scan3A_63 : i32
      %scan3A_65 = arith.constant 1 : i32
      scf.for %scan3A_78 = %scan3A_62 to %scan3A_64 step %scan3A_65  : i32 {
        %mul3A_79 = arith.constant 2 : i32
        %mul3A_80 = arith.muli %mul3A_79, %scan3A_78 : i32
        %add3A_81 = arith.constant 0 : i32
        %add3A_82 = arith.addi %mul3A_80, %add3A_81 : i32
        %dma_start3A = arith.constant 1 : i32
        %dma_start3A_83 = arith.constant 0 : i32
        %dma_start3A_84 = tpu.memref_slice %arg5[%dma_start3A, %dma_start3A_83] : memref<2x128xi32, #tpu.memory_space<vmem>> -> memref<1x128xi32, #tpu.memory_space<vmem>>
        %dma_start3A_85 = tpu.memref_squeeze %dma_start3A_84 : memref<1x128xi32, #tpu.memory_space<vmem>> -> memref<128xi32, #tpu.memory_space<vmem>>
        %dma_start3A_86 = arith.constant 0 : i32
        %dma_start3A_87 = tpu.memref_slice %arg8[%dma_start3A_86] : memref<10240xf32, #tpu.memory_space<vmem_shared>> -> memref<10240xf32, #tpu.memory_space<vmem_shared>>
        tpu.enqueue_indirect_dma source(%arg7 : memref<128xf32, #tpu.memory_space<vmem>>) target(%dma_start3A_87 : memref<10240xf32, #tpu.memory_space<vmem_shared>>) offsets(%dma_start3A_85 : memref<128xi32, #tpu.memory_space<vmem>>) semaphore(%run_scoped3A : memref<!tpu.dma_semaphore, #tpu.memory_space<semaphore_mem>>) {add = true}
        %add3A_88 = arith.constant 2 : i32
        %add3A_89 = arith.addi %add3A_82, %add3A_88 : i32
        %lt3A = arith.constant 80 : i32
        %lt3A_90 = arith.cmpi slt, %add3A_89, %lt3A : i32
        %convert_element_type3A = arith.extui %lt3A_90 : i1 to i32
        %cond3A = arith.constant 0 : i32
        %cond3A_91 = arith.cmpi ne, %convert_element_type3A, %cond3A : i32
        scf.if %cond3A_91 {
          %dma_wait3A_109 = arith.constant 1 : i32
          %dma_wait3A_110 = arith.constant 0 : i32
          %dma_wait3A_111 = tpu.memref_slice %arg5[%dma_wait3A_109, %dma_wait3A_110] : memref<2x128xi32, #tpu.memory_space<vmem>> -> memref<1x128xi32, #tpu.memory_space<vmem>>
          %dma_wait3A_112 = tpu.memref_squeeze %dma_wait3A_111 : memref<1x128xi32, #tpu.memory_space<vmem>> -> memref<128xi32, #tpu.memory_space<vmem>>
          %dma_wait3A_113 = arith.constant 0 : i32
          %dma_wait3A_114 = tpu.memref_slice %arg8[%dma_wait3A_113] : memref<10240xf32, #tpu.memory_space<vmem_shared>> -> memref<10240xf32, #tpu.memory_space<vmem_shared>>
          tpu.wait_indirect_dma semaphore(%run_scoped3A : memref<!tpu.dma_semaphore, #tpu.memory_space<semaphore_mem>>) src(%arg7 : memref<128xf32, #tpu.memory_space<vmem>>) dst(%dma_wait3A_114 : memref<10240xf32, #tpu.memory_space<vmem_shared>>)
          %add3A_115 = arith.constant 2 : i32
          %add3A_116 = arith.addi %add3A_82, %add3A_115 : i32
          %mul3A_117 = arith.constant 32 : i32
          %mul3A_118 = arith.muli %add3A_116, %mul3A_117 : i32
          %add3A_119 = arith.addi %add3A, %mul3A_118 : i32
          "tpu.region"() ({
            %run_scoped3A_120 = tpu.sem_alloc : memref<!tpu.dma_semaphore, #tpu.memory_space<semaphore_mem>>
            %dma_start3A_121 = arith.constant 0 : i32
            %dma_start3A_122 = arith.constant 0 : i32
            %dma_start3A_123 = tpu.memref_slice %arg2[%add3A_119, %dma_start3A_121, %dma_start3A_122] : memref<2560x2x128xi32, #tpu.memory_space<hbm>> -> memref<1x2x128xi32, #tpu.memory_space<hbm>>
            %dma_start3A_124 = tpu.memref_squeeze %dma_start3A_123 : memref<1x2x128xi32, #tpu.memory_space<hbm>> -> memref<2x128xi32, #tpu.memory_space<hbm>>
            %dma_start3A_125 = arith.constant 0 : i32
            %dma_start3A_126 = arith.constant 0 : i32
            %dma_start3A_127 = tpu.memref_slice %arg2[%add3A_119, %dma_start3A_125, %dma_start3A_126] : memref<2560x2x128xi32, #tpu.memory_space<hbm>> -> memref<1x2x128xi32, #tpu.memory_space<hbm>>
            %dma_start3A_128 = tpu.memref_squeeze %dma_start3A_127 : memref<1x2x128xi32, #tpu.memory_space<hbm>> -> memref<2x128xi32, #tpu.memory_space<hbm>>
            tpu.enqueue_dma source(%dma_start3A_128 : memref<2x128xi32, #tpu.memory_space<hbm>>) target(%arg5 : memref<2x128xi32, #tpu.memory_space<vmem>>) target_semaphore(%run_scoped3A_120 : memref<!tpu.dma_semaphore, #tpu.memory_space<semaphore_mem>>)
            %dma_wait3A_129 = arith.constant 0 : i32
            %dma_wait3A_130 = arith.constant 0 : i32
            %dma_wait3A_131 = tpu.memref_slice %arg2[%add3A_119, %dma_wait3A_129, %dma_wait3A_130] : memref<2560x2x128xi32, #tpu.memory_space<hbm>> -> memref<1x2x128xi32, #tpu.memory_space<hbm>>
            %dma_wait3A_132 = tpu.memref_squeeze %dma_wait3A_131 : memref<1x2x128xi32, #tpu.memory_space<hbm>> -> memref<2x128xi32, #tpu.memory_space<hbm>>
            %dma_wait3A_133 = arith.constant 0 : i32
            %dma_wait3A_134 = arith.constant 0 : i32
            %dma_wait3A_135 = tpu.memref_slice %arg2[%add3A_119, %dma_wait3A_133, %dma_wait3A_134] : memref<2560x2x128xi32, #tpu.memory_space<hbm>> -> memref<1x2x128xi32, #tpu.memory_space<hbm>>
            %dma_wait3A_136 = tpu.memref_squeeze %dma_wait3A_135 : memref<1x2x128xi32, #tpu.memory_space<hbm>> -> memref<2x128xi32, #tpu.memory_space<hbm>>
            tpu.wait_dma2 semaphore(%run_scoped3A_120 : memref<!tpu.dma_semaphore, #tpu.memory_space<semaphore_mem>>) src(%dma_wait3A_136 : memref<2x128xi32, #tpu.memory_space<hbm>>) dst(%arg5 : memref<2x128xi32, #tpu.memory_space<vmem>>)
            tpu.yield
          }) : () -> ()
        } else {
        }
        %mul3A_92 = arith.constant 2 : i32
        %mul3A_93 = arith.muli %mul3A_92, %scan3A_78 : i32
        %add3A_94 = arith.constant 1 : i32
        %add3A_95 = arith.addi %mul3A_93, %add3A_94 : i32
        %dma_start3A_96 = arith.constant 1 : i32
        %dma_start3A_97 = arith.constant 0 : i32
        %dma_start3A_98 = tpu.memref_slice %arg6[%dma_start3A_96, %dma_start3A_97] : memref<2x128xi32, #tpu.memory_space<vmem>> -> memref<1x128xi32, #tpu.memory_space<vmem>>
        %dma_start3A_99 = tpu.memref_squeeze %dma_start3A_98 : memref<1x128xi32, #tpu.memory_space<vmem>> -> memref<128xi32, #tpu.memory_space<vmem>>
        %dma_start3A_100 = arith.constant 0 : i32
        %dma_start3A_101 = tpu.memref_slice %arg8[%dma_start3A_100] : memref<10240xf32, #tpu.memory_space<vmem_shared>> -> memref<10240xf32, #tpu.memory_space<vmem_shared>>
        tpu.enqueue_indirect_dma source(%arg7 : memref<128xf32, #tpu.memory_space<vmem>>) target(%dma_start3A_101 : memref<10240xf32, #tpu.memory_space<vmem_shared>>) offsets(%dma_start3A_99 : memref<128xi32, #tpu.memory_space<vmem>>) semaphore(%run_scoped3A_57 : memref<!tpu.dma_semaphore, #tpu.memory_space<semaphore_mem>>) {add = true}
        %add3A_102 = arith.constant 2 : i32
        %add3A_103 = arith.addi %add3A_95, %add3A_102 : i32
        %lt3A_104 = arith.constant 80 : i32
        %lt3A_105 = arith.cmpi slt, %add3A_103, %lt3A_104 : i32
        %convert_element_type3A_106 = arith.extui %lt3A_105 : i1 to i32
        %cond3A_107 = arith.constant 0 : i32
        %cond3A_108 = arith.cmpi ne, %convert_element_type3A_106, %cond3A_107 : i32
        scf.if %cond3A_108 {
          %dma_wait3A_109 = arith.constant 1 : i32
          %dma_wait3A_110 = arith.constant 0 : i32
          %dma_wait3A_111 = tpu.memref_slice %arg6[%dma_wait3A_109, %dma_wait3A_110] : memref<2x128xi32, #tpu.memory_space<vmem>> -> memref<1x128xi32, #tpu.memory_space<vmem>>
          %dma_wait3A_112 = tpu.memref_squeeze %dma_wait3A_111 : memref<1x128xi32, #tpu.memory_space<vmem>> -> memref<128xi32, #tpu.memory_space<vmem>>
          %dma_wait3A_113 = arith.constant 0 : i32
          %dma_wait3A_114 = tpu.memref_slice %arg8[%dma_wait3A_113] : memref<10240xf32, #tpu.memory_space<vmem_shared>> -> memref<10240xf32, #tpu.memory_space<vmem_shared>>
          tpu.wait_indirect_dma semaphore(%run_scoped3A_57 : memref<!tpu.dma_semaphore, #tpu.memory_space<semaphore_mem>>) src(%arg7 : memref<128xf32, #tpu.memory_space<vmem>>) dst(%dma_wait3A_114 : memref<10240xf32, #tpu.memory_space<vmem_shared>>)
          %add3A_115 = arith.constant 2 : i32
          %add3A_116 = arith.addi %add3A_95, %add3A_115 : i32
          %mul3A_117 = arith.constant 32 : i32
          %mul3A_118 = arith.muli %add3A_116, %mul3A_117 : i32
          %add3A_119 = arith.addi %add3A, %mul3A_118 : i32
          "tpu.region"() ({
            %run_scoped3A_120 = tpu.sem_alloc : memref<!tpu.dma_semaphore, #tpu.memory_space<semaphore_mem>>
            %dma_start3A_121 = arith.constant 0 : i32
            %dma_start3A_122 = arith.constant 0 : i32
            %dma_start3A_123 = tpu.memref_slice %arg2[%add3A_119, %dma_start3A_121, %dma_start3A_122] : memref<2560x2x128xi32, #tpu.memory_space<hbm>> -> memref<1x2x128xi32, #tpu.memory_space<hbm>>
            %dma_start3A_124 = tpu.memref_squeeze %dma_start3A_123 : memref<1x2x128xi32, #tpu.memory_space<hbm>> -> memref<2x128xi32, #tpu.memory_space<hbm>>
            %dma_start3A_125 = arith.constant 0 : i32
            %dma_start3A_126 = arith.constant 0 : i32
            %dma_start3A_127 = tpu.memref_slice %arg2[%add3A_119, %dma_start3A_125, %dma_start3A_126] : memref<2560x2x128xi32, #tpu.memory_space<hbm>> -> memref<1x2x128xi32, #tpu.memory_space<hbm>>
            %dma_start3A_128 = tpu.memref_squeeze %dma_start3A_127 : memref<1x2x128xi32, #tpu.memory_space<hbm>> -> memref<2x128xi32, #tpu.memory_space<hbm>>
            tpu.enqueue_dma source(%dma_start3A_128 : memref<2x128xi32, #tpu.memory_space<hbm>>) target(%arg6 : memref<2x128xi32, #tpu.memory_space<vmem>>) target_semaphore(%run_scoped3A_120 : memref<!tpu.dma_semaphore, #tpu.memory_space<semaphore_mem>>)
            %dma_wait3A_129 = arith.constant 0 : i32
            %dma_wait3A_130 = arith.constant 0 : i32
            %dma_wait3A_131 = tpu.memref_slice %arg2[%add3A_119, %dma_wait3A_129, %dma_wait3A_130] : memref<2560x2x128xi32, #tpu.memory_space<hbm>> -> memref<1x2x128xi32, #tpu.memory_space<hbm>>
            %dma_wait3A_132 = tpu.memref_squeeze %dma_wait3A_131 : memref<1x2x128xi32, #tpu.memory_space<hbm>> -> memref<2x128xi32, #tpu.memory_space<hbm>>
            %dma_wait3A_133 = arith.constant 0 : i32
            %dma_wait3A_134 = arith.constant 0 : i32
            %dma_wait3A_135 = tpu.memref_slice %arg2[%add3A_119, %dma_wait3A_133, %dma_wait3A_134] : memref<2560x2x128xi32, #tpu.memory_space<hbm>> -> memref<1x2x128xi32, #tpu.memory_space<hbm>>
            %dma_wait3A_136 = tpu.memref_squeeze %dma_wait3A_135 : memref<1x2x128xi32, #tpu.memory_space<hbm>> -> memref<2x128xi32, #tpu.memory_space<hbm>>
            tpu.wait_dma2 semaphore(%run_scoped3A_120 : memref<!tpu.dma_semaphore, #tpu.memory_space<semaphore_mem>>) src(%dma_wait3A_136 : memref<2x128xi32, #tpu.memory_space<hbm>>) dst(%arg6 : memref<2x128xi32, #tpu.memory_space<vmem>>)
            tpu.yield
          }) : () -> ()
        } else {
        }
      }
      %scan3A_66 = arith.constant 40 : i32
      %dma_wait3A = arith.constant 1 : i32
      %dma_wait3A_67 = arith.constant 0 : i32
      %dma_wait3A_68 = tpu.memref_slice %arg5[%dma_wait3A, %dma_wait3A_67] : memref<2x128xi32, #tpu.memory_space<vmem>> -> memref<1x128xi32, #tpu.memory_space<vmem>>
      %dma_wait3A_69 = tpu.memref_squeeze %dma_wait3A_68 : memref<1x128xi32, #tpu.memory_space<vmem>> -> memref<128xi32, #tpu.memory_space<vmem>>
      %dma_wait3A_70 = arith.constant 0 : i32
      %dma_wait3A_71 = tpu.memref_slice %arg8[%dma_wait3A_70] : memref<10240xf32, #tpu.memory_space<vmem_shared>> -> memref<10240xf32, #tpu.memory_space<vmem_shared>>
      tpu.wait_indirect_dma semaphore(%run_scoped3A : memref<!tpu.dma_semaphore, #tpu.memory_space<semaphore_mem>>) src(%arg7 : memref<128xf32, #tpu.memory_space<vmem>>) dst(%dma_wait3A_71 : memref<10240xf32, #tpu.memory_space<vmem_shared>>)
      %dma_wait3A_72 = arith.constant 1 : i32
      %dma_wait3A_73 = arith.constant 0 : i32
      %dma_wait3A_74 = tpu.memref_slice %arg6[%dma_wait3A_72, %dma_wait3A_73] : memref<2x128xi32, #tpu.memory_space<vmem>> -> memref<1x128xi32, #tpu.memory_space<vmem>>
      %dma_wait3A_75 = tpu.memref_squeeze %dma_wait3A_74 : memref<1x128xi32, #tpu.memory_space<vmem>> -> memref<128xi32, #tpu.memory_space<vmem>>
      %dma_wait3A_76 = arith.constant 0 : i32
      %dma_wait3A_77 = tpu.memref_slice %arg8[%dma_wait3A_76] : memref<10240xf32, #tpu.memory_space<vmem_shared>> -> memref<10240xf32, #tpu.memory_space<vmem_shared>>
      tpu.wait_indirect_dma semaphore(%run_scoped3A_57 : memref<!tpu.dma_semaphore, #tpu.memory_space<semaphore_mem>>) src(%arg7 : memref<128xf32, #tpu.memory_space<vmem>>) dst(%dma_wait3A_77 : memref<10240xf32, #tpu.memory_space<vmem_shared>>)
      tpu.yield
    }) : () -> ()
    %barrier3A_49 = arith.constant 0 : index
    tpu.barrier barrier_id(%barrier3A_49)
    %mul3A_50 = arith.constant 640 : i32
    %mul3A_51 = arith.muli %arg1, %mul3A_50 : i32
    %mul3A_52 = arith.constant 10240 : i32
    %mul3A_53 = arith.muli %arg0, %mul3A_52 : i32
    %mul3A_54 = arith.constant 640 : i32
    %mul3A_55 = arith.muli %arg1, %mul3A_54 : i32
    %add3A_56 = arith.addi %mul3A_53, %mul3A_55 : i32
    "tpu.region"() ({
      %run_scoped3A = tpu.sem_alloc : memref<!tpu.dma_semaphore, #tpu.memory_space<semaphore_mem>>
      %dma_start3A = tpu.memref_slice %arg4[%add3A_56] : memref<20480xf32, #tpu.memory_space<hbm>> -> memref<640xf32, #tpu.memory_space<hbm>>
      %dma_start3A_57 = tpu.memref_slice %arg8[%mul3A_51] : memref<10240xf32, #tpu.memory_space<vmem_shared>> -> memref<640xf32, #tpu.memory_space<vmem_shared>>
      tpu.enqueue_dma source(%dma_start3A_57 : memref<640xf32, #tpu.memory_space<vmem_shared>>) target(%dma_start3A : memref<640xf32, #tpu.memory_space<hbm>>) target_semaphore(%run_scoped3A : memref<!tpu.dma_semaphore, #tpu.memory_space<semaphore_mem>>)
      %dma_wait3A = tpu.memref_slice %arg4[%add3A_56] : memref<20480xf32, #tpu.memory_space<hbm>> -> memref<640xf32, #tpu.memory_space<hbm>>
      %dma_wait3A_58 = tpu.memref_slice %arg8[%mul3A_51] : memref<10240xf32, #tpu.memory_space<vmem_shared>> -> memref<640xf32, #tpu.memory_space<vmem_shared>>
      tpu.wait_dma2 semaphore(%run_scoped3A : memref<!tpu.dma_semaphore, #tpu.memory_space<semaphore_mem>>) src(%dma_wait3A_58 : memref<640xf32, #tpu.memory_space<vmem_shared>>) dst(%dma_wait3A : memref<640xf32, #tpu.memory_space<hbm>>)
      tpu.yield
    }) : () -> ()
    return
  }
}

#map = affine_map<(d0, d1) -> (0, 0)>
#map1 = affine_map<(d0, d1) -> (0, 0, 0)>
module attributes {stable_mosaic.version = 14 : i64} {
  func.func @mp_kernel(%arg0: i32, %arg1: i32, %arg2: memref<10000x128xf32, #tpu.memory_space<hbm>>, %arg3: memref<2560x2x128xi32, #tpu.memory_space<hbm>>, %arg4: memref<640x128xf32, #tpu.memory_space<hbm>>, %arg5: memref<2x10240x128xf32, #tpu.memory_space<hbm>>, %arg6: memref<2x128xi32, #tpu.memory_space<vmem>>, %arg7: memref<2x128xi32, #tpu.memory_space<vmem>>, %arg8: memref<128x128xf32, #tpu.memory_space<vmem>>, %arg9: memref<128x128xf32, #tpu.memory_space<vmem>>, %arg10: memref<10240x128xf32, #tpu.memory_space<vmem_shared>>) attributes {dimension_semantics = [#tpu.dimension_semantics<core_parallel>, #tpu.dimension_semantics<subcore_parallel>], iteration_bounds = array<i64: 2, 16>, scalar_prefetch = 0 : i64, scratch_operands = 5 : i64, tpu.core_type = #tpu.core_type<sc_vector_subcore>, window_params = [{transform_indices = #map}, {transform_indices = #map1}, {transform_indices = #map}, {transform_indices = #map1}]} {
    %mul3A = arith.constant 2 : i32
    %mul3A_0 = arith.muli %arg1, %mul3A : i32
    %add3A = arith.addi %mul3A_0, %arg0 : i32
    %mul3A_1 = arith.constant 640 : i32
    %mul3A_2 = arith.muli %arg1, %mul3A_1 : i32
    "tpu.region"() ({
      %run_scoped3A = tpu.sem_alloc : memref<!tpu.dma_semaphore, #tpu.memory_space<semaphore_mem>>
      %dma_start3A = arith.constant 0 : i32
      %dma_start3A_8 = tpu.memref_slice %arg10[%mul3A_2, %dma_start3A] : memref<10240x128xf32, #tpu.memory_space<vmem_shared>> -> memref<640x128xf32, #tpu.memory_space<vmem_shared>>
      tpu.enqueue_dma source(%arg4 : memref<640x128xf32, #tpu.memory_space<hbm>>) target(%dma_start3A_8 : memref<640x128xf32, #tpu.memory_space<vmem_shared>>) target_semaphore(%run_scoped3A : memref<!tpu.dma_semaphore, #tpu.memory_space<semaphore_mem>>)
      %dma_wait3A = arith.constant 0 : i32
      %dma_wait3A_9 = tpu.memref_slice %arg10[%mul3A_2, %dma_wait3A] : memref<10240x128xf32, #tpu.memory_space<vmem_shared>> -> memref<640x128xf32, #tpu.memory_space<vmem_shared>>
      tpu.wait_dma2 semaphore(%run_scoped3A : memref<!tpu.dma_semaphore, #tpu.memory_space<semaphore_mem>>) src(%arg4 : memref<640x128xf32, #tpu.memory_space<hbm>>) dst(%dma_wait3A_9 : memref<640x128xf32, #tpu.memory_space<vmem_shared>>)
      tpu.yield
    }) : () -> ()
    %barrier3A = arith.constant 0 : index
    tpu.barrier barrier_id(%barrier3A)
    "tpu.region"() ({
      %run_scoped3A = tpu.sem_alloc : memref<!tpu.dma_semaphore, #tpu.memory_space<semaphore_mem>>
      %run_scoped3A_8 = tpu.sem_alloc : memref<!tpu.dma_semaphore, #tpu.memory_space<semaphore_mem>>
      %run_scoped3A_9 = tpu.sem_alloc : memref<!tpu.dma_semaphore, #tpu.memory_space<semaphore_mem>>
      %run_scoped3A_10 = tpu.sem_alloc : memref<!tpu.dma_semaphore, #tpu.memory_space<semaphore_mem>>
      %add3A_11 = arith.constant 0 : i32
      %add3A_12 = arith.addi %add3A, %add3A_11 : i32
      "tpu.region"() ({
        %run_scoped3A_46 = tpu.sem_alloc : memref<!tpu.dma_semaphore, #tpu.memory_space<semaphore_mem>>
        %dma_start3A_47 = arith.constant 0 : i32
        %dma_start3A_48 = arith.constant 0 : i32
        %dma_start3A_49 = tpu.memref_slice %arg3[%add3A_12, %dma_start3A_47, %dma_start3A_48] : memref<2560x2x128xi32, #tpu.memory_space<hbm>> -> memref<1x2x128xi32, #tpu.memory_space<hbm>>
        %dma_start3A_50 = tpu.memref_squeeze %dma_start3A_49 : memref<1x2x128xi32, #tpu.memory_space<hbm>> -> memref<2x128xi32, #tpu.memory_space<hbm>>
        %dma_start3A_51 = arith.constant 0 : i32
        %dma_start3A_52 = arith.constant 0 : i32
        %dma_start3A_53 = tpu.memref_slice %arg3[%add3A_12, %dma_start3A_51, %dma_start3A_52] : memref<2560x2x128xi32, #tpu.memory_space<hbm>> -> memref<1x2x128xi32, #tpu.memory_space<hbm>>
        %dma_start3A_54 = tpu.memref_squeeze %dma_start3A_53 : memref<1x2x128xi32, #tpu.memory_space<hbm>> -> memref<2x128xi32, #tpu.memory_space<hbm>>
        tpu.enqueue_dma source(%dma_start3A_54 : memref<2x128xi32, #tpu.memory_space<hbm>>) target(%arg6 : memref<2x128xi32, #tpu.memory_space<vmem>>) target_semaphore(%run_scoped3A_46 : memref<!tpu.dma_semaphore, #tpu.memory_space<semaphore_mem>>)
        %dma_wait3A_55 = arith.constant 0 : i32
        %dma_wait3A_56 = arith.constant 0 : i32
        %dma_wait3A_57 = tpu.memref_slice %arg3[%add3A_12, %dma_wait3A_55, %dma_wait3A_56] : memref<2560x2x128xi32, #tpu.memory_space<hbm>> -> memref<1x2x128xi32, #tpu.memory_space<hbm>>
        %dma_wait3A_58 = tpu.memref_squeeze %dma_wait3A_57 : memref<1x2x128xi32, #tpu.memory_space<hbm>> -> memref<2x128xi32, #tpu.memory_space<hbm>>
        %dma_wait3A_59 = arith.constant 0 : i32
        %dma_wait3A_60 = arith.constant 0 : i32
        %dma_wait3A_61 = tpu.memref_slice %arg3[%add3A_12, %dma_wait3A_59, %dma_wait3A_60] : memref<2560x2x128xi32, #tpu.memory_space<hbm>> -> memref<1x2x128xi32, #tpu.memory_space<hbm>>
        %dma_wait3A_62 = tpu.memref_squeeze %dma_wait3A_61 : memref<1x2x128xi32, #tpu.memory_space<hbm>> -> memref<2x128xi32, #tpu.memory_space<hbm>>
        tpu.wait_dma2 semaphore(%run_scoped3A_46 : memref<!tpu.dma_semaphore, #tpu.memory_space<semaphore_mem>>) src(%dma_wait3A_62 : memref<2x128xi32, #tpu.memory_space<hbm>>) dst(%arg6 : memref<2x128xi32, #tpu.memory_space<vmem>>)
        tpu.yield
      }) : () -> ()
      %dma_start3A = arith.constant 0 : i32
      %dma_start3A_13 = arith.constant 0 : i32
      %dma_start3A_14 = tpu.memref_slice %arg6[%dma_start3A, %dma_start3A_13] : memref<2x128xi32, #tpu.memory_space<vmem>> -> memref<1x128xi32, #tpu.memory_space<vmem>>
      %dma_start3A_15 = tpu.memref_squeeze %dma_start3A_14 : memref<1x128xi32, #tpu.memory_space<vmem>> -> memref<128xi32, #tpu.memory_space<vmem>>
      %dma_start3A_16 = arith.constant 0 : i32
      %dma_start3A_17 = arith.constant 0 : i32
      %dma_start3A_18 = tpu.memref_slice %arg2[%dma_start3A_16, %dma_start3A_17] : memref<10000x128xf32, #tpu.memory_space<hbm>> -> memref<10000x128xf32, #tpu.memory_space<hbm>>
      tpu.enqueue_indirect_dma source(%dma_start3A_18 : memref<10000x128xf32, #tpu.memory_space<hbm>>) target(%arg8 : memref<128x128xf32, #tpu.memory_space<vmem>>) offsets(%dma_start3A_15 : memref<128xi32, #tpu.memory_space<vmem>>) semaphore(%run_scoped3A : memref<!tpu.dma_semaphore, #tpu.memory_space<semaphore_mem>>)
      %add3A_19 = arith.constant 32 : i32
      %add3A_20 = arith.addi %add3A, %add3A_19 : i32
      "tpu.region"() ({
        %run_scoped3A_46 = tpu.sem_alloc : memref<!tpu.dma_semaphore, #tpu.memory_space<semaphore_mem>>
        %dma_start3A_47 = arith.constant 0 : i32
        %dma_start3A_48 = arith.constant 0 : i32
        %dma_start3A_49 = tpu.memref_slice %arg3[%add3A_20, %dma_start3A_47, %dma_start3A_48] : memref<2560x2x128xi32, #tpu.memory_space<hbm>> -> memref<1x2x128xi32, #tpu.memory_space<hbm>>
        %dma_start3A_50 = tpu.memref_squeeze %dma_start3A_49 : memref<1x2x128xi32, #tpu.memory_space<hbm>> -> memref<2x128xi32, #tpu.memory_space<hbm>>
        %dma_start3A_51 = arith.constant 0 : i32
        %dma_start3A_52 = arith.constant 0 : i32
        %dma_start3A_53 = tpu.memref_slice %arg3[%add3A_20, %dma_start3A_51, %dma_start3A_52] : memref<2560x2x128xi32, #tpu.memory_space<hbm>> -> memref<1x2x128xi32, #tpu.memory_space<hbm>>
        %dma_start3A_54 = tpu.memref_squeeze %dma_start3A_53 : memref<1x2x128xi32, #tpu.memory_space<hbm>> -> memref<2x128xi32, #tpu.memory_space<hbm>>
        tpu.enqueue_dma source(%dma_start3A_54 : memref<2x128xi32, #tpu.memory_space<hbm>>) target(%arg7 : memref<2x128xi32, #tpu.memory_space<vmem>>) target_semaphore(%run_scoped3A_46 : memref<!tpu.dma_semaphore, #tpu.memory_space<semaphore_mem>>)
        %dma_wait3A_55 = arith.constant 0 : i32
        %dma_wait3A_56 = arith.constant 0 : i32
        %dma_wait3A_57 = tpu.memref_slice %arg3[%add3A_20, %dma_wait3A_55, %dma_wait3A_56] : memref<2560x2x128xi32, #tpu.memory_space<hbm>> -> memref<1x2x128xi32, #tpu.memory_space<hbm>>
        %dma_wait3A_58 = tpu.memref_squeeze %dma_wait3A_57 : memref<1x2x128xi32, #tpu.memory_space<hbm>> -> memref<2x128xi32, #tpu.memory_space<hbm>>
        %dma_wait3A_59 = arith.constant 0 : i32
        %dma_wait3A_60 = arith.constant 0 : i32
        %dma_wait3A_61 = tpu.memref_slice %arg3[%add3A_20, %dma_wait3A_59, %dma_wait3A_60] : memref<2560x2x128xi32, #tpu.memory_space<hbm>> -> memref<1x2x128xi32, #tpu.memory_space<hbm>>
        %dma_wait3A_62 = tpu.memref_squeeze %dma_wait3A_61 : memref<1x2x128xi32, #tpu.memory_space<hbm>> -> memref<2x128xi32, #tpu.memory_space<hbm>>
        tpu.wait_dma2 semaphore(%run_scoped3A_46 : memref<!tpu.dma_semaphore, #tpu.memory_space<semaphore_mem>>) src(%dma_wait3A_62 : memref<2x128xi32, #tpu.memory_space<hbm>>) dst(%arg7 : memref<2x128xi32, #tpu.memory_space<vmem>>)
        tpu.yield
      }) : () -> ()
      %dma_start3A_21 = arith.constant 0 : i32
      %dma_start3A_22 = arith.constant 0 : i32
      %dma_start3A_23 = tpu.memref_slice %arg7[%dma_start3A_21, %dma_start3A_22] : memref<2x128xi32, #tpu.memory_space<vmem>> -> memref<1x128xi32, #tpu.memory_space<vmem>>
      %dma_start3A_24 = tpu.memref_squeeze %dma_start3A_23 : memref<1x128xi32, #tpu.memory_space<vmem>> -> memref<128xi32, #tpu.memory_space<vmem>>
      %dma_start3A_25 = arith.constant 0 : i32
      %dma_start3A_26 = arith.constant 0 : i32
      %dma_start3A_27 = tpu.memref_slice %arg2[%dma_start3A_25, %dma_start3A_26] : memref<10000x128xf32, #tpu.memory_space<hbm>> -> memref<10000x128xf32, #tpu.memory_space<hbm>>
      tpu.enqueue_indirect_dma source(%dma_start3A_27 : memref<10000x128xf32, #tpu.memory_space<hbm>>) target(%arg9 : memref<128x128xf32, #tpu.memory_space<vmem>>) offsets(%dma_start3A_24 : memref<128xi32, #tpu.memory_space<vmem>>) semaphore(%run_scoped3A_8 : memref<!tpu.dma_semaphore, #tpu.memory_space<semaphore_mem>>)
      %scan3A = arith.constant 0 : i32
      %scan3A_28 = arith.constant 0 : i32
      %scan3A_29 = arith.constant 40 : i32
      %scan3A_30 = arith.addi %scan3A_28, %scan3A_29 : i32
      %scan3A_31 = arith.constant 1 : i32
      scf.for %scan3A_46 = %scan3A_28 to %scan3A_30 step %scan3A_31  : i32 {
        %mul3A_47 = arith.constant 2 : i32
        %mul3A_48 = arith.muli %mul3A_47, %scan3A_46 : i32
        %add3A_49 = arith.constant 0 : i32
        %add3A_50 = arith.addi %mul3A_48, %add3A_49 : i32
        %dma_wait3A_51 = arith.constant 0 : i32
        %dma_wait3A_52 = arith.constant 0 : i32
        %dma_wait3A_53 = tpu.memref_slice %arg6[%dma_wait3A_51, %dma_wait3A_52] : memref<2x128xi32, #tpu.memory_space<vmem>> -> memref<1x128xi32, #tpu.memory_space<vmem>>
        %dma_wait3A_54 = tpu.memref_squeeze %dma_wait3A_53 : memref<1x128xi32, #tpu.memory_space<vmem>> -> memref<128xi32, #tpu.memory_space<vmem>>
        %dma_wait3A_55 = arith.constant 0 : i32
        %dma_wait3A_56 = arith.constant 0 : i32
        %dma_wait3A_57 = tpu.memref_slice %arg2[%dma_wait3A_55, %dma_wait3A_56] : memref<10000x128xf32, #tpu.memory_space<hbm>> -> memref<10000x128xf32, #tpu.memory_space<hbm>>
        tpu.wait_indirect_dma semaphore(%run_scoped3A : memref<!tpu.dma_semaphore, #tpu.memory_space<semaphore_mem>>) src(%dma_wait3A_57 : memref<10000x128xf32, #tpu.memory_space<hbm>>) dst(%arg8 : memref<128x128xf32, #tpu.memory_space<vmem>>)
        %dma_start3A_58 = arith.constant 1 : i32
        %dma_start3A_59 = arith.constant 0 : i32
        %dma_start3A_60 = tpu.memref_slice %arg6[%dma_start3A_58, %dma_start3A_59] : memref<2x128xi32, #tpu.memory_space<vmem>> -> memref<1x128xi32, #tpu.memory_space<vmem>>
        %dma_start3A_61 = tpu.memref_squeeze %dma_start3A_60 : memref<1x128xi32, #tpu.memory_space<vmem>> -> memref<128xi32, #tpu.memory_space<vmem>>
        %dma_start3A_62 = arith.constant 0 : i32
        %dma_start3A_63 = arith.constant 0 : i32
        %dma_start3A_64 = tpu.memref_slice %arg10[%dma_start3A_62, %dma_start3A_63] : memref<10240x128xf32, #tpu.memory_space<vmem_shared>> -> memref<10240x128xf32, #tpu.memory_space<vmem_shared>>
        tpu.enqueue_indirect_dma source(%arg8 : memref<128x128xf32, #tpu.memory_space<vmem>>) target(%dma_start3A_64 : memref<10240x128xf32, #tpu.memory_space<vmem_shared>>) offsets(%dma_start3A_61 : memref<128xi32, #tpu.memory_space<vmem>>) semaphore(%run_scoped3A_9 : memref<!tpu.dma_semaphore, #tpu.memory_space<semaphore_mem>>) {add = true}
        %add3A_65 = arith.constant 2 : i32
        %add3A_66 = arith.addi %add3A_50, %add3A_65 : i32
        %lt3A = arith.constant 80 : i32
        %lt3A_67 = arith.cmpi slt, %add3A_66, %lt3A : i32
        %convert_element_type3A = arith.extui %lt3A_67 : i1 to i32
        %cond3A = arith.constant 0 : i32
        %cond3A_68 = arith.cmpi ne, %convert_element_type3A, %cond3A : i32
        scf.if %cond3A_68 {
          %dma_wait3A_94 = arith.constant 1 : i32
          %dma_wait3A_95 = arith.constant 0 : i32
          %dma_wait3A_96 = tpu.memref_slice %arg6[%dma_wait3A_94, %dma_wait3A_95] : memref<2x128xi32, #tpu.memory_space<vmem>> -> memref<1x128xi32, #tpu.memory_space<vmem>>
          %dma_wait3A_97 = tpu.memref_squeeze %dma_wait3A_96 : memref<1x128xi32, #tpu.memory_space<vmem>> -> memref<128xi32, #tpu.memory_space<vmem>>
          %dma_wait3A_98 = arith.constant 0 : i32
          %dma_wait3A_99 = arith.constant 0 : i32
          %dma_wait3A_100 = tpu.memref_slice %arg10[%dma_wait3A_98, %dma_wait3A_99] : memref<10240x128xf32, #tpu.memory_space<vmem_shared>> -> memref<10240x128xf32, #tpu.memory_space<vmem_shared>>
          tpu.wait_indirect_dma semaphore(%run_scoped3A_9 : memref<!tpu.dma_semaphore, #tpu.memory_space<semaphore_mem>>) src(%arg8 : memref<128x128xf32, #tpu.memory_space<vmem>>) dst(%dma_wait3A_100 : memref<10240x128xf32, #tpu.memory_space<vmem_shared>>)
          %add3A_101 = arith.constant 2 : i32
          %add3A_102 = arith.addi %add3A_50, %add3A_101 : i32
          %mul3A_103 = arith.constant 32 : i32
          %mul3A_104 = arith.muli %add3A_102, %mul3A_103 : i32
          %add3A_105 = arith.addi %add3A, %mul3A_104 : i32
          "tpu.region"() ({
            %run_scoped3A_113 = tpu.sem_alloc : memref<!tpu.dma_semaphore, #tpu.memory_space<semaphore_mem>>
            %dma_start3A_114 = arith.constant 0 : i32
            %dma_start3A_115 = arith.constant 0 : i32
            %dma_start3A_116 = tpu.memref_slice %arg3[%add3A_105, %dma_start3A_114, %dma_start3A_115] : memref<2560x2x128xi32, #tpu.memory_space<hbm>> -> memref<1x2x128xi32, #tpu.memory_space<hbm>>
            %dma_start3A_117 = tpu.memref_squeeze %dma_start3A_116 : memref<1x2x128xi32, #tpu.memory_space<hbm>> -> memref<2x128xi32, #tpu.memory_space<hbm>>
            %dma_start3A_118 = arith.constant 0 : i32
            %dma_start3A_119 = arith.constant 0 : i32
            %dma_start3A_120 = tpu.memref_slice %arg3[%add3A_105, %dma_start3A_118, %dma_start3A_119] : memref<2560x2x128xi32, #tpu.memory_space<hbm>> -> memref<1x2x128xi32, #tpu.memory_space<hbm>>
            %dma_start3A_121 = tpu.memref_squeeze %dma_start3A_120 : memref<1x2x128xi32, #tpu.memory_space<hbm>> -> memref<2x128xi32, #tpu.memory_space<hbm>>
            tpu.enqueue_dma source(%dma_start3A_121 : memref<2x128xi32, #tpu.memory_space<hbm>>) target(%arg6 : memref<2x128xi32, #tpu.memory_space<vmem>>) target_semaphore(%run_scoped3A_113 : memref<!tpu.dma_semaphore, #tpu.memory_space<semaphore_mem>>)
            %dma_wait3A_122 = arith.constant 0 : i32
            %dma_wait3A_123 = arith.constant 0 : i32
            %dma_wait3A_124 = tpu.memref_slice %arg3[%add3A_105, %dma_wait3A_122, %dma_wait3A_123] : memref<2560x2x128xi32, #tpu.memory_space<hbm>> -> memref<1x2x128xi32, #tpu.memory_space<hbm>>
            %dma_wait3A_125 = tpu.memref_squeeze %dma_wait3A_124 : memref<1x2x128xi32, #tpu.memory_space<hbm>> -> memref<2x128xi32, #tpu.memory_space<hbm>>
            %dma_wait3A_126 = arith.constant 0 : i32
            %dma_wait3A_127 = arith.constant 0 : i32
            %dma_wait3A_128 = tpu.memref_slice %arg3[%add3A_105, %dma_wait3A_126, %dma_wait3A_127] : memref<2560x2x128xi32, #tpu.memory_space<hbm>> -> memref<1x2x128xi32, #tpu.memory_space<hbm>>
            %dma_wait3A_129 = tpu.memref_squeeze %dma_wait3A_128 : memref<1x2x128xi32, #tpu.memory_space<hbm>> -> memref<2x128xi32, #tpu.memory_space<hbm>>
            tpu.wait_dma2 semaphore(%run_scoped3A_113 : memref<!tpu.dma_semaphore, #tpu.memory_space<semaphore_mem>>) src(%dma_wait3A_129 : memref<2x128xi32, #tpu.memory_space<hbm>>) dst(%arg6 : memref<2x128xi32, #tpu.memory_space<vmem>>)
            tpu.yield
          }) : () -> ()
          %dma_start3A_106 = arith.constant 0 : i32
          %dma_start3A_107 = arith.constant 0 : i32
          %dma_start3A_108 = tpu.memref_slice %arg6[%dma_start3A_106, %dma_start3A_107] : memref<2x128xi32, #tpu.memory_space<vmem>> -> memref<1x128xi32, #tpu.memory_space<vmem>>
          %dma_start3A_109 = tpu.memref_squeeze %dma_start3A_108 : memref<1x128xi32, #tpu.memory_space<vmem>> -> memref<128xi32, #tpu.memory_space<vmem>>
          %dma_start3A_110 = arith.constant 0 : i32
          %dma_start3A_111 = arith.constant 0 : i32
          %dma_start3A_112 = tpu.memref_slice %arg2[%dma_start3A_110, %dma_start3A_111] : memref<10000x128xf32, #tpu.memory_space<hbm>> -> memref<10000x128xf32, #tpu.memory_space<hbm>>
          tpu.enqueue_indirect_dma source(%dma_start3A_112 : memref<10000x128xf32, #tpu.memory_space<hbm>>) target(%arg8 : memref<128x128xf32, #tpu.memory_space<vmem>>) offsets(%dma_start3A_109 : memref<128xi32, #tpu.memory_space<vmem>>) semaphore(%run_scoped3A : memref<!tpu.dma_semaphore, #tpu.memory_space<semaphore_mem>>)
        } else {
        }
        %mul3A_69 = arith.constant 2 : i32
        %mul3A_70 = arith.muli %mul3A_69, %scan3A_46 : i32
        %add3A_71 = arith.constant 1 : i32
        %add3A_72 = arith.addi %mul3A_70, %add3A_71 : i32
        %dma_wait3A_73 = arith.constant 0 : i32
        %dma_wait3A_74 = arith.constant 0 : i32
        %dma_wait3A_75 = tpu.memref_slice %arg7[%dma_wait3A_73, %dma_wait3A_74] : memref<2x128xi32, #tpu.memory_space<vmem>> -> memref<1x128xi32, #tpu.memory_space<vmem>>
        %dma_wait3A_76 = tpu.memref_squeeze %dma_wait3A_75 : memref<1x128xi32, #tpu.memory_space<vmem>> -> memref<128xi32, #tpu.memory_space<vmem>>
        %dma_wait3A_77 = arith.constant 0 : i32
        %dma_wait3A_78 = arith.constant 0 : i32
        %dma_wait3A_79 = tpu.memref_slice %arg2[%dma_wait3A_77, %dma_wait3A_78] : memref<10000x128xf32, #tpu.memory_space<hbm>> -> memref<10000x128xf32, #tpu.memory_space<hbm>>
        tpu.wait_indirect_dma semaphore(%run_scoped3A_8 : memref<!tpu.dma_semaphore, #tpu.memory_space<semaphore_mem>>) src(%dma_wait3A_79 : memref<10000x128xf32, #tpu.memory_space<hbm>>) dst(%arg9 : memref<128x128xf32, #tpu.memory_space<vmem>>)
        %dma_start3A_80 = arith.constant 1 : i32
        %dma_start3A_81 = arith.constant 0 : i32
        %dma_start3A_82 = tpu.memref_slice %arg7[%dma_start3A_80, %dma_start3A_81] : memref<2x128xi32, #tpu.memory_space<vmem>> -> memref<1x128xi32, #tpu.memory_space<vmem>>
        %dma_start3A_83 = tpu.memref_squeeze %dma_start3A_82 : memref<1x128xi32, #tpu.memory_space<vmem>> -> memref<128xi32, #tpu.memory_space<vmem>>
        %dma_start3A_84 = arith.constant 0 : i32
        %dma_start3A_85 = arith.constant 0 : i32
        %dma_start3A_86 = tpu.memref_slice %arg10[%dma_start3A_84, %dma_start3A_85] : memref<10240x128xf32, #tpu.memory_space<vmem_shared>> -> memref<10240x128xf32, #tpu.memory_space<vmem_shared>>
        tpu.enqueue_indirect_dma source(%arg9 : memref<128x128xf32, #tpu.memory_space<vmem>>) target(%dma_start3A_86 : memref<10240x128xf32, #tpu.memory_space<vmem_shared>>) offsets(%dma_start3A_83 : memref<128xi32, #tpu.memory_space<vmem>>) semaphore(%run_scoped3A_10 : memref<!tpu.dma_semaphore, #tpu.memory_space<semaphore_mem>>) {add = true}
        %add3A_87 = arith.constant 2 : i32
        %add3A_88 = arith.addi %add3A_72, %add3A_87 : i32
        %lt3A_89 = arith.constant 80 : i32
        %lt3A_90 = arith.cmpi slt, %add3A_88, %lt3A_89 : i32
        %convert_element_type3A_91 = arith.extui %lt3A_90 : i1 to i32
        %cond3A_92 = arith.constant 0 : i32
        %cond3A_93 = arith.cmpi ne, %convert_element_type3A_91, %cond3A_92 : i32
        scf.if %cond3A_93 {
          %dma_wait3A_94 = arith.constant 1 : i32
          %dma_wait3A_95 = arith.constant 0 : i32
          %dma_wait3A_96 = tpu.memref_slice %arg7[%dma_wait3A_94, %dma_wait3A_95] : memref<2x128xi32, #tpu.memory_space<vmem>> -> memref<1x128xi32, #tpu.memory_space<vmem>>
          %dma_wait3A_97 = tpu.memref_squeeze %dma_wait3A_96 : memref<1x128xi32, #tpu.memory_space<vmem>> -> memref<128xi32, #tpu.memory_space<vmem>>
          %dma_wait3A_98 = arith.constant 0 : i32
          %dma_wait3A_99 = arith.constant 0 : i32
          %dma_wait3A_100 = tpu.memref_slice %arg10[%dma_wait3A_98, %dma_wait3A_99] : memref<10240x128xf32, #tpu.memory_space<vmem_shared>> -> memref<10240x128xf32, #tpu.memory_space<vmem_shared>>
          tpu.wait_indirect_dma semaphore(%run_scoped3A_10 : memref<!tpu.dma_semaphore, #tpu.memory_space<semaphore_mem>>) src(%arg9 : memref<128x128xf32, #tpu.memory_space<vmem>>) dst(%dma_wait3A_100 : memref<10240x128xf32, #tpu.memory_space<vmem_shared>>)
          %add3A_101 = arith.constant 2 : i32
          %add3A_102 = arith.addi %add3A_72, %add3A_101 : i32
          %mul3A_103 = arith.constant 32 : i32
          %mul3A_104 = arith.muli %add3A_102, %mul3A_103 : i32
          %add3A_105 = arith.addi %add3A, %mul3A_104 : i32
          "tpu.region"() ({
            %run_scoped3A_113 = tpu.sem_alloc : memref<!tpu.dma_semaphore, #tpu.memory_space<semaphore_mem>>
            %dma_start3A_114 = arith.constant 0 : i32
            %dma_start3A_115 = arith.constant 0 : i32
            %dma_start3A_116 = tpu.memref_slice %arg3[%add3A_105, %dma_start3A_114, %dma_start3A_115] : memref<2560x2x128xi32, #tpu.memory_space<hbm>> -> memref<1x2x128xi32, #tpu.memory_space<hbm>>
            %dma_start3A_117 = tpu.memref_squeeze %dma_start3A_116 : memref<1x2x128xi32, #tpu.memory_space<hbm>> -> memref<2x128xi32, #tpu.memory_space<hbm>>
            %dma_start3A_118 = arith.constant 0 : i32
            %dma_start3A_119 = arith.constant 0 : i32
            %dma_start3A_120 = tpu.memref_slice %arg3[%add3A_105, %dma_start3A_118, %dma_start3A_119] : memref<2560x2x128xi32, #tpu.memory_space<hbm>> -> memref<1x2x128xi32, #tpu.memory_space<hbm>>
            %dma_start3A_121 = tpu.memref_squeeze %dma_start3A_120 : memref<1x2x128xi32, #tpu.memory_space<hbm>> -> memref<2x128xi32, #tpu.memory_space<hbm>>
            tpu.enqueue_dma source(%dma_start3A_121 : memref<2x128xi32, #tpu.memory_space<hbm>>) target(%arg7 : memref<2x128xi32, #tpu.memory_space<vmem>>) target_semaphore(%run_scoped3A_113 : memref<!tpu.dma_semaphore, #tpu.memory_space<semaphore_mem>>)
            %dma_wait3A_122 = arith.constant 0 : i32
            %dma_wait3A_123 = arith.constant 0 : i32
            %dma_wait3A_124 = tpu.memref_slice %arg3[%add3A_105, %dma_wait3A_122, %dma_wait3A_123] : memref<2560x2x128xi32, #tpu.memory_space<hbm>> -> memref<1x2x128xi32, #tpu.memory_space<hbm>>
            %dma_wait3A_125 = tpu.memref_squeeze %dma_wait3A_124 : memref<1x2x128xi32, #tpu.memory_space<hbm>> -> memref<2x128xi32, #tpu.memory_space<hbm>>
            %dma_wait3A_126 = arith.constant 0 : i32
            %dma_wait3A_127 = arith.constant 0 : i32
            %dma_wait3A_128 = tpu.memref_slice %arg3[%add3A_105, %dma_wait3A_126, %dma_wait3A_127] : memref<2560x2x128xi32, #tpu.memory_space<hbm>> -> memref<1x2x128xi32, #tpu.memory_space<hbm>>
            %dma_wait3A_129 = tpu.memref_squeeze %dma_wait3A_128 : memref<1x2x128xi32, #tpu.memory_space<hbm>> -> memref<2x128xi32, #tpu.memory_space<hbm>>
            tpu.wait_dma2 semaphore(%run_scoped3A_113 : memref<!tpu.dma_semaphore, #tpu.memory_space<semaphore_mem>>) src(%dma_wait3A_129 : memref<2x128xi32, #tpu.memory_space<hbm>>) dst(%arg7 : memref<2x128xi32, #tpu.memory_space<vmem>>)
            tpu.yield
          }) : () -> ()
          %dma_start3A_106 = arith.constant 0 : i32
          %dma_start3A_107 = arith.constant 0 : i32
          %dma_start3A_108 = tpu.memref_slice %arg7[%dma_start3A_106, %dma_start3A_107] : memref<2x128xi32, #tpu.memory_space<vmem>> -> memref<1x128xi32, #tpu.memory_space<vmem>>
          %dma_start3A_109 = tpu.memref_squeeze %dma_start3A_108 : memref<1x128xi32, #tpu.memory_space<vmem>> -> memref<128xi32, #tpu.memory_space<vmem>>
          %dma_start3A_110 = arith.constant 0 : i32
          %dma_start3A_111 = arith.constant 0 : i32
          %dma_start3A_112 = tpu.memref_slice %arg2[%dma_start3A_110, %dma_start3A_111] : memref<10000x128xf32, #tpu.memory_space<hbm>> -> memref<10000x128xf32, #tpu.memory_space<hbm>>
          tpu.enqueue_indirect_dma source(%dma_start3A_112 : memref<10000x128xf32, #tpu.memory_space<hbm>>) target(%arg9 : memref<128x128xf32, #tpu.memory_space<vmem>>) offsets(%dma_start3A_109 : memref<128xi32, #tpu.memory_space<vmem>>) semaphore(%run_scoped3A_8 : memref<!tpu.dma_semaphore, #tpu.memory_space<semaphore_mem>>)
        } else {
        }
      }
      %scan3A_32 = arith.constant 40 : i32
      %dma_wait3A = arith.constant 1 : i32
      %dma_wait3A_33 = arith.constant 0 : i32
      %dma_wait3A_34 = tpu.memref_slice %arg6[%dma_wait3A, %dma_wait3A_33] : memref<2x128xi32, #tpu.memory_space<vmem>> -> memref<1x128xi32, #tpu.memory_space<vmem>>
      %dma_wait3A_35 = tpu.memref_squeeze %dma_wait3A_34 : memref<1x128xi32, #tpu.memory_space<vmem>> -> memref<128xi32, #tpu.memory_space<vmem>>
      %dma_wait3A_36 = arith.constant 0 : i32
      %dma_wait3A_37 = arith.constant 0 : i32
      %dma_wait3A_38 = tpu.memref_slice %arg10[%dma_wait3A_36, %dma_wait3A_37] : memref<10240x128xf32, #tpu.memory_space<vmem_shared>> -> memref<10240x128xf32, #tpu.memory_space<vmem_shared>>
      tpu.wait_indirect_dma semaphore(%run_scoped3A_9 : memref<!tpu.dma_semaphore, #tpu.memory_space<semaphore_mem>>) src(%arg8 : memref<128x128xf32, #tpu.memory_space<vmem>>) dst(%dma_wait3A_38 : memref<10240x128xf32, #tpu.memory_space<vmem_shared>>)
      %dma_wait3A_39 = arith.constant 1 : i32
      %dma_wait3A_40 = arith.constant 0 : i32
      %dma_wait3A_41 = tpu.memref_slice %arg7[%dma_wait3A_39, %dma_wait3A_40] : memref<2x128xi32, #tpu.memory_space<vmem>> -> memref<1x128xi32, #tpu.memory_space<vmem>>
      %dma_wait3A_42 = tpu.memref_squeeze %dma_wait3A_41 : memref<1x128xi32, #tpu.memory_space<vmem>> -> memref<128xi32, #tpu.memory_space<vmem>>
      %dma_wait3A_43 = arith.constant 0 : i32
      %dma_wait3A_44 = arith.constant 0 : i32
      %dma_wait3A_45 = tpu.memref_slice %arg10[%dma_wait3A_43, %dma_wait3A_44] : memref<10240x128xf32, #tpu.memory_space<vmem_shared>> -> memref<10240x128xf32, #tpu.memory_space<vmem_shared>>
      tpu.wait_indirect_dma semaphore(%run_scoped3A_10 : memref<!tpu.dma_semaphore, #tpu.memory_space<semaphore_mem>>) src(%arg9 : memref<128x128xf32, #tpu.memory_space<vmem>>) dst(%dma_wait3A_45 : memref<10240x128xf32, #tpu.memory_space<vmem_shared>>)
      tpu.yield
    }) : () -> ()
    %barrier3A_3 = arith.constant 0 : index
    tpu.barrier barrier_id(%barrier3A_3)
    %mul3A_4 = arith.constant 640 : i32
    %mul3A_5 = arith.muli %arg1, %mul3A_4 : i32
    %mul3A_6 = arith.constant 640 : i32
    %mul3A_7 = arith.muli %arg1, %mul3A_6 : i32
    "tpu.region"() ({
      %run_scoped3A = tpu.sem_alloc : memref<!tpu.dma_semaphore, #tpu.memory_space<semaphore_mem>>
      %dma_start3A = arith.constant 0 : i32
      %dma_start3A_8 = tpu.memref_slice %arg5[%arg0, %mul3A_7, %dma_start3A] : memref<2x10240x128xf32, #tpu.memory_space<hbm>> -> memref<1x640x128xf32, #tpu.memory_space<hbm>>
      %dma_start3A_9 = tpu.memref_squeeze %dma_start3A_8 : memref<1x640x128xf32, #tpu.memory_space<hbm>> -> memref<640x128xf32, #tpu.memory_space<hbm>>
      %dma_start3A_10 = arith.constant 0 : i32
      %dma_start3A_11 = tpu.memref_slice %arg10[%mul3A_5, %dma_start3A_10] : memref<10240x128xf32, #tpu.memory_space<vmem_shared>> -> memref<640x128xf32, #tpu.memory_space<vmem_shared>>
      tpu.enqueue_dma source(%dma_start3A_11 : memref<640x128xf32, #tpu.memory_space<vmem_shared>>) target(%dma_start3A_9 : memref<640x128xf32, #tpu.memory_space<hbm>>) target_semaphore(%run_scoped3A : memref<!tpu.dma_semaphore, #tpu.memory_space<semaphore_mem>>)
      %dma_wait3A = arith.constant 0 : i32
      %dma_wait3A_12 = tpu.memref_slice %arg5[%arg0, %mul3A_7, %dma_wait3A] : memref<2x10240x128xf32, #tpu.memory_space<hbm>> -> memref<1x640x128xf32, #tpu.memory_space<hbm>>
      %dma_wait3A_13 = tpu.memref_squeeze %dma_wait3A_12 : memref<1x640x128xf32, #tpu.memory_space<hbm>> -> memref<640x128xf32, #tpu.memory_space<hbm>>
      %dma_wait3A_14 = arith.constant 0 : i32
      %dma_wait3A_15 = tpu.memref_slice %arg10[%mul3A_5, %dma_wait3A_14] : memref<10240x128xf32, #tpu.memory_space<vmem_shared>> -> memref<640x128xf32, #tpu.memory_space<vmem_shared>>
      tpu.wait_dma2 semaphore(%run_scoped3A : memref<!tpu.dma_semaphore, #tpu.memory_space<semaphore_mem>>) src(%dma_wait3A_15 : memref<640x128xf32, #tpu.memory_space<vmem_shared>>) dst(%dma_wait3A_13 : memref<640x128xf32, #tpu.memory_space<hbm>>)
      tpu.yield
    }) : () -> ()
    return
  }
}

#map = affine_map<(d0, d1) -> (0, 0)>
#map1 = affine_map<(d0, d1) -> (0, 0, 0)>
module attributes {stable_mosaic.version = 14 : i64} {
  func.func @mp_kernel(%arg0: i32, %arg1: i32, %arg2: memref<10000x128xf32, #tpu.memory_space<hbm>>, %arg3: memref<2560x2x128xi32, #tpu.memory_space<hbm>>, %arg4: memref<640x128xf32, #tpu.memory_space<hbm>>, %arg5: memref<2x10240x128xf32, #tpu.memory_space<hbm>>, %arg6: memref<2x128xi32, #tpu.memory_space<vmem>>, %arg7: memref<2x128xi32, #tpu.memory_space<vmem>>, %arg8: memref<128x128xf32, #tpu.memory_space<vmem>>, %arg9: memref<128x128xf32, #tpu.memory_space<vmem>>, %arg10: memref<10240x128xf32, #tpu.memory_space<vmem_shared>>) attributes {dimension_semantics = [#tpu.dimension_semantics<core_parallel>, #tpu.dimension_semantics<subcore_parallel>], iteration_bounds = array<i64: 2, 16>, scalar_prefetch = 0 : i64, scratch_operands = 5 : i64, tpu.core_type = #tpu.core_type<sc_vector_subcore>, window_params = [{transform_indices = #map}, {transform_indices = #map1}, {transform_indices = #map}, {transform_indices = #map1}]} {
    %mul3A = arith.constant 2 : i32
    %mul3A_0 = arith.muli %arg1, %mul3A : i32
    %add3A = arith.addi %mul3A_0, %arg0 : i32
    %mul3A_1 = arith.constant 640 : i32
    %mul3A_2 = arith.muli %arg1, %mul3A_1 : i32
    "tpu.region"() ({
      %run_scoped3A = tpu.sem_alloc : memref<!tpu.dma_semaphore, #tpu.memory_space<semaphore_mem>>
      %dma_start3A = arith.constant 0 : i32
      %dma_start3A_8 = tpu.memref_slice %arg10[%mul3A_2, %dma_start3A] : memref<10240x128xf32, #tpu.memory_space<vmem_shared>> -> memref<640x128xf32, #tpu.memory_space<vmem_shared>>
      tpu.enqueue_dma source(%arg4 : memref<640x128xf32, #tpu.memory_space<hbm>>) target(%dma_start3A_8 : memref<640x128xf32, #tpu.memory_space<vmem_shared>>) target_semaphore(%run_scoped3A : memref<!tpu.dma_semaphore, #tpu.memory_space<semaphore_mem>>)
      %dma_wait3A = arith.constant 0 : i32
      %dma_wait3A_9 = tpu.memref_slice %arg10[%mul3A_2, %dma_wait3A] : memref<10240x128xf32, #tpu.memory_space<vmem_shared>> -> memref<640x128xf32, #tpu.memory_space<vmem_shared>>
      tpu.wait_dma2 semaphore(%run_scoped3A : memref<!tpu.dma_semaphore, #tpu.memory_space<semaphore_mem>>) src(%arg4 : memref<640x128xf32, #tpu.memory_space<hbm>>) dst(%dma_wait3A_9 : memref<640x128xf32, #tpu.memory_space<vmem_shared>>)
      tpu.yield
    }) : () -> ()
    %barrier3A = arith.constant 0 : index
    tpu.barrier barrier_id(%barrier3A)
    "tpu.region"() ({
      %run_scoped3A = tpu.sem_alloc : memref<!tpu.dma_semaphore, #tpu.memory_space<semaphore_mem>>
      %run_scoped3A_8 = tpu.sem_alloc : memref<!tpu.dma_semaphore, #tpu.memory_space<semaphore_mem>>
      %run_scoped3A_9 = tpu.sem_alloc : memref<!tpu.dma_semaphore, #tpu.memory_space<semaphore_mem>>
      %run_scoped3A_10 = tpu.sem_alloc : memref<!tpu.dma_semaphore, #tpu.memory_space<semaphore_mem>>
      %add3A_11 = arith.constant 0 : i32
      %add3A_12 = arith.addi %add3A, %add3A_11 : i32
      "tpu.region"() ({
        %run_scoped3A_46 = tpu.sem_alloc : memref<!tpu.dma_semaphore, #tpu.memory_space<semaphore_mem>>
        %dma_start3A_47 = arith.constant 0 : i32
        %dma_start3A_48 = arith.constant 0 : i32
        %dma_start3A_49 = tpu.memref_slice %arg3[%add3A_12, %dma_start3A_47, %dma_start3A_48] : memref<2560x2x128xi32, #tpu.memory_space<hbm>> -> memref<1x2x128xi32, #tpu.memory_space<hbm>>
        %dma_start3A_50 = tpu.memref_squeeze %dma_start3A_49 : memref<1x2x128xi32, #tpu.memory_space<hbm>> -> memref<2x128xi32, #tpu.memory_space<hbm>>
        %dma_start3A_51 = arith.constant 0 : i32
        %dma_start3A_52 = arith.constant 0 : i32
        %dma_start3A_53 = tpu.memref_slice %arg3[%add3A_12, %dma_start3A_51, %dma_start3A_52] : memref<2560x2x128xi32, #tpu.memory_space<hbm>> -> memref<1x2x128xi32, #tpu.memory_space<hbm>>
        %dma_start3A_54 = tpu.memref_squeeze %dma_start3A_53 : memref<1x2x128xi32, #tpu.memory_space<hbm>> -> memref<2x128xi32, #tpu.memory_space<hbm>>
        tpu.enqueue_dma source(%dma_start3A_54 : memref<2x128xi32, #tpu.memory_space<hbm>>) target(%arg6 : memref<2x128xi32, #tpu.memory_space<vmem>>) target_semaphore(%run_scoped3A_46 : memref<!tpu.dma_semaphore, #tpu.memory_space<semaphore_mem>>)
        %dma_wait3A_55 = arith.constant 0 : i32
        %dma_wait3A_56 = arith.constant 0 : i32
        %dma_wait3A_57 = tpu.memref_slice %arg3[%add3A_12, %dma_wait3A_55, %dma_wait3A_56] : memref<2560x2x128xi32, #tpu.memory_space<hbm>> -> memref<1x2x128xi32, #tpu.memory_space<hbm>>
        %dma_wait3A_58 = tpu.memref_squeeze %dma_wait3A_57 : memref<1x2x128xi32, #tpu.memory_space<hbm>> -> memref<2x128xi32, #tpu.memory_space<hbm>>
        %dma_wait3A_59 = arith.constant 0 : i32
        %dma_wait3A_60 = arith.constant 0 : i32
        %dma_wait3A_61 = tpu.memref_slice %arg3[%add3A_12, %dma_wait3A_59, %dma_wait3A_60] : memref<2560x2x128xi32, #tpu.memory_space<hbm>> -> memref<1x2x128xi32, #tpu.memory_space<hbm>>
        %dma_wait3A_62 = tpu.memref_squeeze %dma_wait3A_61 : memref<1x2x128xi32, #tpu.memory_space<hbm>> -> memref<2x128xi32, #tpu.memory_space<hbm>>
        tpu.wait_dma2 semaphore(%run_scoped3A_46 : memref<!tpu.dma_semaphore, #tpu.memory_space<semaphore_mem>>) src(%dma_wait3A_62 : memref<2x128xi32, #tpu.memory_space<hbm>>) dst(%arg6 : memref<2x128xi32, #tpu.memory_space<vmem>>)
        tpu.yield
      }) : () -> ()
      %dma_start3A = arith.constant 0 : i32
      %dma_start3A_13 = arith.constant 0 : i32
      %dma_start3A_14 = tpu.memref_slice %arg6[%dma_start3A, %dma_start3A_13] : memref<2x128xi32, #tpu.memory_space<vmem>> -> memref<1x128xi32, #tpu.memory_space<vmem>>
      %dma_start3A_15 = tpu.memref_squeeze %dma_start3A_14 : memref<1x128xi32, #tpu.memory_space<vmem>> -> memref<128xi32, #tpu.memory_space<vmem>>
      %dma_start3A_16 = arith.constant 0 : i32
      %dma_start3A_17 = arith.constant 0 : i32
      %dma_start3A_18 = tpu.memref_slice %arg2[%dma_start3A_16, %dma_start3A_17] : memref<10000x128xf32, #tpu.memory_space<hbm>> -> memref<10000x128xf32, #tpu.memory_space<hbm>>
      tpu.enqueue_indirect_dma source(%dma_start3A_18 : memref<10000x128xf32, #tpu.memory_space<hbm>>) target(%arg8 : memref<128x128xf32, #tpu.memory_space<vmem>>) offsets(%dma_start3A_15 : memref<128xi32, #tpu.memory_space<vmem>>) semaphore(%run_scoped3A : memref<!tpu.dma_semaphore, #tpu.memory_space<semaphore_mem>>)
      %add3A_19 = arith.constant 32 : i32
      %add3A_20 = arith.addi %add3A, %add3A_19 : i32
      "tpu.region"() ({
        %run_scoped3A_46 = tpu.sem_alloc : memref<!tpu.dma_semaphore, #tpu.memory_space<semaphore_mem>>
        %dma_start3A_47 = arith.constant 0 : i32
        %dma_start3A_48 = arith.constant 0 : i32
        %dma_start3A_49 = tpu.memref_slice %arg3[%add3A_20, %dma_start3A_47, %dma_start3A_48] : memref<2560x2x128xi32, #tpu.memory_space<hbm>> -> memref<1x2x128xi32, #tpu.memory_space<hbm>>
        %dma_start3A_50 = tpu.memref_squeeze %dma_start3A_49 : memref<1x2x128xi32, #tpu.memory_space<hbm>> -> memref<2x128xi32, #tpu.memory_space<hbm>>
        %dma_start3A_51 = arith.constant 0 : i32
        %dma_start3A_52 = arith.constant 0 : i32
        %dma_start3A_53 = tpu.memref_slice %arg3[%add3A_20, %dma_start3A_51, %dma_start3A_52] : memref<2560x2x128xi32, #tpu.memory_space<hbm>> -> memref<1x2x128xi32, #tpu.memory_space<hbm>>
        %dma_start3A_54 = tpu.memref_squeeze %dma_start3A_53 : memref<1x2x128xi32, #tpu.memory_space<hbm>> -> memref<2x128xi32, #tpu.memory_space<hbm>>
        tpu.enqueue_dma source(%dma_start3A_54 : memref<2x128xi32, #tpu.memory_space<hbm>>) target(%arg7 : memref<2x128xi32, #tpu.memory_space<vmem>>) target_semaphore(%run_scoped3A_46 : memref<!tpu.dma_semaphore, #tpu.memory_space<semaphore_mem>>)
        %dma_wait3A_55 = arith.constant 0 : i32
        %dma_wait3A_56 = arith.constant 0 : i32
        %dma_wait3A_57 = tpu.memref_slice %arg3[%add3A_20, %dma_wait3A_55, %dma_wait3A_56] : memref<2560x2x128xi32, #tpu.memory_space<hbm>> -> memref<1x2x128xi32, #tpu.memory_space<hbm>>
        %dma_wait3A_58 = tpu.memref_squeeze %dma_wait3A_57 : memref<1x2x128xi32, #tpu.memory_space<hbm>> -> memref<2x128xi32, #tpu.memory_space<hbm>>
        %dma_wait3A_59 = arith.constant 0 : i32
        %dma_wait3A_60 = arith.constant 0 : i32
        %dma_wait3A_61 = tpu.memref_slice %arg3[%add3A_20, %dma_wait3A_59, %dma_wait3A_60] : memref<2560x2x128xi32, #tpu.memory_space<hbm>> -> memref<1x2x128xi32, #tpu.memory_space<hbm>>
        %dma_wait3A_62 = tpu.memref_squeeze %dma_wait3A_61 : memref<1x2x128xi32, #tpu.memory_space<hbm>> -> memref<2x128xi32, #tpu.memory_space<hbm>>
        tpu.wait_dma2 semaphore(%run_scoped3A_46 : memref<!tpu.dma_semaphore, #tpu.memory_space<semaphore_mem>>) src(%dma_wait3A_62 : memref<2x128xi32, #tpu.memory_space<hbm>>) dst(%arg7 : memref<2x128xi32, #tpu.memory_space<vmem>>)
        tpu.yield
      }) : () -> ()
      %dma_start3A_21 = arith.constant 0 : i32
      %dma_start3A_22 = arith.constant 0 : i32
      %dma_start3A_23 = tpu.memref_slice %arg7[%dma_start3A_21, %dma_start3A_22] : memref<2x128xi32, #tpu.memory_space<vmem>> -> memref<1x128xi32, #tpu.memory_space<vmem>>
      %dma_start3A_24 = tpu.memref_squeeze %dma_start3A_23 : memref<1x128xi32, #tpu.memory_space<vmem>> -> memref<128xi32, #tpu.memory_space<vmem>>
      %dma_start3A_25 = arith.constant 0 : i32
      %dma_start3A_26 = arith.constant 0 : i32
      %dma_start3A_27 = tpu.memref_slice %arg2[%dma_start3A_25, %dma_start3A_26] : memref<10000x128xf32, #tpu.memory_space<hbm>> -> memref<10000x128xf32, #tpu.memory_space<hbm>>
      tpu.enqueue_indirect_dma source(%dma_start3A_27 : memref<10000x128xf32, #tpu.memory_space<hbm>>) target(%arg9 : memref<128x128xf32, #tpu.memory_space<vmem>>) offsets(%dma_start3A_24 : memref<128xi32, #tpu.memory_space<vmem>>) semaphore(%run_scoped3A_8 : memref<!tpu.dma_semaphore, #tpu.memory_space<semaphore_mem>>)
      %scan3A = arith.constant 0 : i32
      %scan3A_28 = arith.constant 0 : i32
      %scan3A_29 = arith.constant 40 : i32
      %scan3A_30 = arith.addi %scan3A_28, %scan3A_29 : i32
      %scan3A_31 = arith.constant 1 : i32
      scf.for %scan3A_46 = %scan3A_28 to %scan3A_30 step %scan3A_31  : i32 {
        %mul3A_47 = arith.constant 2 : i32
        %mul3A_48 = arith.muli %mul3A_47, %scan3A_46 : i32
        %add3A_49 = arith.constant 0 : i32
        %add3A_50 = arith.addi %mul3A_48, %add3A_49 : i32
        %dma_wait3A_51 = arith.constant 0 : i32
        %dma_wait3A_52 = arith.constant 0 : i32
        %dma_wait3A_53 = tpu.memref_slice %arg6[%dma_wait3A_51, %dma_wait3A_52] : memref<2x128xi32, #tpu.memory_space<vmem>> -> memref<1x128xi32, #tpu.memory_space<vmem>>
        %dma_wait3A_54 = tpu.memref_squeeze %dma_wait3A_53 : memref<1x128xi32, #tpu.memory_space<vmem>> -> memref<128xi32, #tpu.memory_space<vmem>>
        %dma_wait3A_55 = arith.constant 0 : i32
        %dma_wait3A_56 = arith.constant 0 : i32
        %dma_wait3A_57 = tpu.memref_slice %arg2[%dma_wait3A_55, %dma_wait3A_56] : memref<10000x128xf32, #tpu.memory_space<hbm>> -> memref<10000x128xf32, #tpu.memory_space<hbm>>
        tpu.wait_indirect_dma semaphore(%run_scoped3A : memref<!tpu.dma_semaphore, #tpu.memory_space<semaphore_mem>>) src(%dma_wait3A_57 : memref<10000x128xf32, #tpu.memory_space<hbm>>) dst(%arg8 : memref<128x128xf32, #tpu.memory_space<vmem>>)
        %dma_start3A_58 = arith.constant 1 : i32
        %dma_start3A_59 = arith.constant 0 : i32
        %dma_start3A_60 = tpu.memref_slice %arg6[%dma_start3A_58, %dma_start3A_59] : memref<2x128xi32, #tpu.memory_space<vmem>> -> memref<1x128xi32, #tpu.memory_space<vmem>>
        %dma_start3A_61 = tpu.memref_squeeze %dma_start3A_60 : memref<1x128xi32, #tpu.memory_space<vmem>> -> memref<128xi32, #tpu.memory_space<vmem>>
        %dma_start3A_62 = arith.constant 0 : i32
        %dma_start3A_63 = arith.constant 0 : i32
        %dma_start3A_64 = tpu.memref_slice %arg10[%dma_start3A_62, %dma_start3A_63] : memref<10240x128xf32, #tpu.memory_space<vmem_shared>> -> memref<10240x128xf32, #tpu.memory_space<vmem_shared>>
        tpu.enqueue_indirect_dma source(%arg8 : memref<128x128xf32, #tpu.memory_space<vmem>>) target(%dma_start3A_64 : memref<10240x128xf32, #tpu.memory_space<vmem_shared>>) offsets(%dma_start3A_61 : memref<128xi32, #tpu.memory_space<vmem>>) semaphore(%run_scoped3A_9 : memref<!tpu.dma_semaphore, #tpu.memory_space<semaphore_mem>>) {add = true}
        %add3A_65 = arith.constant 2 : i32
        %add3A_66 = arith.addi %add3A_50, %add3A_65 : i32
        %lt3A = arith.constant 80 : i32
        %lt3A_67 = arith.cmpi slt, %add3A_66, %lt3A : i32
        %convert_element_type3A = arith.extui %lt3A_67 : i1 to i32
        %cond3A = arith.constant 0 : i32
        %cond3A_68 = arith.cmpi ne, %convert_element_type3A, %cond3A : i32
        scf.if %cond3A_68 {
          %dma_wait3A_94 = arith.constant 1 : i32
          %dma_wait3A_95 = arith.constant 0 : i32
          %dma_wait3A_96 = tpu.memref_slice %arg6[%dma_wait3A_94, %dma_wait3A_95] : memref<2x128xi32, #tpu.memory_space<vmem>> -> memref<1x128xi32, #tpu.memory_space<vmem>>
          %dma_wait3A_97 = tpu.memref_squeeze %dma_wait3A_96 : memref<1x128xi32, #tpu.memory_space<vmem>> -> memref<128xi32, #tpu.memory_space<vmem>>
          %dma_wait3A_98 = arith.constant 0 : i32
          %dma_wait3A_99 = arith.constant 0 : i32
          %dma_wait3A_100 = tpu.memref_slice %arg10[%dma_wait3A_98, %dma_wait3A_99] : memref<10240x128xf32, #tpu.memory_space<vmem_shared>> -> memref<10240x128xf32, #tpu.memory_space<vmem_shared>>
          tpu.wait_indirect_dma semaphore(%run_scoped3A_9 : memref<!tpu.dma_semaphore, #tpu.memory_space<semaphore_mem>>) src(%arg8 : memref<128x128xf32, #tpu.memory_space<vmem>>) dst(%dma_wait3A_100 : memref<10240x128xf32, #tpu.memory_space<vmem_shared>>)
          %add3A_101 = arith.constant 2 : i32
          %add3A_102 = arith.addi %add3A_50, %add3A_101 : i32
          %mul3A_103 = arith.constant 32 : i32
          %mul3A_104 = arith.muli %add3A_102, %mul3A_103 : i32
          %add3A_105 = arith.addi %add3A, %mul3A_104 : i32
          "tpu.region"() ({
            %run_scoped3A_113 = tpu.sem_alloc : memref<!tpu.dma_semaphore, #tpu.memory_space<semaphore_mem>>
            %dma_start3A_114 = arith.constant 0 : i32
            %dma_start3A_115 = arith.constant 0 : i32
            %dma_start3A_116 = tpu.memref_slice %arg3[%add3A_105, %dma_start3A_114, %dma_start3A_115] : memref<2560x2x128xi32, #tpu.memory_space<hbm>> -> memref<1x2x128xi32, #tpu.memory_space<hbm>>
            %dma_start3A_117 = tpu.memref_squeeze %dma_start3A_116 : memref<1x2x128xi32, #tpu.memory_space<hbm>> -> memref<2x128xi32, #tpu.memory_space<hbm>>
            %dma_start3A_118 = arith.constant 0 : i32
            %dma_start3A_119 = arith.constant 0 : i32
            %dma_start3A_120 = tpu.memref_slice %arg3[%add3A_105, %dma_start3A_118, %dma_start3A_119] : memref<2560x2x128xi32, #tpu.memory_space<hbm>> -> memref<1x2x128xi32, #tpu.memory_space<hbm>>
            %dma_start3A_121 = tpu.memref_squeeze %dma_start3A_120 : memref<1x2x128xi32, #tpu.memory_space<hbm>> -> memref<2x128xi32, #tpu.memory_space<hbm>>
            tpu.enqueue_dma source(%dma_start3A_121 : memref<2x128xi32, #tpu.memory_space<hbm>>) target(%arg6 : memref<2x128xi32, #tpu.memory_space<vmem>>) target_semaphore(%run_scoped3A_113 : memref<!tpu.dma_semaphore, #tpu.memory_space<semaphore_mem>>)
            %dma_wait3A_122 = arith.constant 0 : i32
            %dma_wait3A_123 = arith.constant 0 : i32
            %dma_wait3A_124 = tpu.memref_slice %arg3[%add3A_105, %dma_wait3A_122, %dma_wait3A_123] : memref<2560x2x128xi32, #tpu.memory_space<hbm>> -> memref<1x2x128xi32, #tpu.memory_space<hbm>>
            %dma_wait3A_125 = tpu.memref_squeeze %dma_wait3A_124 : memref<1x2x128xi32, #tpu.memory_space<hbm>> -> memref<2x128xi32, #tpu.memory_space<hbm>>
            %dma_wait3A_126 = arith.constant 0 : i32
            %dma_wait3A_127 = arith.constant 0 : i32
            %dma_wait3A_128 = tpu.memref_slice %arg3[%add3A_105, %dma_wait3A_126, %dma_wait3A_127] : memref<2560x2x128xi32, #tpu.memory_space<hbm>> -> memref<1x2x128xi32, #tpu.memory_space<hbm>>
            %dma_wait3A_129 = tpu.memref_squeeze %dma_wait3A_128 : memref<1x2x128xi32, #tpu.memory_space<hbm>> -> memref<2x128xi32, #tpu.memory_space<hbm>>
            tpu.wait_dma2 semaphore(%run_scoped3A_113 : memref<!tpu.dma_semaphore, #tpu.memory_space<semaphore_mem>>) src(%dma_wait3A_129 : memref<2x128xi32, #tpu.memory_space<hbm>>) dst(%arg6 : memref<2x128xi32, #tpu.memory_space<vmem>>)
            tpu.yield
          }) : () -> ()
          %dma_start3A_106 = arith.constant 0 : i32
          %dma_start3A_107 = arith.constant 0 : i32
          %dma_start3A_108 = tpu.memref_slice %arg6[%dma_start3A_106, %dma_start3A_107] : memref<2x128xi32, #tpu.memory_space<vmem>> -> memref<1x128xi32, #tpu.memory_space<vmem>>
          %dma_start3A_109 = tpu.memref_squeeze %dma_start3A_108 : memref<1x128xi32, #tpu.memory_space<vmem>> -> memref<128xi32, #tpu.memory_space<vmem>>
          %dma_start3A_110 = arith.constant 0 : i32
          %dma_start3A_111 = arith.constant 0 : i32
          %dma_start3A_112 = tpu.memref_slice %arg2[%dma_start3A_110, %dma_start3A_111] : memref<10000x128xf32, #tpu.memory_space<hbm>> -> memref<10000x128xf32, #tpu.memory_space<hbm>>
          tpu.enqueue_indirect_dma source(%dma_start3A_112 : memref<10000x128xf32, #tpu.memory_space<hbm>>) target(%arg8 : memref<128x128xf32, #tpu.memory_space<vmem>>) offsets(%dma_start3A_109 : memref<128xi32, #tpu.memory_space<vmem>>) semaphore(%run_scoped3A : memref<!tpu.dma_semaphore, #tpu.memory_space<semaphore_mem>>)
        } else {
        }
        %mul3A_69 = arith.constant 2 : i32
        %mul3A_70 = arith.muli %mul3A_69, %scan3A_46 : i32
        %add3A_71 = arith.constant 1 : i32
        %add3A_72 = arith.addi %mul3A_70, %add3A_71 : i32
        %dma_wait3A_73 = arith.constant 0 : i32
        %dma_wait3A_74 = arith.constant 0 : i32
        %dma_wait3A_75 = tpu.memref_slice %arg7[%dma_wait3A_73, %dma_wait3A_74] : memref<2x128xi32, #tpu.memory_space<vmem>> -> memref<1x128xi32, #tpu.memory_space<vmem>>
        %dma_wait3A_76 = tpu.memref_squeeze %dma_wait3A_75 : memref<1x128xi32, #tpu.memory_space<vmem>> -> memref<128xi32, #tpu.memory_space<vmem>>
        %dma_wait3A_77 = arith.constant 0 : i32
        %dma_wait3A_78 = arith.constant 0 : i32
        %dma_wait3A_79 = tpu.memref_slice %arg2[%dma_wait3A_77, %dma_wait3A_78] : memref<10000x128xf32, #tpu.memory_space<hbm>> -> memref<10000x128xf32, #tpu.memory_space<hbm>>
        tpu.wait_indirect_dma semaphore(%run_scoped3A_8 : memref<!tpu.dma_semaphore, #tpu.memory_space<semaphore_mem>>) src(%dma_wait3A_79 : memref<10000x128xf32, #tpu.memory_space<hbm>>) dst(%arg9 : memref<128x128xf32, #tpu.memory_space<vmem>>)
        %dma_start3A_80 = arith.constant 1 : i32
        %dma_start3A_81 = arith.constant 0 : i32
        %dma_start3A_82 = tpu.memref_slice %arg7[%dma_start3A_80, %dma_start3A_81] : memref<2x128xi32, #tpu.memory_space<vmem>> -> memref<1x128xi32, #tpu.memory_space<vmem>>
        %dma_start3A_83 = tpu.memref_squeeze %dma_start3A_82 : memref<1x128xi32, #tpu.memory_space<vmem>> -> memref<128xi32, #tpu.memory_space<vmem>>
        %dma_start3A_84 = arith.constant 0 : i32
        %dma_start3A_85 = arith.constant 0 : i32
        %dma_start3A_86 = tpu.memref_slice %arg10[%dma_start3A_84, %dma_start3A_85] : memref<10240x128xf32, #tpu.memory_space<vmem_shared>> -> memref<10240x128xf32, #tpu.memory_space<vmem_shared>>
        tpu.enqueue_indirect_dma source(%arg9 : memref<128x128xf32, #tpu.memory_space<vmem>>) target(%dma_start3A_86 : memref<10240x128xf32, #tpu.memory_space<vmem_shared>>) offsets(%dma_start3A_83 : memref<128xi32, #tpu.memory_space<vmem>>) semaphore(%run_scoped3A_10 : memref<!tpu.dma_semaphore, #tpu.memory_space<semaphore_mem>>) {add = true}
        %add3A_87 = arith.constant 2 : i32
        %add3A_88 = arith.addi %add3A_72, %add3A_87 : i32
        %lt3A_89 = arith.constant 80 : i32
        %lt3A_90 = arith.cmpi slt, %add3A_88, %lt3A_89 : i32
        %convert_element_type3A_91 = arith.extui %lt3A_90 : i1 to i32
        %cond3A_92 = arith.constant 0 : i32
        %cond3A_93 = arith.cmpi ne, %convert_element_type3A_91, %cond3A_92 : i32
        scf.if %cond3A_93 {
          %dma_wait3A_94 = arith.constant 1 : i32
          %dma_wait3A_95 = arith.constant 0 : i32
          %dma_wait3A_96 = tpu.memref_slice %arg7[%dma_wait3A_94, %dma_wait3A_95] : memref<2x128xi32, #tpu.memory_space<vmem>> -> memref<1x128xi32, #tpu.memory_space<vmem>>
          %dma_wait3A_97 = tpu.memref_squeeze %dma_wait3A_96 : memref<1x128xi32, #tpu.memory_space<vmem>> -> memref<128xi32, #tpu.memory_space<vmem>>
          %dma_wait3A_98 = arith.constant 0 : i32
          %dma_wait3A_99 = arith.constant 0 : i32
          %dma_wait3A_100 = tpu.memref_slice %arg10[%dma_wait3A_98, %dma_wait3A_99] : memref<10240x128xf32, #tpu.memory_space<vmem_shared>> -> memref<10240x128xf32, #tpu.memory_space<vmem_shared>>
          tpu.wait_indirect_dma semaphore(%run_scoped3A_10 : memref<!tpu.dma_semaphore, #tpu.memory_space<semaphore_mem>>) src(%arg9 : memref<128x128xf32, #tpu.memory_space<vmem>>) dst(%dma_wait3A_100 : memref<10240x128xf32, #tpu.memory_space<vmem_shared>>)
          %add3A_101 = arith.constant 2 : i32
          %add3A_102 = arith.addi %add3A_72, %add3A_101 : i32
          %mul3A_103 = arith.constant 32 : i32
          %mul3A_104 = arith.muli %add3A_102, %mul3A_103 : i32
          %add3A_105 = arith.addi %add3A, %mul3A_104 : i32
          "tpu.region"() ({
            %run_scoped3A_113 = tpu.sem_alloc : memref<!tpu.dma_semaphore, #tpu.memory_space<semaphore_mem>>
            %dma_start3A_114 = arith.constant 0 : i32
            %dma_start3A_115 = arith.constant 0 : i32
            %dma_start3A_116 = tpu.memref_slice %arg3[%add3A_105, %dma_start3A_114, %dma_start3A_115] : memref<2560x2x128xi32, #tpu.memory_space<hbm>> -> memref<1x2x128xi32, #tpu.memory_space<hbm>>
            %dma_start3A_117 = tpu.memref_squeeze %dma_start3A_116 : memref<1x2x128xi32, #tpu.memory_space<hbm>> -> memref<2x128xi32, #tpu.memory_space<hbm>>
            %dma_start3A_118 = arith.constant 0 : i32
            %dma_start3A_119 = arith.constant 0 : i32
            %dma_start3A_120 = tpu.memref_slice %arg3[%add3A_105, %dma_start3A_118, %dma_start3A_119] : memref<2560x2x128xi32, #tpu.memory_space<hbm>> -> memref<1x2x128xi32, #tpu.memory_space<hbm>>
            %dma_start3A_121 = tpu.memref_squeeze %dma_start3A_120 : memref<1x2x128xi32, #tpu.memory_space<hbm>> -> memref<2x128xi32, #tpu.memory_space<hbm>>
            tpu.enqueue_dma source(%dma_start3A_121 : memref<2x128xi32, #tpu.memory_space<hbm>>) target(%arg7 : memref<2x128xi32, #tpu.memory_space<vmem>>) target_semaphore(%run_scoped3A_113 : memref<!tpu.dma_semaphore, #tpu.memory_space<semaphore_mem>>)
            %dma_wait3A_122 = arith.constant 0 : i32
            %dma_wait3A_123 = arith.constant 0 : i32
            %dma_wait3A_124 = tpu.memref_slice %arg3[%add3A_105, %dma_wait3A_122, %dma_wait3A_123] : memref<2560x2x128xi32, #tpu.memory_space<hbm>> -> memref<1x2x128xi32, #tpu.memory_space<hbm>>
            %dma_wait3A_125 = tpu.memref_squeeze %dma_wait3A_124 : memref<1x2x128xi32, #tpu.memory_space<hbm>> -> memref<2x128xi32, #tpu.memory_space<hbm>>
            %dma_wait3A_126 = arith.constant 0 : i32
            %dma_wait3A_127 = arith.constant 0 : i32
            %dma_wait3A_128 = tpu.memref_slice %arg3[%add3A_105, %dma_wait3A_126, %dma_wait3A_127] : memref<2560x2x128xi32, #tpu.memory_space<hbm>> -> memref<1x2x128xi32, #tpu.memory_space<hbm>>
            %dma_wait3A_129 = tpu.memref_squeeze %dma_wait3A_128 : memref<1x2x128xi32, #tpu.memory_space<hbm>> -> memref<2x128xi32, #tpu.memory_space<hbm>>
            tpu.wait_dma2 semaphore(%run_scoped3A_113 : memref<!tpu.dma_semaphore, #tpu.memory_space<semaphore_mem>>) src(%dma_wait3A_129 : memref<2x128xi32, #tpu.memory_space<hbm>>) dst(%arg7 : memref<2x128xi32, #tpu.memory_space<vmem>>)
            tpu.yield
          }) : () -> ()
          %dma_start3A_106 = arith.constant 0 : i32
          %dma_start3A_107 = arith.constant 0 : i32
          %dma_start3A_108 = tpu.memref_slice %arg7[%dma_start3A_106, %dma_start3A_107] : memref<2x128xi32, #tpu.memory_space<vmem>> -> memref<1x128xi32, #tpu.memory_space<vmem>>
          %dma_start3A_109 = tpu.memref_squeeze %dma_start3A_108 : memref<1x128xi32, #tpu.memory_space<vmem>> -> memref<128xi32, #tpu.memory_space<vmem>>
          %dma_start3A_110 = arith.constant 0 : i32
          %dma_start3A_111 = arith.constant 0 : i32
          %dma_start3A_112 = tpu.memref_slice %arg2[%dma_start3A_110, %dma_start3A_111] : memref<10000x128xf32, #tpu.memory_space<hbm>> -> memref<10000x128xf32, #tpu.memory_space<hbm>>
          tpu.enqueue_indirect_dma source(%dma_start3A_112 : memref<10000x128xf32, #tpu.memory_space<hbm>>) target(%arg9 : memref<128x128xf32, #tpu.memory_space<vmem>>) offsets(%dma_start3A_109 : memref<128xi32, #tpu.memory_space<vmem>>) semaphore(%run_scoped3A_8 : memref<!tpu.dma_semaphore, #tpu.memory_space<semaphore_mem>>)
        } else {
        }
      }
      %scan3A_32 = arith.constant 40 : i32
      %dma_wait3A = arith.constant 1 : i32
      %dma_wait3A_33 = arith.constant 0 : i32
      %dma_wait3A_34 = tpu.memref_slice %arg6[%dma_wait3A, %dma_wait3A_33] : memref<2x128xi32, #tpu.memory_space<vmem>> -> memref<1x128xi32, #tpu.memory_space<vmem>>
      %dma_wait3A_35 = tpu.memref_squeeze %dma_wait3A_34 : memref<1x128xi32, #tpu.memory_space<vmem>> -> memref<128xi32, #tpu.memory_space<vmem>>
      %dma_wait3A_36 = arith.constant 0 : i32
      %dma_wait3A_37 = arith.constant 0 : i32
      %dma_wait3A_38 = tpu.memref_slice %arg10[%dma_wait3A_36, %dma_wait3A_37] : memref<10240x128xf32, #tpu.memory_space<vmem_shared>> -> memref<10240x128xf32, #tpu.memory_space<vmem_shared>>
      tpu.wait_indirect_dma semaphore(%run_scoped3A_9 : memref<!tpu.dma_semaphore, #tpu.memory_space<semaphore_mem>>) src(%arg8 : memref<128x128xf32, #tpu.memory_space<vmem>>) dst(%dma_wait3A_38 : memref<10240x128xf32, #tpu.memory_space<vmem_shared>>)
      %dma_wait3A_39 = arith.constant 1 : i32
      %dma_wait3A_40 = arith.constant 0 : i32
      %dma_wait3A_41 = tpu.memref_slice %arg7[%dma_wait3A_39, %dma_wait3A_40] : memref<2x128xi32, #tpu.memory_space<vmem>> -> memref<1x128xi32, #tpu.memory_space<vmem>>
      %dma_wait3A_42 = tpu.memref_squeeze %dma_wait3A_41 : memref<1x128xi32, #tpu.memory_space<vmem>> -> memref<128xi32, #tpu.memory_space<vmem>>
      %dma_wait3A_43 = arith.constant 0 : i32
      %dma_wait3A_44 = arith.constant 0 : i32
      %dma_wait3A_45 = tpu.memref_slice %arg10[%dma_wait3A_43, %dma_wait3A_44] : memref<10240x128xf32, #tpu.memory_space<vmem_shared>> -> memref<10240x128xf32, #tpu.memory_space<vmem_shared>>
      tpu.wait_indirect_dma semaphore(%run_scoped3A_10 : memref<!tpu.dma_semaphore, #tpu.memory_space<semaphore_mem>>) src(%arg9 : memref<128x128xf32, #tpu.memory_space<vmem>>) dst(%dma_wait3A_45 : memref<10240x128xf32, #tpu.memory_space<vmem_shared>>)
      tpu.yield
    }) : () -> ()
    %barrier3A_3 = arith.constant 0 : index
    tpu.barrier barrier_id(%barrier3A_3)
    %mul3A_4 = arith.constant 640 : i32
    %mul3A_5 = arith.muli %arg1, %mul3A_4 : i32
    %mul3A_6 = arith.constant 640 : i32
    %mul3A_7 = arith.muli %arg1, %mul3A_6 : i32
    "tpu.region"() ({
      %run_scoped3A = tpu.sem_alloc : memref<!tpu.dma_semaphore, #tpu.memory_space<semaphore_mem>>
      %dma_start3A = arith.constant 0 : i32
      %dma_start3A_8 = tpu.memref_slice %arg5[%arg0, %mul3A_7, %dma_start3A] : memref<2x10240x128xf32, #tpu.memory_space<hbm>> -> memref<1x640x128xf32, #tpu.memory_space<hbm>>
      %dma_start3A_9 = tpu.memref_squeeze %dma_start3A_8 : memref<1x640x128xf32, #tpu.memory_space<hbm>> -> memref<640x128xf32, #tpu.memory_space<hbm>>
      %dma_start3A_10 = arith.constant 0 : i32
      %dma_start3A_11 = tpu.memref_slice %arg10[%mul3A_5, %dma_start3A_10] : memref<10240x128xf32, #tpu.memory_space<vmem_shared>> -> memref<640x128xf32, #tpu.memory_space<vmem_shared>>
      tpu.enqueue_dma source(%dma_start3A_11 : memref<640x128xf32, #tpu.memory_space<vmem_shared>>) target(%dma_start3A_9 : memref<640x128xf32, #tpu.memory_space<hbm>>) target_semaphore(%run_scoped3A : memref<!tpu.dma_semaphore, #tpu.memory_space<semaphore_mem>>)
      %dma_wait3A = arith.constant 0 : i32
      %dma_wait3A_12 = tpu.memref_slice %arg5[%arg0, %mul3A_7, %dma_wait3A] : memref<2x10240x128xf32, #tpu.memory_space<hbm>> -> memref<1x640x128xf32, #tpu.memory_space<hbm>>
      %dma_wait3A_13 = tpu.memref_squeeze %dma_wait3A_12 : memref<1x640x128xf32, #tpu.memory_space<hbm>> -> memref<640x128xf32, #tpu.memory_space<hbm>>
      %dma_wait3A_14 = arith.constant 0 : i32
      %dma_wait3A_15 = tpu.memref_slice %arg10[%mul3A_5, %dma_wait3A_14] : memref<10240x128xf32, #tpu.memory_space<vmem_shared>> -> memref<640x128xf32, #tpu.memory_space<vmem_shared>>
      tpu.wait_dma2 semaphore(%run_scoped3A : memref<!tpu.dma_semaphore, #tpu.memory_space<semaphore_mem>>) src(%dma_wait3A_15 : memref<640x128xf32, #tpu.memory_space<vmem_shared>>) dst(%dma_wait3A_13 : memref<640x128xf32, #tpu.memory_space<hbm>>)
      tpu.yield
    }) : () -> ()
    return
  }
}

#map = affine_map<(d0, d1) -> (0, 0)>
#map1 = affine_map<(d0, d1) -> (0, 0, 0)>
module attributes {stable_mosaic.version = 14 : i64} {
  func.func @mp_kernel(%arg0: i32, %arg1: i32, %arg2: memref<10000x128xf32, #tpu.memory_space<hbm>>, %arg3: memref<2560x2x128xi32, #tpu.memory_space<hbm>>, %arg4: memref<640x128xf32, #tpu.memory_space<hbm>>, %arg5: memref<2x10240x128xf32, #tpu.memory_space<hbm>>, %arg6: memref<2x128xi32, #tpu.memory_space<vmem>>, %arg7: memref<2x128xi32, #tpu.memory_space<vmem>>, %arg8: memref<128x128xf32, #tpu.memory_space<vmem>>, %arg9: memref<128x128xf32, #tpu.memory_space<vmem>>, %arg10: memref<10240x128xf32, #tpu.memory_space<vmem_shared>>) attributes {dimension_semantics = [#tpu.dimension_semantics<core_parallel>, #tpu.dimension_semantics<subcore_parallel>], iteration_bounds = array<i64: 2, 16>, scalar_prefetch = 0 : i64, scratch_operands = 5 : i64, tpu.core_type = #tpu.core_type<sc_vector_subcore>, window_params = [{transform_indices = #map}, {transform_indices = #map1}, {transform_indices = #map}, {transform_indices = #map1}]} {
    %mul3A = arith.constant 2 : i32
    %mul3A_0 = arith.muli %arg1, %mul3A : i32
    %add3A = arith.addi %mul3A_0, %arg0 : i32
    %mul3A_1 = arith.constant 640 : i32
    %mul3A_2 = arith.muli %arg1, %mul3A_1 : i32
    "tpu.region"() ({
      %run_scoped3A = tpu.sem_alloc : memref<!tpu.dma_semaphore, #tpu.memory_space<semaphore_mem>>
      %dma_start3A = arith.constant 0 : i32
      %dma_start3A_8 = tpu.memref_slice %arg10[%mul3A_2, %dma_start3A] : memref<10240x128xf32, #tpu.memory_space<vmem_shared>> -> memref<640x128xf32, #tpu.memory_space<vmem_shared>>
      tpu.enqueue_dma source(%arg4 : memref<640x128xf32, #tpu.memory_space<hbm>>) target(%dma_start3A_8 : memref<640x128xf32, #tpu.memory_space<vmem_shared>>) target_semaphore(%run_scoped3A : memref<!tpu.dma_semaphore, #tpu.memory_space<semaphore_mem>>)
      %dma_wait3A = arith.constant 0 : i32
      %dma_wait3A_9 = tpu.memref_slice %arg10[%mul3A_2, %dma_wait3A] : memref<10240x128xf32, #tpu.memory_space<vmem_shared>> -> memref<640x128xf32, #tpu.memory_space<vmem_shared>>
      tpu.wait_dma2 semaphore(%run_scoped3A : memref<!tpu.dma_semaphore, #tpu.memory_space<semaphore_mem>>) src(%arg4 : memref<640x128xf32, #tpu.memory_space<hbm>>) dst(%dma_wait3A_9 : memref<640x128xf32, #tpu.memory_space<vmem_shared>>)
      tpu.yield
    }) : () -> ()
    %barrier3A = arith.constant 0 : index
    tpu.barrier barrier_id(%barrier3A)
    "tpu.region"() ({
      %run_scoped3A = tpu.sem_alloc : memref<!tpu.dma_semaphore, #tpu.memory_space<semaphore_mem>>
      %run_scoped3A_8 = tpu.sem_alloc : memref<!tpu.dma_semaphore, #tpu.memory_space<semaphore_mem>>
      %run_scoped3A_9 = tpu.sem_alloc : memref<!tpu.dma_semaphore, #tpu.memory_space<semaphore_mem>>
      %run_scoped3A_10 = tpu.sem_alloc : memref<!tpu.dma_semaphore, #tpu.memory_space<semaphore_mem>>
      %add3A_11 = arith.constant 0 : i32
      %add3A_12 = arith.addi %add3A, %add3A_11 : i32
      "tpu.region"() ({
        %run_scoped3A_46 = tpu.sem_alloc : memref<!tpu.dma_semaphore, #tpu.memory_space<semaphore_mem>>
        %dma_start3A_47 = arith.constant 0 : i32
        %dma_start3A_48 = arith.constant 0 : i32
        %dma_start3A_49 = tpu.memref_slice %arg3[%add3A_12, %dma_start3A_47, %dma_start3A_48] : memref<2560x2x128xi32, #tpu.memory_space<hbm>> -> memref<1x2x128xi32, #tpu.memory_space<hbm>>
        %dma_start3A_50 = tpu.memref_squeeze %dma_start3A_49 : memref<1x2x128xi32, #tpu.memory_space<hbm>> -> memref<2x128xi32, #tpu.memory_space<hbm>>
        %dma_start3A_51 = arith.constant 0 : i32
        %dma_start3A_52 = arith.constant 0 : i32
        %dma_start3A_53 = tpu.memref_slice %arg3[%add3A_12, %dma_start3A_51, %dma_start3A_52] : memref<2560x2x128xi32, #tpu.memory_space<hbm>> -> memref<1x2x128xi32, #tpu.memory_space<hbm>>
        %dma_start3A_54 = tpu.memref_squeeze %dma_start3A_53 : memref<1x2x128xi32, #tpu.memory_space<hbm>> -> memref<2x128xi32, #tpu.memory_space<hbm>>
        tpu.enqueue_dma source(%dma_start3A_54 : memref<2x128xi32, #tpu.memory_space<hbm>>) target(%arg6 : memref<2x128xi32, #tpu.memory_space<vmem>>) target_semaphore(%run_scoped3A_46 : memref<!tpu.dma_semaphore, #tpu.memory_space<semaphore_mem>>)
        %dma_wait3A_55 = arith.constant 0 : i32
        %dma_wait3A_56 = arith.constant 0 : i32
        %dma_wait3A_57 = tpu.memref_slice %arg3[%add3A_12, %dma_wait3A_55, %dma_wait3A_56] : memref<2560x2x128xi32, #tpu.memory_space<hbm>> -> memref<1x2x128xi32, #tpu.memory_space<hbm>>
        %dma_wait3A_58 = tpu.memref_squeeze %dma_wait3A_57 : memref<1x2x128xi32, #tpu.memory_space<hbm>> -> memref<2x128xi32, #tpu.memory_space<hbm>>
        %dma_wait3A_59 = arith.constant 0 : i32
        %dma_wait3A_60 = arith.constant 0 : i32
        %dma_wait3A_61 = tpu.memref_slice %arg3[%add3A_12, %dma_wait3A_59, %dma_wait3A_60] : memref<2560x2x128xi32, #tpu.memory_space<hbm>> -> memref<1x2x128xi32, #tpu.memory_space<hbm>>
        %dma_wait3A_62 = tpu.memref_squeeze %dma_wait3A_61 : memref<1x2x128xi32, #tpu.memory_space<hbm>> -> memref<2x128xi32, #tpu.memory_space<hbm>>
        tpu.wait_dma2 semaphore(%run_scoped3A_46 : memref<!tpu.dma_semaphore, #tpu.memory_space<semaphore_mem>>) src(%dma_wait3A_62 : memref<2x128xi32, #tpu.memory_space<hbm>>) dst(%arg6 : memref<2x128xi32, #tpu.memory_space<vmem>>)
        tpu.yield
      }) : () -> ()
      %dma_start3A = arith.constant 0 : i32
      %dma_start3A_13 = arith.constant 0 : i32
      %dma_start3A_14 = tpu.memref_slice %arg6[%dma_start3A, %dma_start3A_13] : memref<2x128xi32, #tpu.memory_space<vmem>> -> memref<1x128xi32, #tpu.memory_space<vmem>>
      %dma_start3A_15 = tpu.memref_squeeze %dma_start3A_14 : memref<1x128xi32, #tpu.memory_space<vmem>> -> memref<128xi32, #tpu.memory_space<vmem>>
      %dma_start3A_16 = arith.constant 0 : i32
      %dma_start3A_17 = arith.constant 0 : i32
      %dma_start3A_18 = tpu.memref_slice %arg2[%dma_start3A_16, %dma_start3A_17] : memref<10000x128xf32, #tpu.memory_space<hbm>> -> memref<10000x128xf32, #tpu.memory_space<hbm>>
      tpu.enqueue_indirect_dma source(%dma_start3A_18 : memref<10000x128xf32, #tpu.memory_space<hbm>>) target(%arg8 : memref<128x128xf32, #tpu.memory_space<vmem>>) offsets(%dma_start3A_15 : memref<128xi32, #tpu.memory_space<vmem>>) semaphore(%run_scoped3A : memref<!tpu.dma_semaphore, #tpu.memory_space<semaphore_mem>>)
      %add3A_19 = arith.constant 32 : i32
      %add3A_20 = arith.addi %add3A, %add3A_19 : i32
      "tpu.region"() ({
        %run_scoped3A_46 = tpu.sem_alloc : memref<!tpu.dma_semaphore, #tpu.memory_space<semaphore_mem>>
        %dma_start3A_47 = arith.constant 0 : i32
        %dma_start3A_48 = arith.constant 0 : i32
        %dma_start3A_49 = tpu.memref_slice %arg3[%add3A_20, %dma_start3A_47, %dma_start3A_48] : memref<2560x2x128xi32, #tpu.memory_space<hbm>> -> memref<1x2x128xi32, #tpu.memory_space<hbm>>
        %dma_start3A_50 = tpu.memref_squeeze %dma_start3A_49 : memref<1x2x128xi32, #tpu.memory_space<hbm>> -> memref<2x128xi32, #tpu.memory_space<hbm>>
        %dma_start3A_51 = arith.constant 0 : i32
        %dma_start3A_52 = arith.constant 0 : i32
        %dma_start3A_53 = tpu.memref_slice %arg3[%add3A_20, %dma_start3A_51, %dma_start3A_52] : memref<2560x2x128xi32, #tpu.memory_space<hbm>> -> memref<1x2x128xi32, #tpu.memory_space<hbm>>
        %dma_start3A_54 = tpu.memref_squeeze %dma_start3A_53 : memref<1x2x128xi32, #tpu.memory_space<hbm>> -> memref<2x128xi32, #tpu.memory_space<hbm>>
        tpu.enqueue_dma source(%dma_start3A_54 : memref<2x128xi32, #tpu.memory_space<hbm>>) target(%arg7 : memref<2x128xi32, #tpu.memory_space<vmem>>) target_semaphore(%run_scoped3A_46 : memref<!tpu.dma_semaphore, #tpu.memory_space<semaphore_mem>>)
        %dma_wait3A_55 = arith.constant 0 : i32
        %dma_wait3A_56 = arith.constant 0 : i32
        %dma_wait3A_57 = tpu.memref_slice %arg3[%add3A_20, %dma_wait3A_55, %dma_wait3A_56] : memref<2560x2x128xi32, #tpu.memory_space<hbm>> -> memref<1x2x128xi32, #tpu.memory_space<hbm>>
        %dma_wait3A_58 = tpu.memref_squeeze %dma_wait3A_57 : memref<1x2x128xi32, #tpu.memory_space<hbm>> -> memref<2x128xi32, #tpu.memory_space<hbm>>
        %dma_wait3A_59 = arith.constant 0 : i32
        %dma_wait3A_60 = arith.constant 0 : i32
        %dma_wait3A_61 = tpu.memref_slice %arg3[%add3A_20, %dma_wait3A_59, %dma_wait3A_60] : memref<2560x2x128xi32, #tpu.memory_space<hbm>> -> memref<1x2x128xi32, #tpu.memory_space<hbm>>
        %dma_wait3A_62 = tpu.memref_squeeze %dma_wait3A_61 : memref<1x2x128xi32, #tpu.memory_space<hbm>> -> memref<2x128xi32, #tpu.memory_space<hbm>>
        tpu.wait_dma2 semaphore(%run_scoped3A_46 : memref<!tpu.dma_semaphore, #tpu.memory_space<semaphore_mem>>) src(%dma_wait3A_62 : memref<2x128xi32, #tpu.memory_space<hbm>>) dst(%arg7 : memref<2x128xi32, #tpu.memory_space<vmem>>)
        tpu.yield
      }) : () -> ()
      %dma_start3A_21 = arith.constant 0 : i32
      %dma_start3A_22 = arith.constant 0 : i32
      %dma_start3A_23 = tpu.memref_slice %arg7[%dma_start3A_21, %dma_start3A_22] : memref<2x128xi32, #tpu.memory_space<vmem>> -> memref<1x128xi32, #tpu.memory_space<vmem>>
      %dma_start3A_24 = tpu.memref_squeeze %dma_start3A_23 : memref<1x128xi32, #tpu.memory_space<vmem>> -> memref<128xi32, #tpu.memory_space<vmem>>
      %dma_start3A_25 = arith.constant 0 : i32
      %dma_start3A_26 = arith.constant 0 : i32
      %dma_start3A_27 = tpu.memref_slice %arg2[%dma_start3A_25, %dma_start3A_26] : memref<10000x128xf32, #tpu.memory_space<hbm>> -> memref<10000x128xf32, #tpu.memory_space<hbm>>
      tpu.enqueue_indirect_dma source(%dma_start3A_27 : memref<10000x128xf32, #tpu.memory_space<hbm>>) target(%arg9 : memref<128x128xf32, #tpu.memory_space<vmem>>) offsets(%dma_start3A_24 : memref<128xi32, #tpu.memory_space<vmem>>) semaphore(%run_scoped3A_8 : memref<!tpu.dma_semaphore, #tpu.memory_space<semaphore_mem>>)
      %scan3A = arith.constant 0 : i32
      %scan3A_28 = arith.constant 0 : i32
      %scan3A_29 = arith.constant 40 : i32
      %scan3A_30 = arith.addi %scan3A_28, %scan3A_29 : i32
      %scan3A_31 = arith.constant 1 : i32
      scf.for %scan3A_46 = %scan3A_28 to %scan3A_30 step %scan3A_31  : i32 {
        %mul3A_47 = arith.constant 2 : i32
        %mul3A_48 = arith.muli %mul3A_47, %scan3A_46 : i32
        %add3A_49 = arith.constant 0 : i32
        %add3A_50 = arith.addi %mul3A_48, %add3A_49 : i32
        %dma_wait3A_51 = arith.constant 0 : i32
        %dma_wait3A_52 = arith.constant 0 : i32
        %dma_wait3A_53 = tpu.memref_slice %arg6[%dma_wait3A_51, %dma_wait3A_52] : memref<2x128xi32, #tpu.memory_space<vmem>> -> memref<1x128xi32, #tpu.memory_space<vmem>>
        %dma_wait3A_54 = tpu.memref_squeeze %dma_wait3A_53 : memref<1x128xi32, #tpu.memory_space<vmem>> -> memref<128xi32, #tpu.memory_space<vmem>>
        %dma_wait3A_55 = arith.constant 0 : i32
        %dma_wait3A_56 = arith.constant 0 : i32
        %dma_wait3A_57 = tpu.memref_slice %arg2[%dma_wait3A_55, %dma_wait3A_56] : memref<10000x128xf32, #tpu.memory_space<hbm>> -> memref<10000x128xf32, #tpu.memory_space<hbm>>
        tpu.wait_indirect_dma semaphore(%run_scoped3A : memref<!tpu.dma_semaphore, #tpu.memory_space<semaphore_mem>>) src(%dma_wait3A_57 : memref<10000x128xf32, #tpu.memory_space<hbm>>) dst(%arg8 : memref<128x128xf32, #tpu.memory_space<vmem>>)
        %dma_start3A_58 = arith.constant 1 : i32
        %dma_start3A_59 = arith.constant 0 : i32
        %dma_start3A_60 = tpu.memref_slice %arg6[%dma_start3A_58, %dma_start3A_59] : memref<2x128xi32, #tpu.memory_space<vmem>> -> memref<1x128xi32, #tpu.memory_space<vmem>>
        %dma_start3A_61 = tpu.memref_squeeze %dma_start3A_60 : memref<1x128xi32, #tpu.memory_space<vmem>> -> memref<128xi32, #tpu.memory_space<vmem>>
        %dma_start3A_62 = arith.constant 0 : i32
        %dma_start3A_63 = arith.constant 0 : i32
        %dma_start3A_64 = tpu.memref_slice %arg10[%dma_start3A_62, %dma_start3A_63] : memref<10240x128xf32, #tpu.memory_space<vmem_shared>> -> memref<10240x128xf32, #tpu.memory_space<vmem_shared>>
        tpu.enqueue_indirect_dma source(%arg8 : memref<128x128xf32, #tpu.memory_space<vmem>>) target(%dma_start3A_64 : memref<10240x128xf32, #tpu.memory_space<vmem_shared>>) offsets(%dma_start3A_61 : memref<128xi32, #tpu.memory_space<vmem>>) semaphore(%run_scoped3A_9 : memref<!tpu.dma_semaphore, #tpu.memory_space<semaphore_mem>>) {add = true}
        %add3A_65 = arith.constant 2 : i32
        %add3A_66 = arith.addi %add3A_50, %add3A_65 : i32
        %lt3A = arith.constant 80 : i32
        %lt3A_67 = arith.cmpi slt, %add3A_66, %lt3A : i32
        %convert_element_type3A = arith.extui %lt3A_67 : i1 to i32
        %cond3A = arith.constant 0 : i32
        %cond3A_68 = arith.cmpi ne, %convert_element_type3A, %cond3A : i32
        scf.if %cond3A_68 {
          %dma_wait3A_94 = arith.constant 1 : i32
          %dma_wait3A_95 = arith.constant 0 : i32
          %dma_wait3A_96 = tpu.memref_slice %arg6[%dma_wait3A_94, %dma_wait3A_95] : memref<2x128xi32, #tpu.memory_space<vmem>> -> memref<1x128xi32, #tpu.memory_space<vmem>>
          %dma_wait3A_97 = tpu.memref_squeeze %dma_wait3A_96 : memref<1x128xi32, #tpu.memory_space<vmem>> -> memref<128xi32, #tpu.memory_space<vmem>>
          %dma_wait3A_98 = arith.constant 0 : i32
          %dma_wait3A_99 = arith.constant 0 : i32
          %dma_wait3A_100 = tpu.memref_slice %arg10[%dma_wait3A_98, %dma_wait3A_99] : memref<10240x128xf32, #tpu.memory_space<vmem_shared>> -> memref<10240x128xf32, #tpu.memory_space<vmem_shared>>
          tpu.wait_indirect_dma semaphore(%run_scoped3A_9 : memref<!tpu.dma_semaphore, #tpu.memory_space<semaphore_mem>>) src(%arg8 : memref<128x128xf32, #tpu.memory_space<vmem>>) dst(%dma_wait3A_100 : memref<10240x128xf32, #tpu.memory_space<vmem_shared>>)
          %add3A_101 = arith.constant 2 : i32
          %add3A_102 = arith.addi %add3A_50, %add3A_101 : i32
          %mul3A_103 = arith.constant 32 : i32
          %mul3A_104 = arith.muli %add3A_102, %mul3A_103 : i32
          %add3A_105 = arith.addi %add3A, %mul3A_104 : i32
          "tpu.region"() ({
            %run_scoped3A_113 = tpu.sem_alloc : memref<!tpu.dma_semaphore, #tpu.memory_space<semaphore_mem>>
            %dma_start3A_114 = arith.constant 0 : i32
            %dma_start3A_115 = arith.constant 0 : i32
            %dma_start3A_116 = tpu.memref_slice %arg3[%add3A_105, %dma_start3A_114, %dma_start3A_115] : memref<2560x2x128xi32, #tpu.memory_space<hbm>> -> memref<1x2x128xi32, #tpu.memory_space<hbm>>
            %dma_start3A_117 = tpu.memref_squeeze %dma_start3A_116 : memref<1x2x128xi32, #tpu.memory_space<hbm>> -> memref<2x128xi32, #tpu.memory_space<hbm>>
            %dma_start3A_118 = arith.constant 0 : i32
            %dma_start3A_119 = arith.constant 0 : i32
            %dma_start3A_120 = tpu.memref_slice %arg3[%add3A_105, %dma_start3A_118, %dma_start3A_119] : memref<2560x2x128xi32, #tpu.memory_space<hbm>> -> memref<1x2x128xi32, #tpu.memory_space<hbm>>
            %dma_start3A_121 = tpu.memref_squeeze %dma_start3A_120 : memref<1x2x128xi32, #tpu.memory_space<hbm>> -> memref<2x128xi32, #tpu.memory_space<hbm>>
            tpu.enqueue_dma source(%dma_start3A_121 : memref<2x128xi32, #tpu.memory_space<hbm>>) target(%arg6 : memref<2x128xi32, #tpu.memory_space<vmem>>) target_semaphore(%run_scoped3A_113 : memref<!tpu.dma_semaphore, #tpu.memory_space<semaphore_mem>>)
            %dma_wait3A_122 = arith.constant 0 : i32
            %dma_wait3A_123 = arith.constant 0 : i32
            %dma_wait3A_124 = tpu.memref_slice %arg3[%add3A_105, %dma_wait3A_122, %dma_wait3A_123] : memref<2560x2x128xi32, #tpu.memory_space<hbm>> -> memref<1x2x128xi32, #tpu.memory_space<hbm>>
            %dma_wait3A_125 = tpu.memref_squeeze %dma_wait3A_124 : memref<1x2x128xi32, #tpu.memory_space<hbm>> -> memref<2x128xi32, #tpu.memory_space<hbm>>
            %dma_wait3A_126 = arith.constant 0 : i32
            %dma_wait3A_127 = arith.constant 0 : i32
            %dma_wait3A_128 = tpu.memref_slice %arg3[%add3A_105, %dma_wait3A_126, %dma_wait3A_127] : memref<2560x2x128xi32, #tpu.memory_space<hbm>> -> memref<1x2x128xi32, #tpu.memory_space<hbm>>
            %dma_wait3A_129 = tpu.memref_squeeze %dma_wait3A_128 : memref<1x2x128xi32, #tpu.memory_space<hbm>> -> memref<2x128xi32, #tpu.memory_space<hbm>>
            tpu.wait_dma2 semaphore(%run_scoped3A_113 : memref<!tpu.dma_semaphore, #tpu.memory_space<semaphore_mem>>) src(%dma_wait3A_129 : memref<2x128xi32, #tpu.memory_space<hbm>>) dst(%arg6 : memref<2x128xi32, #tpu.memory_space<vmem>>)
            tpu.yield
          }) : () -> ()
          %dma_start3A_106 = arith.constant 0 : i32
          %dma_start3A_107 = arith.constant 0 : i32
          %dma_start3A_108 = tpu.memref_slice %arg6[%dma_start3A_106, %dma_start3A_107] : memref<2x128xi32, #tpu.memory_space<vmem>> -> memref<1x128xi32, #tpu.memory_space<vmem>>
          %dma_start3A_109 = tpu.memref_squeeze %dma_start3A_108 : memref<1x128xi32, #tpu.memory_space<vmem>> -> memref<128xi32, #tpu.memory_space<vmem>>
          %dma_start3A_110 = arith.constant 0 : i32
          %dma_start3A_111 = arith.constant 0 : i32
          %dma_start3A_112 = tpu.memref_slice %arg2[%dma_start3A_110, %dma_start3A_111] : memref<10000x128xf32, #tpu.memory_space<hbm>> -> memref<10000x128xf32, #tpu.memory_space<hbm>>
          tpu.enqueue_indirect_dma source(%dma_start3A_112 : memref<10000x128xf32, #tpu.memory_space<hbm>>) target(%arg8 : memref<128x128xf32, #tpu.memory_space<vmem>>) offsets(%dma_start3A_109 : memref<128xi32, #tpu.memory_space<vmem>>) semaphore(%run_scoped3A : memref<!tpu.dma_semaphore, #tpu.memory_space<semaphore_mem>>)
        } else {
        }
        %mul3A_69 = arith.constant 2 : i32
        %mul3A_70 = arith.muli %mul3A_69, %scan3A_46 : i32
        %add3A_71 = arith.constant 1 : i32
        %add3A_72 = arith.addi %mul3A_70, %add3A_71 : i32
        %dma_wait3A_73 = arith.constant 0 : i32
        %dma_wait3A_74 = arith.constant 0 : i32
        %dma_wait3A_75 = tpu.memref_slice %arg7[%dma_wait3A_73, %dma_wait3A_74] : memref<2x128xi32, #tpu.memory_space<vmem>> -> memref<1x128xi32, #tpu.memory_space<vmem>>
        %dma_wait3A_76 = tpu.memref_squeeze %dma_wait3A_75 : memref<1x128xi32, #tpu.memory_space<vmem>> -> memref<128xi32, #tpu.memory_space<vmem>>
        %dma_wait3A_77 = arith.constant 0 : i32
        %dma_wait3A_78 = arith.constant 0 : i32
        %dma_wait3A_79 = tpu.memref_slice %arg2[%dma_wait3A_77, %dma_wait3A_78] : memref<10000x128xf32, #tpu.memory_space<hbm>> -> memref<10000x128xf32, #tpu.memory_space<hbm>>
        tpu.wait_indirect_dma semaphore(%run_scoped3A_8 : memref<!tpu.dma_semaphore, #tpu.memory_space<semaphore_mem>>) src(%dma_wait3A_79 : memref<10000x128xf32, #tpu.memory_space<hbm>>) dst(%arg9 : memref<128x128xf32, #tpu.memory_space<vmem>>)
        %dma_start3A_80 = arith.constant 1 : i32
        %dma_start3A_81 = arith.constant 0 : i32
        %dma_start3A_82 = tpu.memref_slice %arg7[%dma_start3A_80, %dma_start3A_81] : memref<2x128xi32, #tpu.memory_space<vmem>> -> memref<1x128xi32, #tpu.memory_space<vmem>>
        %dma_start3A_83 = tpu.memref_squeeze %dma_start3A_82 : memref<1x128xi32, #tpu.memory_space<vmem>> -> memref<128xi32, #tpu.memory_space<vmem>>
        %dma_start3A_84 = arith.constant 0 : i32
        %dma_start3A_85 = arith.constant 0 : i32
        %dma_start3A_86 = tpu.memref_slice %arg10[%dma_start3A_84, %dma_start3A_85] : memref<10240x128xf32, #tpu.memory_space<vmem_shared>> -> memref<10240x128xf32, #tpu.memory_space<vmem_shared>>
        tpu.enqueue_indirect_dma source(%arg9 : memref<128x128xf32, #tpu.memory_space<vmem>>) target(%dma_start3A_86 : memref<10240x128xf32, #tpu.memory_space<vmem_shared>>) offsets(%dma_start3A_83 : memref<128xi32, #tpu.memory_space<vmem>>) semaphore(%run_scoped3A_10 : memref<!tpu.dma_semaphore, #tpu.memory_space<semaphore_mem>>) {add = true}
        %add3A_87 = arith.constant 2 : i32
        %add3A_88 = arith.addi %add3A_72, %add3A_87 : i32
        %lt3A_89 = arith.constant 80 : i32
        %lt3A_90 = arith.cmpi slt, %add3A_88, %lt3A_89 : i32
        %convert_element_type3A_91 = arith.extui %lt3A_90 : i1 to i32
        %cond3A_92 = arith.constant 0 : i32
        %cond3A_93 = arith.cmpi ne, %convert_element_type3A_91, %cond3A_92 : i32
        scf.if %cond3A_93 {
          %dma_wait3A_94 = arith.constant 1 : i32
          %dma_wait3A_95 = arith.constant 0 : i32
          %dma_wait3A_96 = tpu.memref_slice %arg7[%dma_wait3A_94, %dma_wait3A_95] : memref<2x128xi32, #tpu.memory_space<vmem>> -> memref<1x128xi32, #tpu.memory_space<vmem>>
          %dma_wait3A_97 = tpu.memref_squeeze %dma_wait3A_96 : memref<1x128xi32, #tpu.memory_space<vmem>> -> memref<128xi32, #tpu.memory_space<vmem>>
          %dma_wait3A_98 = arith.constant 0 : i32
          %dma_wait3A_99 = arith.constant 0 : i32
          %dma_wait3A_100 = tpu.memref_slice %arg10[%dma_wait3A_98, %dma_wait3A_99] : memref<10240x128xf32, #tpu.memory_space<vmem_shared>> -> memref<10240x128xf32, #tpu.memory_space<vmem_shared>>
          tpu.wait_indirect_dma semaphore(%run_scoped3A_10 : memref<!tpu.dma_semaphore, #tpu.memory_space<semaphore_mem>>) src(%arg9 : memref<128x128xf32, #tpu.memory_space<vmem>>) dst(%dma_wait3A_100 : memref<10240x128xf32, #tpu.memory_space<vmem_shared>>)
          %add3A_101 = arith.constant 2 : i32
          %add3A_102 = arith.addi %add3A_72, %add3A_101 : i32
          %mul3A_103 = arith.constant 32 : i32
          %mul3A_104 = arith.muli %add3A_102, %mul3A_103 : i32
          %add3A_105 = arith.addi %add3A, %mul3A_104 : i32
          "tpu.region"() ({
            %run_scoped3A_113 = tpu.sem_alloc : memref<!tpu.dma_semaphore, #tpu.memory_space<semaphore_mem>>
            %dma_start3A_114 = arith.constant 0 : i32
            %dma_start3A_115 = arith.constant 0 : i32
            %dma_start3A_116 = tpu.memref_slice %arg3[%add3A_105, %dma_start3A_114, %dma_start3A_115] : memref<2560x2x128xi32, #tpu.memory_space<hbm>> -> memref<1x2x128xi32, #tpu.memory_space<hbm>>
            %dma_start3A_117 = tpu.memref_squeeze %dma_start3A_116 : memref<1x2x128xi32, #tpu.memory_space<hbm>> -> memref<2x128xi32, #tpu.memory_space<hbm>>
            %dma_start3A_118 = arith.constant 0 : i32
            %dma_start3A_119 = arith.constant 0 : i32
            %dma_start3A_120 = tpu.memref_slice %arg3[%add3A_105, %dma_start3A_118, %dma_start3A_119] : memref<2560x2x128xi32, #tpu.memory_space<hbm>> -> memref<1x2x128xi32, #tpu.memory_space<hbm>>
            %dma_start3A_121 = tpu.memref_squeeze %dma_start3A_120 : memref<1x2x128xi32, #tpu.memory_space<hbm>> -> memref<2x128xi32, #tpu.memory_space<hbm>>
            tpu.enqueue_dma source(%dma_start3A_121 : memref<2x128xi32, #tpu.memory_space<hbm>>) target(%arg7 : memref<2x128xi32, #tpu.memory_space<vmem>>) target_semaphore(%run_scoped3A_113 : memref<!tpu.dma_semaphore, #tpu.memory_space<semaphore_mem>>)
            %dma_wait3A_122 = arith.constant 0 : i32
            %dma_wait3A_123 = arith.constant 0 : i32
            %dma_wait3A_124 = tpu.memref_slice %arg3[%add3A_105, %dma_wait3A_122, %dma_wait3A_123] : memref<2560x2x128xi32, #tpu.memory_space<hbm>> -> memref<1x2x128xi32, #tpu.memory_space<hbm>>
            %dma_wait3A_125 = tpu.memref_squeeze %dma_wait3A_124 : memref<1x2x128xi32, #tpu.memory_space<hbm>> -> memref<2x128xi32, #tpu.memory_space<hbm>>
            %dma_wait3A_126 = arith.constant 0 : i32
            %dma_wait3A_127 = arith.constant 0 : i32
            %dma_wait3A_128 = tpu.memref_slice %arg3[%add3A_105, %dma_wait3A_126, %dma_wait3A_127] : memref<2560x2x128xi32, #tpu.memory_space<hbm>> -> memref<1x2x128xi32, #tpu.memory_space<hbm>>
            %dma_wait3A_129 = tpu.memref_squeeze %dma_wait3A_128 : memref<1x2x128xi32, #tpu.memory_space<hbm>> -> memref<2x128xi32, #tpu.memory_space<hbm>>
            tpu.wait_dma2 semaphore(%run_scoped3A_113 : memref<!tpu.dma_semaphore, #tpu.memory_space<semaphore_mem>>) src(%dma_wait3A_129 : memref<2x128xi32, #tpu.memory_space<hbm>>) dst(%arg7 : memref<2x128xi32, #tpu.memory_space<vmem>>)
            tpu.yield
          }) : () -> ()
          %dma_start3A_106 = arith.constant 0 : i32
          %dma_start3A_107 = arith.constant 0 : i32
          %dma_start3A_108 = tpu.memref_slice %arg7[%dma_start3A_106, %dma_start3A_107] : memref<2x128xi32, #tpu.memory_space<vmem>> -> memref<1x128xi32, #tpu.memory_space<vmem>>
          %dma_start3A_109 = tpu.memref_squeeze %dma_start3A_108 : memref<1x128xi32, #tpu.memory_space<vmem>> -> memref<128xi32, #tpu.memory_space<vmem>>
          %dma_start3A_110 = arith.constant 0 : i32
          %dma_start3A_111 = arith.constant 0 : i32
          %dma_start3A_112 = tpu.memref_slice %arg2[%dma_start3A_110, %dma_start3A_111] : memref<10000x128xf32, #tpu.memory_space<hbm>> -> memref<10000x128xf32, #tpu.memory_space<hbm>>
          tpu.enqueue_indirect_dma source(%dma_start3A_112 : memref<10000x128xf32, #tpu.memory_space<hbm>>) target(%arg9 : memref<128x128xf32, #tpu.memory_space<vmem>>) offsets(%dma_start3A_109 : memref<128xi32, #tpu.memory_space<vmem>>) semaphore(%run_scoped3A_8 : memref<!tpu.dma_semaphore, #tpu.memory_space<semaphore_mem>>)
        } else {
        }
      }
      %scan3A_32 = arith.constant 40 : i32
      %dma_wait3A = arith.constant 1 : i32
      %dma_wait3A_33 = arith.constant 0 : i32
      %dma_wait3A_34 = tpu.memref_slice %arg6[%dma_wait3A, %dma_wait3A_33] : memref<2x128xi32, #tpu.memory_space<vmem>> -> memref<1x128xi32, #tpu.memory_space<vmem>>
      %dma_wait3A_35 = tpu.memref_squeeze %dma_wait3A_34 : memref<1x128xi32, #tpu.memory_space<vmem>> -> memref<128xi32, #tpu.memory_space<vmem>>
      %dma_wait3A_36 = arith.constant 0 : i32
      %dma_wait3A_37 = arith.constant 0 : i32
      %dma_wait3A_38 = tpu.memref_slice %arg10[%dma_wait3A_36, %dma_wait3A_37] : memref<10240x128xf32, #tpu.memory_space<vmem_shared>> -> memref<10240x128xf32, #tpu.memory_space<vmem_shared>>
      tpu.wait_indirect_dma semaphore(%run_scoped3A_9 : memref<!tpu.dma_semaphore, #tpu.memory_space<semaphore_mem>>) src(%arg8 : memref<128x128xf32, #tpu.memory_space<vmem>>) dst(%dma_wait3A_38 : memref<10240x128xf32, #tpu.memory_space<vmem_shared>>)
      %dma_wait3A_39 = arith.constant 1 : i32
      %dma_wait3A_40 = arith.constant 0 : i32
      %dma_wait3A_41 = tpu.memref_slice %arg7[%dma_wait3A_39, %dma_wait3A_40] : memref<2x128xi32, #tpu.memory_space<vmem>> -> memref<1x128xi32, #tpu.memory_space<vmem>>
      %dma_wait3A_42 = tpu.memref_squeeze %dma_wait3A_41 : memref<1x128xi32, #tpu.memory_space<vmem>> -> memref<128xi32, #tpu.memory_space<vmem>>
      %dma_wait3A_43 = arith.constant 0 : i32
      %dma_wait3A_44 = arith.constant 0 : i32
      %dma_wait3A_45 = tpu.memref_slice %arg10[%dma_wait3A_43, %dma_wait3A_44] : memref<10240x128xf32, #tpu.memory_space<vmem_shared>> -> memref<10240x128xf32, #tpu.memory_space<vmem_shared>>
      tpu.wait_indirect_dma semaphore(%run_scoped3A_10 : memref<!tpu.dma_semaphore, #tpu.memory_space<semaphore_mem>>) src(%arg9 : memref<128x128xf32, #tpu.memory_space<vmem>>) dst(%dma_wait3A_45 : memref<10240x128xf32, #tpu.memory_space<vmem_shared>>)
      tpu.yield
    }) : () -> ()
    %barrier3A_3 = arith.constant 0 : index
    tpu.barrier barrier_id(%barrier3A_3)
    %mul3A_4 = arith.constant 640 : i32
    %mul3A_5 = arith.muli %arg1, %mul3A_4 : i32
    %mul3A_6 = arith.constant 640 : i32
    %mul3A_7 = arith.muli %arg1, %mul3A_6 : i32
    "tpu.region"() ({
      %run_scoped3A = tpu.sem_alloc : memref<!tpu.dma_semaphore, #tpu.memory_space<semaphore_mem>>
      %dma_start3A = arith.constant 0 : i32
      %dma_start3A_8 = tpu.memref_slice %arg5[%arg0, %mul3A_7, %dma_start3A] : memref<2x10240x128xf32, #tpu.memory_space<hbm>> -> memref<1x640x128xf32, #tpu.memory_space<hbm>>
      %dma_start3A_9 = tpu.memref_squeeze %dma_start3A_8 : memref<1x640x128xf32, #tpu.memory_space<hbm>> -> memref<640x128xf32, #tpu.memory_space<hbm>>
      %dma_start3A_10 = arith.constant 0 : i32
      %dma_start3A_11 = tpu.memref_slice %arg10[%mul3A_5, %dma_start3A_10] : memref<10240x128xf32, #tpu.memory_space<vmem_shared>> -> memref<640x128xf32, #tpu.memory_space<vmem_shared>>
      tpu.enqueue_dma source(%dma_start3A_11 : memref<640x128xf32, #tpu.memory_space<vmem_shared>>) target(%dma_start3A_9 : memref<640x128xf32, #tpu.memory_space<hbm>>) target_semaphore(%run_scoped3A : memref<!tpu.dma_semaphore, #tpu.memory_space<semaphore_mem>>)
      %dma_wait3A = arith.constant 0 : i32
      %dma_wait3A_12 = tpu.memref_slice %arg5[%arg0, %mul3A_7, %dma_wait3A] : memref<2x10240x128xf32, #tpu.memory_space<hbm>> -> memref<1x640x128xf32, #tpu.memory_space<hbm>>
      %dma_wait3A_13 = tpu.memref_squeeze %dma_wait3A_12 : memref<1x640x128xf32, #tpu.memory_space<hbm>> -> memref<640x128xf32, #tpu.memory_space<hbm>>
      %dma_wait3A_14 = arith.constant 0 : i32
      %dma_wait3A_15 = tpu.memref_slice %arg10[%mul3A_5, %dma_wait3A_14] : memref<10240x128xf32, #tpu.memory_space<vmem_shared>> -> memref<640x128xf32, #tpu.memory_space<vmem_shared>>
      tpu.wait_dma2 semaphore(%run_scoped3A : memref<!tpu.dma_semaphore, #tpu.memory_space<semaphore_mem>>) src(%dma_wait3A_15 : memref<640x128xf32, #tpu.memory_space<vmem_shared>>) dst(%dma_wait3A_13 : memref<640x128xf32, #tpu.memory_space<hbm>>)
      tpu.yield
    }) : () -> ()
    return
  }
}

module attributes {stable_mosaic.version = 14 : i64} {
  func.func @body(%arg0: memref<2x10240xf32, #tpu.memory_space<vmem>>, %arg1: memref<10000x1xi32, #tpu.memory_space<vmem>>, %arg2: memref<1x10240xf32, #tpu.memory_space<vmem>>, %arg3: memref<8x128xf32, #tpu.memory_space<vmem>>) attributes {dimension_semantics = [], scalar_prefetch = 0 : i64, scratch_operands = 0 : i64, tpu.core_type = #tpu.core_type<tc>} {
    %get3A = arith.constant 0 : index
    %get3A_0 = arith.constant 0 : index
    %get3A_1 = vector.load %arg0[%get3A, %get3A_0] : memref<2x10240xf32, #tpu.memory_space<vmem>>, vector<1x10240xf32>
    %get3A_2 = vector.shape_cast %get3A_1 : vector<1x10240xf32> to vector<10240xf32>
    %get3A_3 = arith.constant 1 : index
    %get3A_4 = arith.constant 0 : index
    %get3A_5 = vector.load %arg0[%get3A_3, %get3A_4] : memref<2x10240xf32, #tpu.memory_space<vmem>>, vector<1x10240xf32>
    %get3A_6 = vector.shape_cast %get3A_5 : vector<1x10240xf32> to vector<10240xf32>
    %add3A = arith.addf %get3A_2, %get3A_6 : vector<10240xf32>
    %add3A_7 = arith.constant 1.000000e+00 : f32
    %add3A_8 = vector.broadcast %add3A_7 : f32 to vector<10240xf32>
    %add3A_9 = arith.addf %add3A, %add3A_8 : vector<10240xf32>
    %rsqrt3A = math.rsqrt %add3A_9 : vector<10240xf32>
    %broadcast_in_dim3A = vector.shape_cast %rsqrt3A : vector<10240xf32> to vector<1x10240xf32>
    %swap3A = arith.constant 0 : index
    %swap3A_10 = arith.constant 0 : index
    %swap3A_11 = vector.load %arg2[%swap3A, %swap3A_10] : memref<1x10240xf32, #tpu.memory_space<vmem>>, vector<1x10240xf32>
    tpu.vector_store %arg2[%swap3A, %swap3A_10], %broadcast_in_dim3A {strides = array<i32>} : memref<1x10240xf32, #tpu.memory_space<vmem>>, vector<1x10240xf32>,
    %iota3A = tpu.iota {dimensions = array<i32: 1>} : vector<1x8xi32>
    %get3A_12 = arith.constant 0 : index
    %get3A_13 = arith.constant 0 : index
    %get3A_14 = vector.load %arg1[%get3A_12, %get3A_13] : memref<10000x1xi32, #tpu.memory_space<vmem>>, vector<10000x1xi32>
    %eq3A = vector.broadcast %get3A_14 : vector<10000x1xi32> to vector<10000x8xi32>
    %eq3A_15 = vector.broadcast %iota3A : vector<1x8xi32> to vector<10000x8xi32>
    %eq3A_16 = arith.cmpi eq, %eq3A, %eq3A_15 : vector<10000x8xi32>
    %convert_element_type3A = arith.extui %eq3A_16 : vector<10000x8xi1> to vector<10000x8xi32>
    %convert_element_type3A_17 = arith.sitofp %convert_element_type3A : vector<10000x8xi32> to vector<10000x8xf32>
    %reduce_sum3A = arith.constant dense<0.000000e+00> : vector<8xf32>
    %reduce_sum3A_18 = vector.multi_reduction <add>, %convert_element_type3A_17, %reduce_sum3A [0] : vector<10000x8xf32> to vector<8xf32>
    %max3A = arith.constant 1.000000e+00 : f32
    %max3A_19 = vector.broadcast %max3A : f32 to vector<8xf32>
    %max3A_20 = arith.maximumf %reduce_sum3A_18, %max3A_19 : vector<8xf32>
    %broadcast_in_dim3A_21 = vector.shape_cast %max3A_20 : vector<8xf32> to vector<8x1xf32>
    %broadcast_in_dim3A_22 = vector.shape_cast %broadcast_in_dim3A_21 : vector<8x1xf32> to vector<8x1xf32>
    %broadcast_in_dim3A_23 = vector.broadcast %broadcast_in_dim3A_22 : vector<8x1xf32> to vector<8x128xf32>
    %swap3A_24 = arith.constant 0 : index
    %swap3A_25 = arith.constant 0 : index
    %swap3A_26 = vector.load %arg3[%swap3A_24, %swap3A_25] : memref<8x128xf32, #tpu.memory_space<vmem>>, vector<8x128xf32>
    tpu.vector_store %arg3[%swap3A_24, %swap3A_25], %broadcast_in_dim3A_23 {strides = array<i32>} : memref<8x128xf32, #tpu.memory_space<vmem>>, vector<8x128xf32>,
    return
  }
}

module attributes {stable_mosaic.version = 14 : i64} {
  func.func @body(%arg0: i32, %arg1: memref<1000x128xf32, #tpu.memory_space<vmem>>, %arg2: memref<128x128xf32, #tpu.memory_space<vmem>>, %arg3: memref<1x128xf32, #tpu.memory_space<vmem>>, %arg4: memref<1000x1xf32, #tpu.memory_space<vmem>>, %arg5: memref<1000x128xf32, #tpu.memory_space<vmem>>) attributes {dimension_semantics = [#tpu.dimension_semantics<arbitrary>], iteration_bounds = array<i64: 10>, scalar_prefetch = 0 : i64, scratch_operands = 0 : i64, tpu.core_type = #tpu.core_type<tc>, window_params = [{transform_indices = @transform_0, window_bounds = array<i64: 1000, 128>}, {pipeline_mode = #tpu.pipeline_mode<synchronous>, transform_indices = @transform_1, window_bounds = array<i64: 128, 128>}, {pipeline_mode = #tpu.pipeline_mode<synchronous>, transform_indices = @transform_2, window_bounds = array<i64: 1, 128>}, {transform_indices = @transform_3, window_bounds = array<i64: 1000, 1>}, {transform_indices = @transform_4, window_bounds = array<i64: 1000, 128>}]} {
    %get3A = arith.constant 0 : index
    %get3A_0 = arith.constant 0 : index
    %get3A_1 = vector.load %arg1[%get3A, %get3A_0] : memref<1000x128xf32, #tpu.memory_space<vmem>>, vector<1000x128xf32>
    %get3A_2 = arith.constant 0 : index
    %get3A_3 = arith.constant 0 : index
    %get3A_4 = vector.load %arg2[%get3A_2, %get3A_3] : memref<128x128xf32, #tpu.memory_space<vmem>>, vector<128x128xf32>
    %dot_general3A = arith.constant dense<0.000000e+00> : vector<1000x128xf32>
    %dot_general3A_5 = tpu.matmul %get3A_1, %get3A_4, %dot_general3A {dimension_numbers = #tpu.dot_dimension_numbers<[1], [0], [0], [1], [0, 0, 1, 1], [], []>, transpose_lhs_hint = false} : vector<1000x128xf32>, vector<128x128xf32>, vector<1000x128xf32> -> vector<1000x128xf32>
    %get3A_6 = arith.constant 0 : index
    %get3A_7 = arith.constant 0 : index
    %get3A_8 = vector.load %arg3[%get3A_6, %get3A_7] : memref<1x128xf32, #tpu.memory_space<vmem>>, vector<1x128xf32>
    %add3A = vector.broadcast %get3A_8 : vector<1x128xf32> to vector<1000x128xf32>
    %add3A_9 = arith.addf %dot_general3A_5, %add3A : vector<1000x128xf32>
    %get3A_10 = arith.constant 0 : index
    %get3A_11 = arith.constant 0 : index
    %get3A_12 = vector.load %arg4[%get3A_10, %get3A_11] : memref<1000x1xf32, #tpu.memory_space<vmem>>, vector<1000x1xf32>
    %mul3A = vector.broadcast %get3A_12 : vector<1000x1xf32> to vector<1000x128xf32>
    %mul3A_13 = arith.mulf %mul3A, %add3A_9 : vector<1000x128xf32>
    %swap3A = arith.constant 0 : index
    %swap3A_14 = arith.constant 0 : index
    %swap3A_15 = vector.load %arg5[%swap3A, %swap3A_14] : memref<1000x128xf32, #tpu.memory_space<vmem>>, vector<1000x128xf32>
    tpu.vector_store %arg5[%swap3A, %swap3A_14], %mul3A_13 {strides = array<i32>} : memref<1000x128xf32, #tpu.memory_space<vmem>>, vector<1000x128xf32>,
    return
  }
  func.func @transform_0(%arg0: i32) -> (i32, i32) {
    %c0_i32 = arith.constant 0 : i32
    %c0_i32_0 = arith.constant 0 : i32
    return %arg0, %c0_i32 : i32, i32
  }
  func.func @transform_1(%arg0: i32) -> (i32, i32) {
    %c0_i32 = arith.constant 0 : i32
    %c0_i32_0 = arith.constant 0 : i32
    %c0_i32_1 = arith.constant 0 : i32
    return %c0_i32, %c0_i32_0 : i32, i32
  }
  func.func @transform_2(%arg0: i32) -> (i32, i32) {
    %c0_i32 = arith.constant 0 : i32
    %c0_i32_0 = arith.constant 0 : i32
    %c0_i32_1 = arith.constant 0 : i32
    return %c0_i32, %c0_i32_0 : i32, i32
  }
  func.func @transform_3(%arg0: i32) -> (i32, i32) {
    %c0_i32 = arith.constant 0 : i32
    %c0_i32_0 = arith.constant 0 : i32
    return %arg0, %c0_i32 : i32, i32
  }
  func.func @transform_4(%arg0: i32) -> (i32, i32) {
    %c0_i32 = arith.constant 0 : i32
    %c0_i32_0 = arith.constant 0 : i32
    return %arg0, %c0_i32 : i32, i32
  }
}

module attributes {stable_mosaic.version = 14 : i64} {
  func.func @body(%arg0: i32, %arg1: memref<2x1000x128xf32, #tpu.memory_space<vmem>>, %arg2: memref<1000x128xf32, #tpu.memory_space<vmem>>, %arg3: memref<1000x1xf32, #tpu.memory_space<vmem>>, %arg4: memref<128x128xf32, #tpu.memory_space<vmem>>, %arg5: memref<1x128xf32, #tpu.memory_space<vmem>>, %arg6: memref<1000x1xi32, #tpu.memory_space<vmem>>, %arg7: memref<1000x128xf32, #tpu.memory_space<vmem>>, %arg8: memref<8x128xf32, #tpu.memory_space<vmem>>, %arg9: memref<8x128xf32, #tpu.memory_space<vmem>>) attributes {dimension_semantics = [#tpu.dimension_semantics<arbitrary>], iteration_bounds = array<i64: 10>, scalar_prefetch = 0 : i64, scratch_operands = 0 : i64, tpu.core_type = #tpu.core_type<tc>, window_params = [{transform_indices = @transform_0, window_bounds = array<i64: 2, 1000, 128>}, {transform_indices = @transform_1, window_bounds = array<i64: 1000, 128>}, {transform_indices = @transform_2, window_bounds = array<i64: 1000, 1>}, {pipeline_mode = #tpu.pipeline_mode<synchronous>, transform_indices = @transform_3, window_bounds = array<i64: 128, 128>}, {pipeline_mode = #tpu.pipeline_mode<synchronous>, transform_indices = @transform_4, window_bounds = array<i64: 1, 128>}, {transform_indices = @transform_5, window_bounds = array<i64: 1000, 1>}, {transform_indices = @transform_6, window_bounds = array<i64: 1000, 128>}, {pipeline_mode = #tpu.pipeline_mode<synchronous>, transform_indices = @transform_7, window_bounds = array<i64: 8, 128>}, {pipeline_mode = #tpu.pipeline_mode<synchronous>, transform_indices = @transform_8, window_bounds = array<i64: 8, 128>}]} {
    %get3A = arith.constant 0 : index
    %get3A_0 = arith.constant 0 : index
    %get3A_1 = vector.load %arg3[%get3A, %get3A_0] : memref<1000x1xf32, #tpu.memory_space<vmem>>, vector<1000x1xf32>
    %get3A_2 = arith.constant 0 : index
    %get3A_3 = arith.constant 0 : index
    %get3A_4 = arith.constant 0 : index
    %get3A_5 = vector.load %arg1[%get3A_2, %get3A_3, %get3A_4] : memref<2x1000x128xf32, #tpu.memory_space<vmem>>, vector<1x1000x128xf32>
    %get3A_6 = vector.shape_cast %get3A_5 : vector<1x1000x128xf32> to vector<1000x128xf32>
    %get3A_7 = arith.constant 1 : index
    %get3A_8 = arith.constant 0 : index
    %get3A_9 = arith.constant 0 : index
    %get3A_10 = vector.load %arg1[%get3A_7, %get3A_8, %get3A_9] : memref<2x1000x128xf32, #tpu.memory_space<vmem>>, vector<1x1000x128xf32>
    %get3A_11 = vector.shape_cast %get3A_10 : vector<1x1000x128xf32> to vector<1000x128xf32>
    %add3A = arith.addf %get3A_6, %get3A_11 : vector<1000x128xf32>
    %get3A_12 = arith.constant 0 : index
    %get3A_13 = arith.constant 0 : index
    %get3A_14 = vector.load %arg2[%get3A_12, %get3A_13] : memref<1000x128xf32, #tpu.memory_space<vmem>>, vector<1000x128xf32>
    %add3A_15 = arith.addf %add3A, %get3A_14 : vector<1000x128xf32>
    %mul3A = vector.broadcast %get3A_1 : vector<1000x1xf32> to vector<1000x128xf32>
    %mul3A_16 = arith.mulf %mul3A, %add3A_15 : vector<1000x128xf32>
    %get3A_17 = arith.constant 0 : index
    %get3A_18 = arith.constant 0 : index
    %get3A_19 = vector.load %arg4[%get3A_17, %get3A_18] : memref<128x128xf32, #tpu.memory_space<vmem>>, vector<128x128xf32>
    %dot_general3A = arith.constant dense<0.000000e+00> : vector<1000x128xf32>
    %dot_general3A_20 = tpu.matmul %mul3A_16, %get3A_19, %dot_general3A {dimension_numbers = #tpu.dot_dimension_numbers<[1], [0], [0], [1], [0, 0, 1, 1], [], []>, transpose_lhs_hint = false} : vector<1000x128xf32>, vector<128x128xf32>, vector<1000x128xf32> -> vector<1000x128xf32>
    %get3A_21 = arith.constant 0 : index
    %get3A_22 = arith.constant 0 : index
    %get3A_23 = vector.load %arg5[%get3A_21, %get3A_22] : memref<1x128xf32, #tpu.memory_space<vmem>>, vector<1x128xf32>
    %add3A_24 = vector.broadcast %get3A_23 : vector<1x128xf32> to vector<1000x128xf32>
    %add3A_25 = arith.addf %dot_general3A_20, %add3A_24 : vector<1000x128xf32>
    %swap3A = arith.constant 0 : index
    %swap3A_26 = arith.constant 0 : index
    %swap3A_27 = vector.load %arg7[%swap3A, %swap3A_26] : memref<1000x128xf32, #tpu.memory_space<vmem>>, vector<1000x128xf32>
    tpu.vector_store %arg7[%swap3A, %swap3A_26], %add3A_25 {strides = array<i32>} : memref<1000x128xf32, #tpu.memory_space<vmem>>, vector<1000x128xf32>,
    %iota3A = tpu.iota {dimensions = array<i32: 1>} : vector<1x8xi32>
    %get3A_28 = arith.constant 0 : index
    %get3A_29 = arith.constant 0 : index
    %get3A_30 = vector.load %arg6[%get3A_28, %get3A_29] : memref<1000x1xi32, #tpu.memory_space<vmem>>, vector<1000x1xi32>
    %eq3A = vector.broadcast %get3A_30 : vector<1000x1xi32> to vector<1000x8xi32>
    %eq3A_31 = vector.broadcast %iota3A : vector<1x8xi32> to vector<1000x8xi32>
    %eq3A_32 = arith.cmpi eq, %eq3A, %eq3A_31 : vector<1000x8xi32>
    %convert_element_type3A = arith.extui %eq3A_32 : vector<1000x8xi1> to vector<1000x8xi32>
    %convert_element_type3A_33 = arith.sitofp %convert_element_type3A : vector<1000x8xi32> to vector<1000x8xf32>
    %dot_general3A_34 = arith.constant dense<0.000000e+00> : vector<8x128xf32>
    %dot_general3A_35 = tpu.matmul %convert_element_type3A_33, %add3A_25, %dot_general3A_34 {dimension_numbers = #tpu.dot_dimension_numbers<[0], [0], [1], [1], [0, 1, 1, 1], [], []>, transpose_lhs_hint = false} : vector<1000x8xf32>, vector<1000x128xf32>, vector<8x128xf32> -> vector<8x128xf32>
    %mul3A_36 = arith.mulf %add3A_25, %add3A_25 : vector<1000x128xf32>
    %dot_general3A_37 = arith.constant dense<0.000000e+00> : vector<8x128xf32>
    %dot_general3A_38 = tpu.matmul %convert_element_type3A_33, %mul3A_36, %dot_general3A_37 {dimension_numbers = #tpu.dot_dimension_numbers<[0], [0], [1], [1], [0, 1, 1, 1], [], []>, transpose_lhs_hint = false} : vector<1000x8xf32>, vector<1000x128xf32>, vector<8x128xf32> -> vector<8x128xf32>
    %eq3A_39 = arith.constant 0 : i32
    %eq3A_40 = arith.cmpi eq, %arg0, %eq3A_39 : i32
    %convert_element_type3A_41 = arith.extui %eq3A_40 : i1 to i32
    %cond3A = arith.constant 0 : i32
    %cond3A_42 = arith.cmpi ne, %convert_element_type3A_41, %cond3A : i32
    scf.if %cond3A_42 {
      %swap3A_47 = arith.constant 0 : index
      %swap3A_48 = arith.constant 0 : index
      %swap3A_49 = vector.load %arg8[%swap3A_47, %swap3A_48] : memref<8x128xf32, #tpu.memory_space<vmem>>, vector<8x128xf32>
      tpu.vector_store %arg8[%swap3A_47, %swap3A_48], %dot_general3A_35 {strides = array<i32>} : memref<8x128xf32, #tpu.memory_space<vmem>>, vector<8x128xf32>,
      %swap3A_50 = arith.constant 0 : index
      %swap3A_51 = arith.constant 0 : index
      %swap3A_52 = vector.load %arg9[%swap3A_50, %swap3A_51] : memref<8x128xf32, #tpu.memory_space<vmem>>, vector<8x128xf32>
      tpu.vector_store %arg9[%swap3A_50, %swap3A_51], %dot_general3A_38 {strides = array<i32>} : memref<8x128xf32, #tpu.memory_space<vmem>>, vector<8x128xf32>,
    } else {
    }
    %gt3A = arith.constant 0 : i32
    %gt3A_43 = arith.cmpi sgt, %arg0, %gt3A : i32
    %convert_element_type3A_44 = arith.extui %gt3A_43 : i1 to i32
    %cond3A_45 = arith.constant 0 : i32
    %cond3A_46 = arith.cmpi ne, %convert_element_type3A_44, %cond3A_45 : i32
    scf.if %cond3A_46 {
      %get3A_47 = arith.constant 0 : index
      %get3A_48 = arith.constant 0 : index
      %get3A_49 = vector.load %arg8[%get3A_47, %get3A_48] : memref<8x128xf32, #tpu.memory_space<vmem>>, vector<8x128xf32>
      %add3A_50 = arith.addf %get3A_49, %dot_general3A_35 : vector<8x128xf32>
      %swap3A_51 = arith.constant 0 : index
      %swap3A_52 = arith.constant 0 : index
      %swap3A_53 = vector.load %arg8[%swap3A_51, %swap3A_52] : memref<8x128xf32, #tpu.memory_space<vmem>>, vector<8x128xf32>
      tpu.vector_store %arg8[%swap3A_51, %swap3A_52], %add3A_50 {strides = array<i32>} : memref<8x128xf32, #tpu.memory_space<vmem>>, vector<8x128xf32>,
      %get3A_54 = arith.constant 0 : index
      %get3A_55 = arith.constant 0 : index
      %get3A_56 = vector.load %arg9[%get3A_54, %get3A_55] : memref<8x128xf32, #tpu.memory_space<vmem>>, vector<8x128xf32>
      %add3A_57 = arith.addf %get3A_56, %dot_general3A_38 : vector<8x128xf32>
      %swap3A_58 = arith.constant 0 : index
      %swap3A_59 = arith.constant 0 : index
      %swap3A_60 = vector.load %arg9[%swap3A_58, %swap3A_59] : memref<8x128xf32, #tpu.memory_space<vmem>>, vector<8x128xf32>
      tpu.vector_store %arg9[%swap3A_58, %swap3A_59], %add3A_57 {strides = array<i32>} : memref<8x128xf32, #tpu.memory_space<vmem>>, vector<8x128xf32>,
    } else {
    }
    return
  }
  func.func @transform_0(%arg0: i32) -> (i32, i32, i32) {
    %c0_i32 = arith.constant 0 : i32
    %c0_i32_0 = arith.constant 0 : i32
    %c0_i32_1 = arith.constant 0 : i32
    return %c0_i32, %arg0, %c0_i32_0 : i32, i32, i32
  }
  func.func @transform_1(%arg0: i32) -> (i32, i32) {
    %c0_i32 = arith.constant 0 : i32
    %c0_i32_0 = arith.constant 0 : i32
    return %arg0, %c0_i32 : i32, i32
  }
  func.func @transform_2(%arg0: i32) -> (i32, i32) {
    %c0_i32 = arith.constant 0 : i32
    %c0_i32_0 = arith.constant 0 : i32
    return %arg0, %c0_i32 : i32, i32
  }
  func.func @transform_3(%arg0: i32) -> (i32, i32) {
    %c0_i32 = arith.constant 0 : i32
    %c0_i32_0 = arith.constant 0 : i32
    %c0_i32_1 = arith.constant 0 : i32
    return %c0_i32, %c0_i32_0 : i32, i32
  }
  func.func @transform_4(%arg0: i32) -> (i32, i32) {
    %c0_i32 = arith.constant 0 : i32
    %c0_i32_0 = arith.constant 0 : i32
    %c0_i32_1 = arith.constant 0 : i32
    return %c0_i32, %c0_i32_0 : i32, i32
  }
  func.func @transform_5(%arg0: i32) -> (i32, i32) {
    %c0_i32 = arith.constant 0 : i32
    %c0_i32_0 = arith.constant 0 : i32
    return %arg0, %c0_i32 : i32, i32
  }
  func.func @transform_6(%arg0: i32) -> (i32, i32) {
    %c0_i32 = arith.constant 0 : i32
    %c0_i32_0 = arith.constant 0 : i32
    return %arg0, %c0_i32 : i32, i32
  }
  func.func @transform_7(%arg0: i32) -> (i32, i32) {
    %c0_i32 = arith.constant 0 : i32
    %c0_i32_0 = arith.constant 0 : i32
    %c0_i32_1 = arith.constant 0 : i32
    return %c0_i32, %c0_i32_0 : i32, i32
  }
  func.func @transform_8(%arg0: i32) -> (i32, i32) {
    %c0_i32 = arith.constant 0 : i32
    %c0_i32_0 = arith.constant 0 : i32
    %c0_i32_1 = arith.constant 0 : i32
    return %c0_i32, %c0_i32_0 : i32, i32
  }
}

module attributes {stable_mosaic.version = 14 : i64} {
  func.func @body(%arg0: i32, %arg1: memref<1000x128xf32, #tpu.memory_space<vmem>>, %arg2: memref<8x128xf32, #tpu.memory_space<vmem>>, %arg3: memref<8x128xf32, #tpu.memory_space<vmem>>, %arg4: memref<8x128xf32, #tpu.memory_space<vmem>>, %arg5: memref<1000x1xi32, #tpu.memory_space<vmem>>, %arg6: memref<1000x1xf32, #tpu.memory_space<vmem>>, %arg7: memref<1x128xf32, #tpu.memory_space<vmem>>, %arg8: memref<1x128xf32, #tpu.memory_space<vmem>>, %arg9: memref<1x128xf32, #tpu.memory_space<vmem>>, %arg10: memref<1000x128xf32, #tpu.memory_space<vmem>>) attributes {dimension_semantics = [#tpu.dimension_semantics<arbitrary>], iteration_bounds = array<i64: 10>, scalar_prefetch = 0 : i64, scratch_operands = 0 : i64, tpu.core_type = #tpu.core_type<tc>, window_params = [{transform_indices = @transform_0, window_bounds = array<i64: 1000, 128>}, {pipeline_mode = #tpu.pipeline_mode<synchronous>, transform_indices = @transform_1, window_bounds = array<i64: 8, 128>}, {pipeline_mode = #tpu.pipeline_mode<synchronous>, transform_indices = @transform_2, window_bounds = array<i64: 8, 128>}, {pipeline_mode = #tpu.pipeline_mode<synchronous>, transform_indices = @transform_3, window_bounds = array<i64: 8, 128>}, {transform_indices = @transform_4, window_bounds = array<i64: 1000, 1>}, {transform_indices = @transform_5, window_bounds = array<i64: 1000, 1>}, {pipeline_mode = #tpu.pipeline_mode<synchronous>, transform_indices = @transform_6, window_bounds = array<i64: 1, 128>}, {pipeline_mode = #tpu.pipeline_mode<synchronous>, transform_indices = @transform_7, window_bounds = array<i64: 1, 128>}, {pipeline_mode = #tpu.pipeline_mode<synchronous>, transform_indices = @transform_8, window_bounds = array<i64: 1, 128>}, {transform_indices = @transform_9, window_bounds = array<i64: 1000, 128>}]} {
    %get3A = arith.constant 0 : index
    %get3A_0 = arith.constant 0 : index
    %get3A_1 = vector.load %arg1[%get3A, %get3A_0] : memref<1000x128xf32, #tpu.memory_space<vmem>>, vector<1000x128xf32>
    %get3A_2 = arith.constant 0 : index
    %get3A_3 = arith.constant 0 : index
    %get3A_4 = vector.load %arg5[%get3A_2, %get3A_3] : memref<1000x1xi32, #tpu.memory_space<vmem>>, vector<1000x1xi32>
    %get3A_5 = arith.constant 0 : index
    %get3A_6 = arith.constant 0 : index
    %get3A_7 = vector.load %arg4[%get3A_5, %get3A_6] : memref<8x128xf32, #tpu.memory_space<vmem>>, vector<8x1xf32>
    %get3A_8 = arith.constant 0 : index
    %get3A_9 = arith.constant 0 : index
    %get3A_10 = vector.load %arg2[%get3A_8, %get3A_9] : memref<8x128xf32, #tpu.memory_space<vmem>>, vector<8x128xf32>
    %div3A = vector.broadcast %get3A_7 : vector<8x1xf32> to vector<8x128xf32>
    %div3A_11 = arith.divf %get3A_10, %div3A : vector<8x128xf32>
    %get3A_12 = arith.constant 0 : index
    %get3A_13 = arith.constant 0 : index
    %get3A_14 = vector.load %arg3[%get3A_12, %get3A_13] : memref<8x128xf32, #tpu.memory_space<vmem>>, vector<8x128xf32>
    %div3A_15 = vector.broadcast %get3A_7 : vector<8x1xf32> to vector<8x128xf32>
    %div3A_16 = arith.divf %get3A_14, %div3A_15 : vector<8x128xf32>
    %get3A_17 = arith.constant 0 : index
    %get3A_18 = arith.constant 0 : index
    %get3A_19 = vector.load %arg9[%get3A_17, %get3A_18] : memref<1x128xf32, #tpu.memory_space<vmem>>, vector<1x128xf32>
    %mul3A = arith.mulf %get3A_19, %get3A_19 : vector<1x128xf32>
    %mul3A_20 = arith.constant 2.000000e+00 : f32
    %mul3A_21 = vector.broadcast %mul3A_20 : f32 to vector<1x128xf32>
    %mul3A_22 = arith.mulf %mul3A_21, %get3A_19 : vector<1x128xf32>
    %sub3A = arith.subf %mul3A, %mul3A_22 : vector<1x128xf32>
    %mul3A_23 = arith.mulf %div3A_11, %div3A_11 : vector<8x128xf32>
    %mul3A_24 = vector.broadcast %sub3A : vector<1x128xf32> to vector<8x128xf32>
    %mul3A_25 = arith.mulf %mul3A_24, %mul3A_23 : vector<8x128xf32>
    %add3A = arith.addf %div3A_16, %mul3A_25 : vector<8x128xf32>
    %add3A_26 = arith.constant 9.99999974E-6 : f32
    %add3A_27 = vector.broadcast %add3A_26 : f32 to vector<8x128xf32>
    %add3A_28 = arith.addf %add3A, %add3A_27 : vector<8x128xf32>
    %rsqrt3A = math.rsqrt %add3A_28 : vector<8x128xf32>
    %iota3A = tpu.iota {dimensions = array<i32: 1>} : vector<1x8xi32>
    %eq3A = vector.broadcast %get3A_4 : vector<1000x1xi32> to vector<1000x8xi32>
    %eq3A_29 = vector.broadcast %iota3A : vector<1x8xi32> to vector<1000x8xi32>
    %eq3A_30 = arith.cmpi eq, %eq3A, %eq3A_29 : vector<1000x8xi32>
    %convert_element_type3A = arith.extui %eq3A_30 : vector<1000x8xi1> to vector<1000x8xi32>
    %convert_element_type3A_31 = arith.sitofp %convert_element_type3A : vector<1000x8xi32> to vector<1000x8xf32>
    %dot_general3A = arith.constant dense<0.000000e+00> : vector<1000x128xf32>
    %dot_general3A_32 = tpu.matmul %convert_element_type3A_31, %div3A_11, %dot_general3A {dimension_numbers = #tpu.dot_dimension_numbers<[1], [0], [0], [1], [0, 0, 1, 1], [], []>, transpose_lhs_hint = false} : vector<1000x8xf32>, vector<8x128xf32>, vector<1000x128xf32> -> vector<1000x128xf32>
    %dot_general3A_33 = arith.constant dense<0.000000e+00> : vector<1000x128xf32>
    %dot_general3A_34 = tpu.matmul %convert_element_type3A_31, %rsqrt3A, %dot_general3A_33 {dimension_numbers = #tpu.dot_dimension_numbers<[1], [0], [0], [1], [0, 0, 1, 1], [], []>, transpose_lhs_hint = false} : vector<1000x8xf32>, vector<8x128xf32>, vector<1000x128xf32> -> vector<1000x128xf32>
    %mul3A_35 = vector.broadcast %get3A_19 : vector<1x128xf32> to vector<1000x128xf32>
    %mul3A_36 = arith.mulf %mul3A_35, %dot_general3A_32 : vector<1000x128xf32>
    %sub3A_37 = arith.subf %get3A_1, %mul3A_36 : vector<1000x128xf32>
    %mul3A_38 = arith.mulf %sub3A_37, %dot_general3A_34 : vector<1000x128xf32>
    %get3A_39 = arith.constant 0 : index
    %get3A_40 = arith.constant 0 : index
    %get3A_41 = vector.load %arg7[%get3A_39, %get3A_40] : memref<1x128xf32, #tpu.memory_space<vmem>>, vector<1x128xf32>
    %mul3A_42 = vector.broadcast %get3A_41 : vector<1x128xf32> to vector<1000x128xf32>
    %mul3A_43 = arith.mulf %mul3A_42, %mul3A_38 : vector<1000x128xf32>
    %get3A_44 = arith.constant 0 : index
    %get3A_45 = arith.constant 0 : index
    %get3A_46 = vector.load %arg8[%get3A_44, %get3A_45] : memref<1x128xf32, #tpu.memory_space<vmem>>, vector<1x128xf32>
    %add3A_47 = vector.broadcast %get3A_46 : vector<1x128xf32> to vector<1000x128xf32>
    %add3A_48 = arith.addf %mul3A_43, %add3A_47 : vector<1000x128xf32>
    %max3A = arith.constant 0.000000e+00 : f32
    %max3A_49 = vector.broadcast %max3A : f32 to vector<1000x128xf32>
    %max3A_50 = arith.maximumf %add3A_48, %max3A_49 : vector<1000x128xf32>
    %get3A_51 = arith.constant 0 : index
    %get3A_52 = arith.constant 0 : index
    %get3A_53 = vector.load %arg6[%get3A_51, %get3A_52] : memref<1000x1xf32, #tpu.memory_space<vmem>>, vector<1000x1xf32>
    %mul3A_54 = vector.broadcast %get3A_53 : vector<1000x1xf32> to vector<1000x128xf32>
    %mul3A_55 = arith.mulf %mul3A_54, %max3A_50 : vector<1000x128xf32>
    %swap3A = arith.constant 0 : index
    %swap3A_56 = arith.constant 0 : index
    %swap3A_57 = vector.load %arg10[%swap3A, %swap3A_56] : memref<1000x128xf32, #tpu.memory_space<vmem>>, vector<1000x128xf32>
    tpu.vector_store %arg10[%swap3A, %swap3A_56], %mul3A_55 {strides = array<i32>} : memref<1000x128xf32, #tpu.memory_space<vmem>>, vector<1000x128xf32>,
    return
  }
  func.func @transform_0(%arg0: i32) -> (i32, i32) {
    %c0_i32 = arith.constant 0 : i32
    %c0_i32_0 = arith.constant 0 : i32
    return %arg0, %c0_i32 : i32, i32
  }
  func.func @transform_1(%arg0: i32) -> (i32, i32) {
    %c0_i32 = arith.constant 0 : i32
    %c0_i32_0 = arith.constant 0 : i32
    %c0_i32_1 = arith.constant 0 : i32
    return %c0_i32, %c0_i32_0 : i32, i32
  }
  func.func @transform_2(%arg0: i32) -> (i32, i32) {
    %c0_i32 = arith.constant 0 : i32
    %c0_i32_0 = arith.constant 0 : i32
    %c0_i32_1 = arith.constant 0 : i32
    return %c0_i32, %c0_i32_0 : i32, i32
  }
  func.func @transform_3(%arg0: i32) -> (i32, i32) {
    %c0_i32 = arith.constant 0 : i32
    %c0_i32_0 = arith.constant 0 : i32
    %c0_i32_1 = arith.constant 0 : i32
    return %c0_i32, %c0_i32_0 : i32, i32
  }
  func.func @transform_4(%arg0: i32) -> (i32, i32) {
    %c0_i32 = arith.constant 0 : i32
    %c0_i32_0 = arith.constant 0 : i32
    return %arg0, %c0_i32 : i32, i32
  }
  func.func @transform_5(%arg0: i32) -> (i32, i32) {
    %c0_i32 = arith.constant 0 : i32
    %c0_i32_0 = arith.constant 0 : i32
    return %arg0, %c0_i32 : i32, i32
  }
  func.func @transform_6(%arg0: i32) -> (i32, i32) {
    %c0_i32 = arith.constant 0 : i32
    %c0_i32_0 = arith.constant 0 : i32
    %c0_i32_1 = arith.constant 0 : i32
    return %c0_i32, %c0_i32_0 : i32, i32
  }
  func.func @transform_7(%arg0: i32) -> (i32, i32) {
    %c0_i32 = arith.constant 0 : i32
    %c0_i32_0 = arith.constant 0 : i32
    %c0_i32_1 = arith.constant 0 : i32
    return %c0_i32, %c0_i32_0 : i32, i32
  }
  func.func @transform_8(%arg0: i32) -> (i32, i32) {
    %c0_i32 = arith.constant 0 : i32
    %c0_i32_0 = arith.constant 0 : i32
    %c0_i32_1 = arith.constant 0 : i32
    return %c0_i32, %c0_i32_0 : i32, i32
  }
  func.func @transform_9(%arg0: i32) -> (i32, i32) {
    %c0_i32 = arith.constant 0 : i32
    %c0_i32_0 = arith.constant 0 : i32
    return %arg0, %c0_i32 : i32, i32
  }
}

module attributes {stable_mosaic.version = 14 : i64} {
  func.func @body(%arg0: i32, %arg1: memref<2x1000x128xf32, #tpu.memory_space<vmem>>, %arg2: memref<1000x128xf32, #tpu.memory_space<vmem>>, %arg3: memref<1000x1xf32, #tpu.memory_space<vmem>>, %arg4: memref<128x256xf32, #tpu.memory_space<vmem>>, %arg5: memref<1x256xf32, #tpu.memory_space<vmem>>, %arg6: memref<1000x1xi32, #tpu.memory_space<vmem>>, %arg7: memref<1000x256xf32, #tpu.memory_space<vmem>>, %arg8: memref<8x256xf32, #tpu.memory_space<vmem>>, %arg9: memref<8x256xf32, #tpu.memory_space<vmem>>) attributes {dimension_semantics = [#tpu.dimension_semantics<arbitrary>], iteration_bounds = array<i64: 10>, scalar_prefetch = 0 : i64, scratch_operands = 0 : i64, tpu.core_type = #tpu.core_type<tc>, window_params = [{transform_indices = @transform_0, window_bounds = array<i64: 2, 1000, 128>}, {transform_indices = @transform_1, window_bounds = array<i64: 1000, 128>}, {transform_indices = @transform_2, window_bounds = array<i64: 1000, 1>}, {pipeline_mode = #tpu.pipeline_mode<synchronous>, transform_indices = @transform_3, window_bounds = array<i64: 128, 256>}, {pipeline_mode = #tpu.pipeline_mode<synchronous>, transform_indices = @transform_4, window_bounds = array<i64: 1, 256>}, {transform_indices = @transform_5, window_bounds = array<i64: 1000, 1>}, {transform_indices = @transform_6, window_bounds = array<i64: 1000, 256>}, {pipeline_mode = #tpu.pipeline_mode<synchronous>, transform_indices = @transform_7, window_bounds = array<i64: 8, 256>}, {pipeline_mode = #tpu.pipeline_mode<synchronous>, transform_indices = @transform_8, window_bounds = array<i64: 8, 256>}]} {
    %get3A = arith.constant 0 : index
    %get3A_0 = arith.constant 0 : index
    %get3A_1 = vector.load %arg3[%get3A, %get3A_0] : memref<1000x1xf32, #tpu.memory_space<vmem>>, vector<1000x1xf32>
    %get3A_2 = arith.constant 0 : index
    %get3A_3 = arith.constant 0 : index
    %get3A_4 = arith.constant 0 : index
    %get3A_5 = vector.load %arg1[%get3A_2, %get3A_3, %get3A_4] : memref<2x1000x128xf32, #tpu.memory_space<vmem>>, vector<1x1000x128xf32>
    %get3A_6 = vector.shape_cast %get3A_5 : vector<1x1000x128xf32> to vector<1000x128xf32>
    %get3A_7 = arith.constant 1 : index
    %get3A_8 = arith.constant 0 : index
    %get3A_9 = arith.constant 0 : index
    %get3A_10 = vector.load %arg1[%get3A_7, %get3A_8, %get3A_9] : memref<2x1000x128xf32, #tpu.memory_space<vmem>>, vector<1x1000x128xf32>
    %get3A_11 = vector.shape_cast %get3A_10 : vector<1x1000x128xf32> to vector<1000x128xf32>
    %add3A = arith.addf %get3A_6, %get3A_11 : vector<1000x128xf32>
    %get3A_12 = arith.constant 0 : index
    %get3A_13 = arith.constant 0 : index
    %get3A_14 = vector.load %arg2[%get3A_12, %get3A_13] : memref<1000x128xf32, #tpu.memory_space<vmem>>, vector<1000x128xf32>
    %add3A_15 = arith.addf %add3A, %get3A_14 : vector<1000x128xf32>
    %mul3A = vector.broadcast %get3A_1 : vector<1000x1xf32> to vector<1000x128xf32>
    %mul3A_16 = arith.mulf %mul3A, %add3A_15 : vector<1000x128xf32>
    %get3A_17 = arith.constant 0 : index
    %get3A_18 = arith.constant 0 : index
    %get3A_19 = vector.load %arg4[%get3A_17, %get3A_18] : memref<128x256xf32, #tpu.memory_space<vmem>>, vector<128x256xf32>
    %dot_general3A = arith.constant dense<0.000000e+00> : vector<1000x256xf32>
    %dot_general3A_20 = tpu.matmul %mul3A_16, %get3A_19, %dot_general3A {dimension_numbers = #tpu.dot_dimension_numbers<[1], [0], [0], [1], [0, 0, 1, 1], [], []>, transpose_lhs_hint = false} : vector<1000x128xf32>, vector<128x256xf32>, vector<1000x256xf32> -> vector<1000x256xf32>
    %get3A_21 = arith.constant 0 : index
    %get3A_22 = arith.constant 0 : index
    %get3A_23 = vector.load %arg5[%get3A_21, %get3A_22] : memref<1x256xf32, #tpu.memory_space<vmem>>, vector<1x256xf32>
    %add3A_24 = vector.broadcast %get3A_23 : vector<1x256xf32> to vector<1000x256xf32>
    %add3A_25 = arith.addf %dot_general3A_20, %add3A_24 : vector<1000x256xf32>
    %swap3A = arith.constant 0 : index
    %swap3A_26 = arith.constant 0 : index
    %swap3A_27 = vector.load %arg7[%swap3A, %swap3A_26] : memref<1000x256xf32, #tpu.memory_space<vmem>>, vector<1000x256xf32>
    tpu.vector_store %arg7[%swap3A, %swap3A_26], %add3A_25 {strides = array<i32>} : memref<1000x256xf32, #tpu.memory_space<vmem>>, vector<1000x256xf32>,
    %iota3A = tpu.iota {dimensions = array<i32: 1>} : vector<1x8xi32>
    %get3A_28 = arith.constant 0 : index
    %get3A_29 = arith.constant 0 : index
    %get3A_30 = vector.load %arg6[%get3A_28, %get3A_29] : memref<1000x1xi32, #tpu.memory_space<vmem>>, vector<1000x1xi32>
    %eq3A = vector.broadcast %get3A_30 : vector<1000x1xi32> to vector<1000x8xi32>
    %eq3A_31 = vector.broadcast %iota3A : vector<1x8xi32> to vector<1000x8xi32>
    %eq3A_32 = arith.cmpi eq, %eq3A, %eq3A_31 : vector<1000x8xi32>
    %convert_element_type3A = arith.extui %eq3A_32 : vector<1000x8xi1> to vector<1000x8xi32>
    %convert_element_type3A_33 = arith.sitofp %convert_element_type3A : vector<1000x8xi32> to vector<1000x8xf32>
    %dot_general3A_34 = arith.constant dense<0.000000e+00> : vector<8x256xf32>
    %dot_general3A_35 = tpu.matmul %convert_element_type3A_33, %add3A_25, %dot_general3A_34 {dimension_numbers = #tpu.dot_dimension_numbers<[0], [0], [1], [1], [0, 1, 1, 1], [], []>, transpose_lhs_hint = false} : vector<1000x8xf32>, vector<1000x256xf32>, vector<8x256xf32> -> vector<8x256xf32>
    %mul3A_36 = arith.mulf %add3A_25, %add3A_25 : vector<1000x256xf32>
    %dot_general3A_37 = arith.constant dense<0.000000e+00> : vector<8x256xf32>
    %dot_general3A_38 = tpu.matmul %convert_element_type3A_33, %mul3A_36, %dot_general3A_37 {dimension_numbers = #tpu.dot_dimension_numbers<[0], [0], [1], [1], [0, 1, 1, 1], [], []>, transpose_lhs_hint = false} : vector<1000x8xf32>, vector<1000x256xf32>, vector<8x256xf32> -> vector<8x256xf32>
    %eq3A_39 = arith.constant 0 : i32
    %eq3A_40 = arith.cmpi eq, %arg0, %eq3A_39 : i32
    %convert_element_type3A_41 = arith.extui %eq3A_40 : i1 to i32
    %cond3A = arith.constant 0 : i32
    %cond3A_42 = arith.cmpi ne, %convert_element_type3A_41, %cond3A : i32
    scf.if %cond3A_42 {
      %swap3A_47 = arith.constant 0 : index
      %swap3A_48 = arith.constant 0 : index
      %swap3A_49 = vector.load %arg8[%swap3A_47, %swap3A_48] : memref<8x256xf32, #tpu.memory_space<vmem>>, vector<8x256xf32>
      tpu.vector_store %arg8[%swap3A_47, %swap3A_48], %dot_general3A_35 {strides = array<i32>} : memref<8x256xf32, #tpu.memory_space<vmem>>, vector<8x256xf32>,
      %swap3A_50 = arith.constant 0 : index
      %swap3A_51 = arith.constant 0 : index
      %swap3A_52 = vector.load %arg9[%swap3A_50, %swap3A_51] : memref<8x256xf32, #tpu.memory_space<vmem>>, vector<8x256xf32>
      tpu.vector_store %arg9[%swap3A_50, %swap3A_51], %dot_general3A_38 {strides = array<i32>} : memref<8x256xf32, #tpu.memory_space<vmem>>, vector<8x256xf32>,
    } else {
    }
    %gt3A = arith.constant 0 : i32
    %gt3A_43 = arith.cmpi sgt, %arg0, %gt3A : i32
    %convert_element_type3A_44 = arith.extui %gt3A_43 : i1 to i32
    %cond3A_45 = arith.constant 0 : i32
    %cond3A_46 = arith.cmpi ne, %convert_element_type3A_44, %cond3A_45 : i32
    scf.if %cond3A_46 {
      %get3A_47 = arith.constant 0 : index
      %get3A_48 = arith.constant 0 : index
      %get3A_49 = vector.load %arg8[%get3A_47, %get3A_48] : memref<8x256xf32, #tpu.memory_space<vmem>>, vector<8x256xf32>
      %add3A_50 = arith.addf %get3A_49, %dot_general3A_35 : vector<8x256xf32>
      %swap3A_51 = arith.constant 0 : index
      %swap3A_52 = arith.constant 0 : index
      %swap3A_53 = vector.load %arg8[%swap3A_51, %swap3A_52] : memref<8x256xf32, #tpu.memory_space<vmem>>, vector<8x256xf32>
      tpu.vector_store %arg8[%swap3A_51, %swap3A_52], %add3A_50 {strides = array<i32>} : memref<8x256xf32, #tpu.memory_space<vmem>>, vector<8x256xf32>,
      %get3A_54 = arith.constant 0 : index
      %get3A_55 = arith.constant 0 : index
      %get3A_56 = vector.load %arg9[%get3A_54, %get3A_55] : memref<8x256xf32, #tpu.memory_space<vmem>>, vector<8x256xf32>
      %add3A_57 = arith.addf %get3A_56, %dot_general3A_38 : vector<8x256xf32>
      %swap3A_58 = arith.constant 0 : index
      %swap3A_59 = arith.constant 0 : index
      %swap3A_60 = vector.load %arg9[%swap3A_58, %swap3A_59] : memref<8x256xf32, #tpu.memory_space<vmem>>, vector<8x256xf32>
      tpu.vector_store %arg9[%swap3A_58, %swap3A_59], %add3A_57 {strides = array<i32>} : memref<8x256xf32, #tpu.memory_space<vmem>>, vector<8x256xf32>,
    } else {
    }
    return
  }
  func.func @transform_0(%arg0: i32) -> (i32, i32, i32) {
    %c0_i32 = arith.constant 0 : i32
    %c0_i32_0 = arith.constant 0 : i32
    %c0_i32_1 = arith.constant 0 : i32
    return %c0_i32, %arg0, %c0_i32_0 : i32, i32, i32
  }
  func.func @transform_1(%arg0: i32) -> (i32, i32) {
    %c0_i32 = arith.constant 0 : i32
    %c0_i32_0 = arith.constant 0 : i32
    return %arg0, %c0_i32 : i32, i32
  }
  func.func @transform_2(%arg0: i32) -> (i32, i32) {
    %c0_i32 = arith.constant 0 : i32
    %c0_i32_0 = arith.constant 0 : i32
    return %arg0, %c0_i32 : i32, i32
  }
  func.func @transform_3(%arg0: i32) -> (i32, i32) {
    %c0_i32 = arith.constant 0 : i32
    %c0_i32_0 = arith.constant 0 : i32
    %c0_i32_1 = arith.constant 0 : i32
    return %c0_i32, %c0_i32_0 : i32, i32
  }
  func.func @transform_4(%arg0: i32) -> (i32, i32) {
    %c0_i32 = arith.constant 0 : i32
    %c0_i32_0 = arith.constant 0 : i32
    %c0_i32_1 = arith.constant 0 : i32
    return %c0_i32, %c0_i32_0 : i32, i32
  }
  func.func @transform_5(%arg0: i32) -> (i32, i32) {
    %c0_i32 = arith.constant 0 : i32
    %c0_i32_0 = arith.constant 0 : i32
    return %arg0, %c0_i32 : i32, i32
  }
  func.func @transform_6(%arg0: i32) -> (i32, i32) {
    %c0_i32 = arith.constant 0 : i32
    %c0_i32_0 = arith.constant 0 : i32
    return %arg0, %c0_i32 : i32, i32
  }
  func.func @transform_7(%arg0: i32) -> (i32, i32) {
    %c0_i32 = arith.constant 0 : i32
    %c0_i32_0 = arith.constant 0 : i32
    %c0_i32_1 = arith.constant 0 : i32
    return %c0_i32, %c0_i32_0 : i32, i32
  }
  func.func @transform_8(%arg0: i32) -> (i32, i32) {
    %c0_i32 = arith.constant 0 : i32
    %c0_i32_0 = arith.constant 0 : i32
    %c0_i32_1 = arith.constant 0 : i32
    return %c0_i32, %c0_i32_0 : i32, i32
  }
}

module attributes {stable_mosaic.version = 14 : i64} {
  func.func @body(%arg0: i32, %arg1: memref<1000x256xf32, #tpu.memory_space<vmem>>, %arg2: memref<8x256xf32, #tpu.memory_space<vmem>>, %arg3: memref<8x256xf32, #tpu.memory_space<vmem>>, %arg4: memref<8x128xf32, #tpu.memory_space<vmem>>, %arg5: memref<1000x1xi32, #tpu.memory_space<vmem>>, %arg6: memref<1x256xf32, #tpu.memory_space<vmem>>, %arg7: memref<1x256xf32, #tpu.memory_space<vmem>>, %arg8: memref<1x256xf32, #tpu.memory_space<vmem>>, %arg9: memref<8x256xf32, #tpu.memory_space<vmem>>, %arg10: memref<8x256xf32, #tpu.memory_space<vmem>>) attributes {dimension_semantics = [#tpu.dimension_semantics<arbitrary>], iteration_bounds = array<i64: 10>, scalar_prefetch = 0 : i64, scratch_operands = 0 : i64, tpu.core_type = #tpu.core_type<tc>, window_params = [{transform_indices = @transform_0, window_bounds = array<i64: 1000, 256>}, {pipeline_mode = #tpu.pipeline_mode<synchronous>, transform_indices = @transform_1, window_bounds = array<i64: 8, 256>}, {pipeline_mode = #tpu.pipeline_mode<synchronous>, transform_indices = @transform_2, window_bounds = array<i64: 8, 256>}, {pipeline_mode = #tpu.pipeline_mode<synchronous>, transform_indices = @transform_3, window_bounds = array<i64: 8, 128>}, {transform_indices = @transform_4, window_bounds = array<i64: 1000, 1>}, {pipeline_mode = #tpu.pipeline_mode<synchronous>, transform_indices = @transform_5, window_bounds = array<i64: 1, 256>}, {pipeline_mode = #tpu.pipeline_mode<synchronous>, transform_indices = @transform_6, window_bounds = array<i64: 1, 256>}, {pipeline_mode = #tpu.pipeline_mode<synchronous>, transform_indices = @transform_7, window_bounds = array<i64: 1, 256>}, {pipeline_mode = #tpu.pipeline_mode<synchronous>, transform_indices = @transform_8, window_bounds = array<i64: 8, 256>}, {pipeline_mode = #tpu.pipeline_mode<synchronous>, transform_indices = @transform_9, window_bounds = array<i64: 8, 256>}]} {
    %get3A = arith.constant 0 : index
    %get3A_0 = arith.constant 0 : index
    %get3A_1 = vector.load %arg1[%get3A, %get3A_0] : memref<1000x256xf32, #tpu.memory_space<vmem>>, vector<1000x256xf32>
    %get3A_2 = arith.constant 0 : index
    %get3A_3 = arith.constant 0 : index
    %get3A_4 = vector.load %arg5[%get3A_2, %get3A_3] : memref<1000x1xi32, #tpu.memory_space<vmem>>, vector<1000x1xi32>
    %get3A_5 = arith.constant 0 : index
    %get3A_6 = arith.constant 0 : index
    %get3A_7 = vector.load %arg4[%get3A_5, %get3A_6] : memref<8x128xf32, #tpu.memory_space<vmem>>, vector<8x1xf32>
    %get3A_8 = arith.constant 0 : index
    %get3A_9 = arith.constant 0 : index
    %get3A_10 = vector.load %arg2[%get3A_8, %get3A_9] : memref<8x256xf32, #tpu.memory_space<vmem>>, vector<8x256xf32>
    %div3A = vector.broadcast %get3A_7 : vector<8x1xf32> to vector<8x256xf32>
    %div3A_11 = arith.divf %get3A_10, %div3A : vector<8x256xf32>
    %get3A_12 = arith.constant 0 : index
    %get3A_13 = arith.constant 0 : index
    %get3A_14 = vector.load %arg3[%get3A_12, %get3A_13] : memref<8x256xf32, #tpu.memory_space<vmem>>, vector<8x256xf32>
    %div3A_15 = vector.broadcast %get3A_7 : vector<8x1xf32> to vector<8x256xf32>
    %div3A_16 = arith.divf %get3A_14, %div3A_15 : vector<8x256xf32>
    %get3A_17 = arith.constant 0 : index
    %get3A_18 = arith.constant 0 : index
    %get3A_19 = vector.load %arg8[%get3A_17, %get3A_18] : memref<1x256xf32, #tpu.memory_space<vmem>>, vector<1x256xf32>
    %mul3A = arith.mulf %get3A_19, %get3A_19 : vector<1x256xf32>
    %mul3A_20 = arith.constant 2.000000e+00 : f32
    %mul3A_21 = vector.broadcast %mul3A_20 : f32 to vector<1x256xf32>
    %mul3A_22 = arith.mulf %mul3A_21, %get3A_19 : vector<1x256xf32>
    %sub3A = arith.subf %mul3A, %mul3A_22 : vector<1x256xf32>
    %mul3A_23 = arith.mulf %div3A_11, %div3A_11 : vector<8x256xf32>
    %mul3A_24 = vector.broadcast %sub3A : vector<1x256xf32> to vector<8x256xf32>
    %mul3A_25 = arith.mulf %mul3A_24, %mul3A_23 : vector<8x256xf32>
    %add3A = arith.addf %div3A_16, %mul3A_25 : vector<8x256xf32>
    %add3A_26 = arith.constant 9.99999974E-6 : f32
    %add3A_27 = vector.broadcast %add3A_26 : f32 to vector<8x256xf32>
    %add3A_28 = arith.addf %add3A, %add3A_27 : vector<8x256xf32>
    %rsqrt3A = math.rsqrt %add3A_28 : vector<8x256xf32>
    %iota3A = tpu.iota {dimensions = array<i32: 1>} : vector<1x8xi32>
    %eq3A = vector.broadcast %get3A_4 : vector<1000x1xi32> to vector<1000x8xi32>
    %eq3A_29 = vector.broadcast %iota3A : vector<1x8xi32> to vector<1000x8xi32>
    %eq3A_30 = arith.cmpi eq, %eq3A, %eq3A_29 : vector<1000x8xi32>
    %convert_element_type3A = arith.extui %eq3A_30 : vector<1000x8xi1> to vector<1000x8xi32>
    %convert_element_type3A_31 = arith.sitofp %convert_element_type3A : vector<1000x8xi32> to vector<1000x8xf32>
    %dot_general3A = arith.constant dense<0.000000e+00> : vector<1000x256xf32>
    %dot_general3A_32 = tpu.matmul %convert_element_type3A_31, %div3A_11, %dot_general3A {dimension_numbers = #tpu.dot_dimension_numbers<[1], [0], [0], [1], [0, 0, 1, 1], [], []>, transpose_lhs_hint = false} : vector<1000x8xf32>, vector<8x256xf32>, vector<1000x256xf32> -> vector<1000x256xf32>
    %dot_general3A_33 = arith.constant dense<0.000000e+00> : vector<1000x256xf32>
    %dot_general3A_34 = tpu.matmul %convert_element_type3A_31, %rsqrt3A, %dot_general3A_33 {dimension_numbers = #tpu.dot_dimension_numbers<[1], [0], [0], [1], [0, 0, 1, 1], [], []>, transpose_lhs_hint = false} : vector<1000x8xf32>, vector<8x256xf32>, vector<1000x256xf32> -> vector<1000x256xf32>
    %mul3A_35 = vector.broadcast %get3A_19 : vector<1x256xf32> to vector<1000x256xf32>
    %mul3A_36 = arith.mulf %mul3A_35, %dot_general3A_32 : vector<1000x256xf32>
    %sub3A_37 = arith.subf %get3A_1, %mul3A_36 : vector<1000x256xf32>
    %mul3A_38 = arith.mulf %sub3A_37, %dot_general3A_34 : vector<1000x256xf32>
    %get3A_39 = arith.constant 0 : index
    %get3A_40 = arith.constant 0 : index
    %get3A_41 = vector.load %arg6[%get3A_39, %get3A_40] : memref<1x256xf32, #tpu.memory_space<vmem>>, vector<1x256xf32>
    %mul3A_42 = vector.broadcast %get3A_41 : vector<1x256xf32> to vector<1000x256xf32>
    %mul3A_43 = arith.mulf %mul3A_42, %mul3A_38 : vector<1000x256xf32>
    %get3A_44 = arith.constant 0 : index
    %get3A_45 = arith.constant 0 : index
    %get3A_46 = vector.load %arg7[%get3A_44, %get3A_45] : memref<1x256xf32, #tpu.memory_space<vmem>>, vector<1x256xf32>
    %add3A_47 = vector.broadcast %get3A_46 : vector<1x256xf32> to vector<1000x256xf32>
    %add3A_48 = arith.addf %mul3A_43, %add3A_47 : vector<1000x256xf32>
    %max3A = arith.constant 0.000000e+00 : f32
    %max3A_49 = vector.broadcast %max3A : f32 to vector<1000x256xf32>
    %max3A_50 = arith.maximumf %add3A_48, %max3A_49 : vector<1000x256xf32>
    %dot_general3A_51 = arith.constant dense<0.000000e+00> : vector<8x256xf32>
    %dot_general3A_52 = tpu.matmul %convert_element_type3A_31, %max3A_50, %dot_general3A_51 {dimension_numbers = #tpu.dot_dimension_numbers<[0], [0], [1], [1], [0, 1, 1, 1], [], []>, transpose_lhs_hint = false} : vector<1000x8xf32>, vector<1000x256xf32>, vector<8x256xf32> -> vector<8x256xf32>
    %get3A_53 = arith.constant 0 : index
    %get3A_54 = arith.constant 0 : index
    %get3A_55 = vector.load %arg5[%get3A_53, %get3A_54] : memref<1000x1xi32, #tpu.memory_space<vmem>>, vector<1000x1xi32>
    %eq3A_56 = arith.constant 0 : i32
    %eq3A_57 = vector.broadcast %eq3A_56 : i32 to vector<1000x1xi32>
    %eq3A_58 = arith.cmpi eq, %get3A_55, %eq3A_57 : vector<1000x1xi32>
    %jit3A = arith.constant 0xFF800000 : f32
    %broadcast_in_dim3A = vector.shape_cast %eq3A_58 : vector<1000x1xi1> to vector<1000x1xi1>
    %broadcast_in_dim3A_59 = vector.broadcast %broadcast_in_dim3A : vector<1000x1xi1> to vector<1000x256xi1>
    %broadcast_in_dim3A_60 = vector.broadcast %jit3A : f32 to vector<1000x256xf32>
    %select_n3A = arith.select %broadcast_in_dim3A_59, %max3A_50, %broadcast_in_dim3A_60 : vector<1000x256xi1>, vector<1000x256xf32>
    %reduce_max3A = arith.constant dense<0xFF800000> : vector<256xf32>
    %reduce_max3A_61 = vector.multi_reduction <maximumf>, %select_n3A, %reduce_max3A [0] : vector<1000x256xf32> to vector<256xf32>
    %eq3A_62 = arith.constant 1 : i32
    %eq3A_63 = vector.broadcast %eq3A_62 : i32 to vector<1000x1xi32>
    %eq3A_64 = arith.cmpi eq, %get3A_55, %eq3A_63 : vector<1000x1xi32>
    %jit3A_65 = arith.constant 0xFF800000 : f32
    %broadcast_in_dim3A_66 = vector.shape_cast %eq3A_64 : vector<1000x1xi1> to vector<1000x1xi1>
    %broadcast_in_dim3A_67 = vector.broadcast %broadcast_in_dim3A_66 : vector<1000x1xi1> to vector<1000x256xi1>
    %broadcast_in_dim3A_68 = vector.broadcast %jit3A_65 : f32 to vector<1000x256xf32>
    %select_n3A_69 = arith.select %broadcast_in_dim3A_67, %max3A_50, %broadcast_in_dim3A_68 : vector<1000x256xi1>, vector<1000x256xf32>
    %reduce_max3A_70 = arith.constant dense<0xFF800000> : vector<256xf32>
    %reduce_max3A_71 = vector.multi_reduction <maximumf>, %select_n3A_69, %reduce_max3A_70 [0] : vector<1000x256xf32> to vector<256xf32>
    %eq3A_72 = arith.constant 2 : i32
    %eq3A_73 = vector.broadcast %eq3A_72 : i32 to vector<1000x1xi32>
    %eq3A_74 = arith.cmpi eq, %get3A_55, %eq3A_73 : vector<1000x1xi32>
    %jit3A_75 = arith.constant 0xFF800000 : f32
    %broadcast_in_dim3A_76 = vector.shape_cast %eq3A_74 : vector<1000x1xi1> to vector<1000x1xi1>
    %broadcast_in_dim3A_77 = vector.broadcast %broadcast_in_dim3A_76 : vector<1000x1xi1> to vector<1000x256xi1>
    %broadcast_in_dim3A_78 = vector.broadcast %jit3A_75 : f32 to vector<1000x256xf32>
    %select_n3A_79 = arith.select %broadcast_in_dim3A_77, %max3A_50, %broadcast_in_dim3A_78 : vector<1000x256xi1>, vector<1000x256xf32>
    %reduce_max3A_80 = arith.constant dense<0xFF800000> : vector<256xf32>
    %reduce_max3A_81 = vector.multi_reduction <maximumf>, %select_n3A_79, %reduce_max3A_80 [0] : vector<1000x256xf32> to vector<256xf32>
    %eq3A_82 = arith.constant 3 : i32
    %eq3A_83 = vector.broadcast %eq3A_82 : i32 to vector<1000x1xi32>
    %eq3A_84 = arith.cmpi eq, %get3A_55, %eq3A_83 : vector<1000x1xi32>
    %jit3A_85 = arith.constant 0xFF800000 : f32
    %broadcast_in_dim3A_86 = vector.shape_cast %eq3A_84 : vector<1000x1xi1> to vector<1000x1xi1>
    %broadcast_in_dim3A_87 = vector.broadcast %broadcast_in_dim3A_86 : vector<1000x1xi1> to vector<1000x256xi1>
    %broadcast_in_dim3A_88 = vector.broadcast %jit3A_85 : f32 to vector<1000x256xf32>
    %select_n3A_89 = arith.select %broadcast_in_dim3A_87, %max3A_50, %broadcast_in_dim3A_88 : vector<1000x256xi1>, vector<1000x256xf32>
    %reduce_max3A_90 = arith.constant dense<0xFF800000> : vector<256xf32>
    %reduce_max3A_91 = vector.multi_reduction <maximumf>, %select_n3A_89, %reduce_max3A_90 [0] : vector<1000x256xf32> to vector<256xf32>
    %eq3A_92 = arith.constant 4 : i32
    %eq3A_93 = vector.broadcast %eq3A_92 : i32 to vector<1000x1xi32>
    %eq3A_94 = arith.cmpi eq, %get3A_55, %eq3A_93 : vector<1000x1xi32>
    %jit3A_95 = arith.constant 0xFF800000 : f32
    %broadcast_in_dim3A_96 = vector.shape_cast %eq3A_94 : vector<1000x1xi1> to vector<1000x1xi1>
    %broadcast_in_dim3A_97 = vector.broadcast %broadcast_in_dim3A_96 : vector<1000x1xi1> to vector<1000x256xi1>
    %broadcast_in_dim3A_98 = vector.broadcast %jit3A_95 : f32 to vector<1000x256xf32>
    %select_n3A_99 = arith.select %broadcast_in_dim3A_97, %max3A_50, %broadcast_in_dim3A_98 : vector<1000x256xi1>, vector<1000x256xf32>
    %reduce_max3A_100 = arith.constant dense<0xFF800000> : vector<256xf32>
    %reduce_max3A_101 = vector.multi_reduction <maximumf>, %select_n3A_99, %reduce_max3A_100 [0] : vector<1000x256xf32> to vector<256xf32>
    %eq3A_102 = arith.constant 5 : i32
    %eq3A_103 = vector.broadcast %eq3A_102 : i32 to vector<1000x1xi32>
    %eq3A_104 = arith.cmpi eq, %get3A_55, %eq3A_103 : vector<1000x1xi32>
    %jit3A_105 = arith.constant 0xFF800000 : f32
    %broadcast_in_dim3A_106 = vector.shape_cast %eq3A_104 : vector<1000x1xi1> to vector<1000x1xi1>
    %broadcast_in_dim3A_107 = vector.broadcast %broadcast_in_dim3A_106 : vector<1000x1xi1> to vector<1000x256xi1>
    %broadcast_in_dim3A_108 = vector.broadcast %jit3A_105 : f32 to vector<1000x256xf32>
    %select_n3A_109 = arith.select %broadcast_in_dim3A_107, %max3A_50, %broadcast_in_dim3A_108 : vector<1000x256xi1>, vector<1000x256xf32>
    %reduce_max3A_110 = arith.constant dense<0xFF800000> : vector<256xf32>
    %reduce_max3A_111 = vector.multi_reduction <maximumf>, %select_n3A_109, %reduce_max3A_110 [0] : vector<1000x256xf32> to vector<256xf32>
    %eq3A_112 = arith.constant 6 : i32
    %eq3A_113 = vector.broadcast %eq3A_112 : i32 to vector<1000x1xi32>
    %eq3A_114 = arith.cmpi eq, %get3A_55, %eq3A_113 : vector<1000x1xi32>
    %jit3A_115 = arith.constant 0xFF800000 : f32
    %broadcast_in_dim3A_116 = vector.shape_cast %eq3A_114 : vector<1000x1xi1> to vector<1000x1xi1>
    %broadcast_in_dim3A_117 = vector.broadcast %broadcast_in_dim3A_116 : vector<1000x1xi1> to vector<1000x256xi1>
    %broadcast_in_dim3A_118 = vector.broadcast %jit3A_115 : f32 to vector<1000x256xf32>
    %select_n3A_119 = arith.select %broadcast_in_dim3A_117, %max3A_50, %broadcast_in_dim3A_118 : vector<1000x256xi1>, vector<1000x256xf32>
    %reduce_max3A_120 = arith.constant dense<0xFF800000> : vector<256xf32>
    %reduce_max3A_121 = vector.multi_reduction <maximumf>, %select_n3A_119, %reduce_max3A_120 [0] : vector<1000x256xf32> to vector<256xf32>
    %eq3A_122 = arith.constant 7 : i32
    %eq3A_123 = vector.broadcast %eq3A_122 : i32 to vector<1000x1xi32>
    %eq3A_124 = arith.cmpi eq, %get3A_55, %eq3A_123 : vector<1000x1xi32>
    %jit3A_125 = arith.constant 0xFF800000 : f32
    %broadcast_in_dim3A_126 = vector.shape_cast %eq3A_124 : vector<1000x1xi1> to vector<1000x1xi1>
    %broadcast_in_dim3A_127 = vector.broadcast %broadcast_in_dim3A_126 : vector<1000x1xi1> to vector<1000x256xi1>
    %broadcast_in_dim3A_128 = vector.broadcast %jit3A_125 : f32 to vector<1000x256xf32>
    %select_n3A_129 = arith.select %broadcast_in_dim3A_127, %max3A_50, %broadcast_in_dim3A_128 : vector<1000x256xi1>, vector<1000x256xf32>
    %reduce_max3A_130 = arith.constant dense<0xFF800000> : vector<256xf32>
    %reduce_max3A_131 = vector.multi_reduction <maximumf>, %select_n3A_129, %reduce_max3A_130 [0] : vector<1000x256xf32> to vector<256xf32>
    %stack3A = vector.shape_cast %reduce_max3A_61 : vector<256xf32> to vector<1x256xf32>
    %stack3A_132 = vector.shape_cast %reduce_max3A_71 : vector<256xf32> to vector<1x256xf32>
    %stack3A_133 = vector.shape_cast %reduce_max3A_81 : vector<256xf32> to vector<1x256xf32>
    %stack3A_134 = vector.shape_cast %reduce_max3A_91 : vector<256xf32> to vector<1x256xf32>
    %stack3A_135 = vector.shape_cast %reduce_max3A_101 : vector<256xf32> to vector<1x256xf32>
    %stack3A_136 = vector.shape_cast %reduce_max3A_111 : vector<256xf32> to vector<1x256xf32>
    %stack3A_137 = vector.shape_cast %reduce_max3A_121 : vector<256xf32> to vector<1x256xf32>
    %stack3A_138 = vector.shape_cast %reduce_max3A_131 : vector<256xf32> to vector<1x256xf32>
    %stack3A_139 = tpu.concatenate %stack3A, %stack3A_132, %stack3A_133, %stack3A_134, %stack3A_135, %stack3A_136, %stack3A_137, %stack3A_138 in 0 : vector<1x256xf32>, vector<1x256xf32>, vector<1x256xf32>, vector<1x256xf32>, vector<1x256xf32>, vector<1x256xf32>, vector<1x256xf32>, vector<1x256xf32> -> vector<8x256xf32>
    %eq3A_140 = arith.constant 0 : i32
    %eq3A_141 = arith.cmpi eq, %arg0, %eq3A_140 : i32
    %convert_element_type3A_142 = arith.extui %eq3A_141 : i1 to i32
    %cond3A = arith.constant 0 : i32
    %cond3A_143 = arith.cmpi ne, %convert_element_type3A_142, %cond3A : i32
    scf.if %cond3A_143 {
      %swap3A = arith.constant 0 : index
      %swap3A_153 = arith.constant 0 : index
      %swap3A_154 = vector.load %arg9[%swap3A, %swap3A_153] : memref<8x256xf32, #tpu.memory_space<vmem>>, vector<8x256xf32>
      tpu.vector_store %arg9[%swap3A, %swap3A_153], %dot_general3A_52 {strides = array<i32>} : memref<8x256xf32, #tpu.memory_space<vmem>>, vector<8x256xf32>,
      %swap3A_155 = arith.constant 0 : index
      %swap3A_156 = arith.constant 0 : index
      %swap3A_157 = vector.load %arg10[%swap3A_155, %swap3A_156] : memref<8x256xf32, #tpu.memory_space<vmem>>, vector<8x256xf32>
      tpu.vector_store %arg10[%swap3A_155, %swap3A_156], %stack3A_139 {strides = array<i32>} : memref<8x256xf32, #tpu.memory_space<vmem>>, vector<8x256xf32>,
    } else {
    }
    %gt3A = arith.constant 0 : i32
    %gt3A_144 = arith.cmpi sgt, %arg0, %gt3A : i32
    %convert_element_type3A_145 = arith.extui %gt3A_144 : i1 to i32
    %cond3A_146 = arith.constant 0 : i32
    %cond3A_147 = arith.cmpi ne, %convert_element_type3A_145, %cond3A_146 : i32
    scf.if %cond3A_147 {
      %get3A_153 = arith.constant 0 : index
      %get3A_154 = arith.constant 0 : index
      %get3A_155 = vector.load %arg9[%get3A_153, %get3A_154] : memref<8x256xf32, #tpu.memory_space<vmem>>, vector<8x256xf32>
      %add3A_156 = arith.addf %get3A_155, %dot_general3A_52 : vector<8x256xf32>
      %swap3A = arith.constant 0 : index
      %swap3A_157 = arith.constant 0 : index
      %swap3A_158 = vector.load %arg9[%swap3A, %swap3A_157] : memref<8x256xf32, #tpu.memory_space<vmem>>, vector<8x256xf32>
      tpu.vector_store %arg9[%swap3A, %swap3A_157], %add3A_156 {strides = array<i32>} : memref<8x256xf32, #tpu.memory_space<vmem>>, vector<8x256xf32>,
      %get3A_159 = arith.constant 0 : index
      %get3A_160 = arith.constant 0 : index
      %get3A_161 = vector.load %arg10[%get3A_159, %get3A_160] : memref<8x256xf32, #tpu.memory_space<vmem>>, vector<8x256xf32>
      %max3A_162 = arith.maximumf %get3A_161, %stack3A_139 : vector<8x256xf32>
      %swap3A_163 = arith.constant 0 : index
      %swap3A_164 = arith.constant 0 : index
      %swap3A_165 = vector.load %arg10[%swap3A_163, %swap3A_164] : memref<8x256xf32, #tpu.memory_space<vmem>>, vector<8x256xf32>
      tpu.vector_store %arg10[%swap3A_163, %swap3A_164], %max3A_162 {strides = array<i32>} : memref<8x256xf32, #tpu.memory_space<vmem>>, vector<8x256xf32>,
    } else {
    }
    %eq3A_148 = arith.constant 9 : i32
    %eq3A_149 = arith.cmpi eq, %arg0, %eq3A_148 : i32
    %convert_element_type3A_150 = arith.extui %eq3A_149 : i1 to i32
    %cond3A_151 = arith.constant 0 : i32
    %cond3A_152 = arith.cmpi ne, %convert_element_type3A_150, %cond3A_151 : i32
    scf.if %cond3A_152 {
      %get3A_153 = arith.constant 0 : index
      %get3A_154 = arith.constant 0 : index
      %get3A_155 = vector.load %arg9[%get3A_153, %get3A_154] : memref<8x256xf32, #tpu.memory_space<vmem>>, vector<8x256xf32>
      %get3A_156 = arith.constant 0 : index
      %get3A_157 = arith.constant 0 : index
      %get3A_158 = vector.load %arg4[%get3A_156, %get3A_157] : memref<8x128xf32, #tpu.memory_space<vmem>>, vector<8x1xf32>
      %div3A_159 = vector.broadcast %get3A_158 : vector<8x1xf32> to vector<8x256xf32>
      %div3A_160 = arith.divf %get3A_155, %div3A_159 : vector<8x256xf32>
      %swap3A = arith.constant 0 : index
      %swap3A_161 = arith.constant 0 : index
      %swap3A_162 = vector.load %arg9[%swap3A, %swap3A_161] : memref<8x256xf32, #tpu.memory_space<vmem>>, vector<8x256xf32>
      tpu.vector_store %arg9[%swap3A, %swap3A_161], %div3A_160 {strides = array<i32>} : memref<8x256xf32, #tpu.memory_space<vmem>>, vector<8x256xf32>,
    } else {
    }
    return
  }
  func.func @transform_0(%arg0: i32) -> (i32, i32) {
    %c0_i32 = arith.constant 0 : i32
    %c0_i32_0 = arith.constant 0 : i32
    return %arg0, %c0_i32 : i32, i32
  }
  func.func @transform_1(%arg0: i32) -> (i32, i32) {
    %c0_i32 = arith.constant 0 : i32
    %c0_i32_0 = arith.constant 0 : i32
    %c0_i32_1 = arith.constant 0 : i32
    return %c0_i32, %c0_i32_0 : i32, i32
  }
  func.func @transform_2(%arg0: i32) -> (i32, i32) {
    %c0_i32 = arith.constant 0 : i32
    %c0_i32_0 = arith.constant 0 : i32
    %c0_i32_1 = arith.constant 0 : i32
    return %c0_i32, %c0_i32_0 : i32, i32
  }
  func.func @transform_3(%arg0: i32) -> (i32, i32) {
    %c0_i32 = arith.constant 0 : i32
    %c0_i32_0 = arith.constant 0 : i32
    %c0_i32_1 = arith.constant 0 : i32
    return %c0_i32, %c0_i32_0 : i32, i32
  }
  func.func @transform_4(%arg0: i32) -> (i32, i32) {
    %c0_i32 = arith.constant 0 : i32
    %c0_i32_0 = arith.constant 0 : i32
    return %arg0, %c0_i32 : i32, i32
  }
  func.func @transform_5(%arg0: i32) -> (i32, i32) {
    %c0_i32 = arith.constant 0 : i32
    %c0_i32_0 = arith.constant 0 : i32
    %c0_i32_1 = arith.constant 0 : i32
    return %c0_i32, %c0_i32_0 : i32, i32
  }
  func.func @transform_6(%arg0: i32) -> (i32, i32) {
    %c0_i32 = arith.constant 0 : i32
    %c0_i32_0 = arith.constant 0 : i32
    %c0_i32_1 = arith.constant 0 : i32
    return %c0_i32, %c0_i32_0 : i32, i32
  }
  func.func @transform_7(%arg0: i32) -> (i32, i32) {
    %c0_i32 = arith.constant 0 : i32
    %c0_i32_0 = arith.constant 0 : i32
    %c0_i32_1 = arith.constant 0 : i32
    return %c0_i32, %c0_i32_0 : i32, i32
  }
  func.func @transform_8(%arg0: i32) -> (i32, i32) {
    %c0_i32 = arith.constant 0 : i32
    %c0_i32_0 = arith.constant 0 : i32
    %c0_i32_1 = arith.constant 0 : i32
    return %c0_i32, %c0_i32_0 : i32, i32
  }
  func.func @transform_9(%arg0: i32) -> (i32, i32) {
    %c0_i32 = arith.constant 0 : i32
    %c0_i32_0 = arith.constant 0 : i32
    %c0_i32_1 = arith.constant 0 : i32
    return %c0_i32, %c0_i32_0 : i32, i32
  }
}

</mosaic_0001>

<sc_bundles>
// kernel: kernel.14.cloned.1.call-start
scs
__scs_entry_jumppad:
0x0: {  	(pc) =	sbr.rel $0x88, $3  }
0x1: {  	(tag) =	ssettag $0x0;
	lr =	simm.s32 $0x1  }
0x2: {  	[smem:$0x3F8D] =	sst lr;
	_ =	strace $0xD0000000  }
0x3: {  	_ = 	snop  }
0x4: {  	_ = 	snop  }
0x5: {  	_ = 	snop  }
0x6: {  	_ = 	snop  }
0x7: {  	_ = 	snop  }
__scs_overlays_trampoline_lowered:
0x8: {  	[smem:$0x3F9C] =	sst s0  }
0x9: {  	[smem:$0x3F9D] =	sst s1  }
0xa: {  	[smem:$0x3F9E] =	sst s2  }
0xb: {  	[smem:$0x3F9F] =	sst s3  }
0xc: {  	[smem:$0x3FA0] =	sst s4  }
0xd: {  	[smem:$0x3FA1] =	sst s5  }
0xe: {  	[smem:$0x3FA2] =	sst s6  }
0xf: {  	[smem:$0x3FA3] =	sst s7  }
0x10: {  	[smem:$0x3FA4] =	sst s8  }
0x11: {  	[smem:$0x3FA5] =	sst s9;
	s0 =	simm.s32 @!p0 $0x0  }
0x12: {  	s1 =	sld [smem:$0x3F8B];
	s0 =	simm.s32 @p0 $0x1  }
0x13: {  	[smem:$0x3FA6] =	sst s0;
	s0 =	simm.s32 @!p1 $0x0  }
0x14: {  	s2 =	sld [smem:$0x3F8A];
	s0 =	simm.s32 @p1 $0x1  }
0x15: {  	[smem:$0x3FA7] =	sst s0;
	s0 =	simm.s32 @!p2 $0x0  }
0x16: {  	s3 =	sld [smem:$0x3FDB];
	s0 =	simm.s32 @p2 $0x1  }
0x17: {  	s4 =	simm.s32 $0x1BF5;
	[smem:$0x3FA9] =	sst s0  }
0x18: {  	s0 =	sld [smem:$0x3F8C];
	_ =	swait.ge [sflag:s4], $0x0  }
0x19: {  	s7 =	sld [smem:$0x3F8D]  }
0x1a: {  	s8 =	sadd.s32 $0xFFFFE003, lr  }
0x1b: {  	s9 =	sadd.s32 $0xFFFFFEF7, lr;
	s5 =	simm.s32 $0xFFFFFFFF;
	p2 =	slt.u32 s8, $0xFFFFF086  }
0x1c: {  	p1 =	slt.u32 s9, $0xF7A;
	s5 =	simm.s32 @!p2 $0x0  }
0x1d: {  	s5 =	simm.s32 @p1 $0x1;
	p0 =	seq.s32 s7, s2  }
0x1e: {  	s7 =	smul.u32 @!p0 $0xF7A, s2;
	p2 =	seq.s32 @!p0 s5, $0x0  }
0x1f: {  	s9 =	smul.u32 $0xF7A, s1;
	s8 =	simm.s32 @!p0 $0x1BF5;
	p2 =	por !p2, p0  }
0x20: {  	[sflag:s8] =	ssyncset.s32 @!p0 $0xFFFFF086;
	s6 =	sadd.s32 @!p0 s3, s7;
	s7 =	simm.s32 @!p0 $0x108  }
0x21: {  	s3 =	sadd.s32 s3, s9;
	s6 =	sadd.s32 @!p0 $0x88, s6;
	s7 =	simm.s32 @p2 $0x1082  }
0x22: {  	[simem:s7], [sflag:s8] =	dma.local @!p0 [hbm:s6], $0xF7A  }
0x23: {  	s9 =	sor.u32 $0xD0000000, s2;
	s6 =	simm.s32 $0x108;
	_ =	swait.ge @!p0 [sflag:s8], $0x0  }
0x24: {  	s3 =	sadd.s32 $0x88, s3;
	s6 =	simm.s32 @!p1 $0x1082;
	[sflag:s4] =	ssyncset.s32 $0xFFFFF086  }
0x25: {  	[simem:s6], [sflag:s4] =	dma.local [hbm:s3], $0xF7A  }
0x26: {  	[smem:$0x3F8D] =	sst s1;
	(tag) =	ssettag s2;
	_ =	strace s9  }
0x27: {  	s1 =	sld [smem:$0x3F9D]  }
0x28: {  	s2 =	sld [smem:$0x3F9E]  }
0x29: {  	s4 =	sld [smem:$0x3FA0]  }
0x2a: {  	p0 =	seq.s32 s5, $0x0;
	s5 =	sld [smem:$0x3FA1]  }
0x2b: {  	s6 =	sld [smem:$0x3FA2]  }
0x2c: {  	s7 =	sld [smem:$0x3FA3]  }
0x2d: {  	s3 =	simm.s32 $0x108;
	s8 =	sld [smem:$0x3FA4]  }
0x2e: {  	s3 =	simm.s32 @!p0 $0x1082;
	s9 =	sld [smem:$0x3FA5]  }
0x2f: {  	lr =	sadd.s32 s0, s3;
	s0 =	sld [smem:$0x3F9C]  }
0x30: {  	s3 =	sld [smem:$0x3F9F]  }
0x31: {  	[smem:$0x3FA8] =	sst s10  }
0x32: {  	s10 =	sld [smem:$0x3FA6];
	_ =	sdelay $0x3  }
0x33: {  	p0 =	seq.s32 s10, $0x1;
	s10 =	sld [smem:$0x3FA8];
	_ =	sdelay $0x3  }
0x34: {  	[smem:$0x3FA8] =	sst s10  }
0x35: {  	s10 =	sld [smem:$0x3FA7];
	_ =	sdelay $0x3  }
0x36: {  	p1 =	seq.s32 s10, $0x1;
	s10 =	sld [smem:$0x3FA8];
	_ =	sdelay $0x3  }
0x37: {  	[smem:$0x3FA8] =	sst s10  }
0x38: {  	s10 =	sld [smem:$0x3FA9]  }
0x39: {  	_ = 	snop;
	(pc) =	sbr.ind lr, $3  }
0x3a: {  	_ = 	snop  }
0x3b: {  	_ = 	snop  }
0x3c: {  	p2 =	seq.s32 s10, $0x1;
	s10 =	sld [smem:$0x3FA8]  }
0x3d: {  	_ =	shalt  }
0x3e: {  	_ =	shalt  }
0x3f: {  	_ =	shalt  }
0x40: {  	_ =	shalt  }
0x41: {  	_ =	shalt  }
0x42: {  	_ =	shalt  }
0x43: {  	_ =	shalt  }
0x44: {  	_ =	shalt  }
0x45: {  	_ =	shalt  }
0x46: {  	_ =	shalt  }
0x47: {  	_ =	shalt  }
0x48: {  	_ =	shalt  }
0x49: {  	_ =	shalt  }
0x4a: {  	_ =	shalt  }
0x4b: {  	_ =	shalt  }
0x4c: {  	_ =	shalt  }
0x4d: {  	_ =	shalt  }
0x4e: {  	_ =	shalt  }
0x4f: {  	_ =	shalt  }
0x50: {  	_ =	shalt  }
0x51: {  	_ =	shalt  }
0x52: {  	_ =	shalt  }
0x53: {  	_ =	shalt  }
0x54: {  	_ =	shalt  }
0x55: {  	_ =	shalt  }
0x56: {  	_ =	shalt  }
0x57: {  	_ =	shalt  }
0x58: {  	_ =	shalt  }
0x59: {  	_ =	shalt  }
0x5a: {  	_ =	shalt  }
0x5b: {  	_ =	shalt  }
0x5c: {  	_ =	shalt  }
0x5d: {  	_ =	shalt  }
0x5e: {  	_ =	shalt  }
0x5f: {  	_ =	shalt  }
0x60: {  	_ =	shalt  }
0x61: {  	_ =	shalt  }
0x62: {  	_ =	shalt  }
0x63: {  	_ =	shalt  }
0x64: {  	_ =	shalt  }
0x65: {  	_ =	shalt  }
0x66: {  	_ =	shalt  }
0x67: {  	_ =	shalt  }
0x68: {  	_ =	shalt  }
0x69: {  	_ =	shalt  }
0x6a: {  	_ =	shalt  }
0x6b: {  	_ =	shalt  }
0x6c: {  	_ =	shalt  }
0x6d: {  	_ =	shalt  }
0x6e: {  	_ =	shalt  }
0x6f: {  	_ =	shalt  }
0x70: {  	_ =	shalt  }
0x71: {  	_ =	shalt  }
0x72: {  	_ =	shalt  }
0x73: {  	_ =	shalt  }
0x74: {  	_ =	shalt  }
0x75: {  	_ =	shalt  }
0x76: {  	_ =	shalt  }
0x77: {  	_ =	shalt  }
0x78: {  	_ =	shalt  }
0x79: {  	_ =	shalt  }
0x7a: {  	_ =	shalt  }
0x7b: {  	_ =	shalt  }
0x7c: {  	_ =	shalt  }
0x7d: {  	_ =	shalt  }
0x7e: {  	_ =	shalt  }
0x7f: {  	_ =	shalt  }
0x80: {  	_ =	shalt  }
0x81: {  	_ =	shalt  }
0x82: {  	_ =	shalt  }
0x83: {  	_ =	shalt  }
0x84: {  	_ =	shalt  }
0x85: {  	_ =	shalt  }
0x86: {  	_ =	shalt  }
0x87: {  	_ =	shalt  }
.Lfunc_end0:
.L_simem_size_0:
called_computation_lowered:
.L_overlay_start_0:
0x88: {  	s2 =	sld [smem:$0x3FD9]  }
0x89: {  	s3 =	sld [smem:$0x3FFE];
	_ =	sdelay $0x1  }
0x8a: {  	s1 =	srdreg.scid  }
0x8b: {  	s0 =	sand.u32 $0x1, s1  }
0x8c: {  	s17 =	sshll.u32 s0, $0xA;
	s2 =	sadd.s32 s3, s2  }
0x8d: {  	s2 =	sadd.s32 s2, s17  }
0x8e: {  	[smem:$0x3FB4] =	sst s2  }
0x8f: {  	_ = 	snop  }
0x90: {  	s2 =	sld [smem:$0x3FD0];
	(tm) =	ssettm $0x1  }
0x91: {  	s18 =	sld [smem:$0x3FFB];
	_ =	sdelay $0x3  }
0x92: {  	_ =	strace s18  }
0x93: {  	s3 =	sld [smem:$0x3FFC];
	_ =	sdelay $0x3  }
0x94: {  	_ =	strace s3  }
0x95: {  	s3 =	sld [smem:$0x3FFD];
	_ =	sdelay $0x3  }
0x96: {  	_ =	strace s3  }
0x97: {  	_ =	strace $0x8FFFFFFF  }
0x98: {  	s19 =	sld [smem:$0x3FDB];
	_ =	sdelay $0x1  }
0x99: {  	s4 =	simm.s32 $_scs_section_size  }
0x9a: {  	s5 =	simm.s32 $_size__tile_overlayer_lowered;
	s6 =	simm.s32 $_tile_overlayer_lowered  }
0x9b: {  	s22 =	simm.s32 $0x1BFF;
	s21 =	sshll.u32 s6, $0x1;
	s3 =	sadd.s32 s4, s19  }
0x9c: {  	s7 =	simm.s32 $0x0;
	s20 =	sshll.u32 s5, $0x1;
	s5 =	sadd.s32 s21, s3  }
0x9d: {  	[timem:s7], [sflag:s22] =	dma.local [hbm:s5], s20  }
0x9e: {  	_ =	swait.ge [sflag:s22], s20  }
0x9f: {  	s4 =	ssub.s32 $0x0, s20;
	[sflag:s22] =	ssyncset.done $0x0  }
0xa0: {  	[sflag:s22] =	ssyncadd.s32 s4;
	_ =	sdelay $0x1  }
0xa1: {  	s23 =	simm.s32 $0x1B8B  }
0xa2: {  	_ =	swait.ge [sflag:s23], $0x1  }
0xa3: {  	[sflag:s23] =	ssyncset.done $0x0  }
0xa4: {  	s25 =	simm.s32 $0x1B8E;
	s24 =	sld [smem:$0x3FFE];
	[sflag:s23] =	ssyncadd.s32 $0xFFFFFFFF  }
0xa5: {  	s26 =	simm.s32 $execute0_lowered;
	[smem:$0x3FD2] =	sst s25  }
0xa6: {  	s5 =	sshll.u32 s26, $0x1;
	_ =	strace $0x80000046;
	[dreg:$0x1] =	wrdreg $0xFFFFFFFF  }
0xa7: {  	s28 =	simm.s32 $_size_execute0_lowered;
	s3 =	sadd.s32 s3, s5;
	[dreg:$0x0] =	wrdreg $0x0  }
0xa8: {  	s5 =	sshll.u32 s28, $0x1;
	[dreg:$0x2] =	wrdreg s3  }
0xa9: {  	[dreg:$0x3] =	wrdreg s5  }
0xaa: {  	[dreg:$0x4] =	wrdreg $0xC0  }
0xab: {  	_ =	task [dreg:s7], $0x5FFFF  }
0xac: {  	[dreg:$0x1] =	wrdreg $0xFFFFFFFF  }
0xad: {  	[dreg:$0x0] =	wrdreg $0x60  }
0xae: {  	[dreg:$0x2] =	wrdreg s24  }
0xaf: {  	[dreg:$0x3] =	wrdreg s2  }
0xb0: {  	[dreg:$0x4] =	wrdreg $0x2800  }
0xb1: {  	[dreg:$0x5] =	wrdreg $0x9  }
0xb2: {  	_ =	task.clear_ibuf [dreg:s7], $0x6FFFF;
	_ =	strace $0x90000046  }
0xb3: {  	s29 =	simm.s32 $0x9;
	_ =	strace $0x80000048  }
0xb4: {  	_ =	swait.ge [sflag:s29], $0x1  }
0xb5: {  	[sflag:s29] =	ssyncadd.s32 $0xFFFFFFFF  }
0xb6: {  	_ =	strace $0x90000048  }
0xb7: {  	_ =	sfence  }
0xb8: {  	s30 =	sld [smem:$0x0];
	_ =	sdelay $0x2  }
0xb9: {  	s31 =	sshll.u32 s1, $0xD;
	s1 =	sshrl.u32 s1, $0x2  }
0xba: {  	s3 =	sand.u32 $0x4000, s31;
	s1 =	sadd.s32 s1, s30  }
0xbb: {  	s0 =	sor.u32 s3, s0;
	s1 =	sshll.u32 s1, $0x11  }
0xbc: {  	s0 =	sor.u32 s1, s0  }
0xbd: {  	s0 =	sadd.s32 $0x8F2B, s0  }
0xbe: {  	[sflag:s0] =	ssyncadd.remote.s32 $0x1  }
0xbf: {  	_ =	sfence.sel $0xFFFF  }
0xc0: {  	[dreg:$0x0] =	wrdreg $0xFFFFFFFF;
	(pc) =	sbr.abs _section_cstart, $3  }
0xc1: {  	[dreg:$0x1] =	wrdreg $0xFFFFFFFF  }
0xc2: {  	_ =	task.clear_ibuf [dreg:s7], $0x2FFFF;
	_ =	strace $0x9FFFFFFF  }
0xc3: {  	(tm) =	ssettm $0x7FFFFFFF  }
tec
execute0_lowered:
.L_overlay_start_1:
0x0: {  	(tag) =	ssettag $0x1  }
0x1: {  	s5 =	rddreg [dreg:$0x0]  }
0x2: {  	s2 =	rddreg [dreg:$0x1]  }
0x3: {  	s1 =	srdreg.scid;
	s0 =	stileid.u32  }
0x4: {  	s3 =	rddreg [dreg:$0x2];
	s4 =	simm.s32 $0x0;
	s14 =	simm.s32 $0x100  }
0x5: {  	s15 =	simm.s32 $0x80;
	s16 =	simm.s32 $0x200;
	s17 =	simm.s32 $0x4  }
0x6: {  	s18 =	simm.s32 $0x180;
	s19 =	simm.s32 $0x2;
	s20 =	simm.s32 $0x0  }
0x7: {  	s6 =	sand.u32 $0x1, s1;
	s7 =	smul.u32 $0x280, s0;
	s1 =	rddreg [dreg:$0x3]  }
0x8: {  	[smem:$0x7FF] =	sst s4;
	s9 =	sadd.s32 $0x5400, s5;
	s12 =	sshll.u32 s0, $0x6  }
0x9: {  	s8 =	smul.u32 $0x2800, s6;
	s10 =	ssub.s32 $0x2, s6;
	s13 =	sshll.u32 s6, $0x5  }
0xa: {  	_ =	strace $0x80000047;
	s11 =	sshrl.u32 s10, $0x1;
	s6 =	sor.u32 s13, s12  }
0xb: {  	s31 =	sadd.s32 s7, s3;
	s8 =	sadd.s32 s7, s8;
	s10 =	ssub.s32 s10, s11  }
0xc: {  	s6 =	sadd.s32 s9, s6;
	s11 =	sshrl.u32 s31, $0x3;
	s8 =	sshrl.u32 s8, $0x3  }
0xd: {  	s7 =	sadd.s32 $0x400, s6;
	s8 =	sadd.s32 s8, s5;
	s5 =	sor.u32 $0x1C01, s12  }
0xe: {  	s12 =	sadd.s32 s12, s9;
	s9 =	smax.u32 s10, $0x1;
	s8 =	sadd.s32 $0x19400, s8  }
0xf: {  	v0 =	vimm.f32 $1.000000000e+00;
	s10 =	sadd.s32 s13, s12;
	s12 =	simm.s32 $0x1;
	s13 =	simm.s32 $0x3  }
.LBB2_1:
0x10: {  	[spmem:s11], [sflag:s5] =	dma.local [hbm:s2], $0x50  }
0x11: {  	_ =	swait.ge [sflag:s12], $0x50  }
0x12: {  	[sflag:s12] =	ssyncset.done $0x0  }
0x13: {  	[sflag:s12] =	ssyncadd.s32 $0xFFFFFFB0  }
0x14: {  	[tilespmem:$0x200] =	vst v0  }
0x15: {  	[tilespmem:$0x210] =	vst v0  }
0x16: {  	[tilespmem:$0x220] =	vst v0  }
0x17: {  	[tilespmem:$0x230] =	vst v0  }
0x18: {  	[tilespmem:$0x240] =	vst v0  }
0x19: {  	[tilespmem:$0x250] =	vst v0  }
0x1a: {  	[tilespmem:$0x260] =	vst v0  }
0x1b: {  	[tilespmem:$0x270] =	vst v0  }
0x1c: {  	[bflag:$0x0] =	sbarrier.arrive $0xFFFF  }
0x1d: {  	[tilespmem:s4], [sflag:$0x3] =	stream.linear.gather [hbm4b:s6+s4], $0x100, $0x38;
	[tilespmem:$0x500] =	vst v63  }
0x1e: {  	_ =	swait.ge [sflag:s13], $0x100  }
0x1f: {  	[sflag:s13] =	ssyncset.done $0x0  }
0x20: {  	[sflag:s13] =	ssyncadd.s32 $0xFFFFFF00  }
0x21: {  	[tilespmem:s14], [sflag:$0x3] =	stream.linear.gather [hbm4b:s7+s4], $0x100, $0x38;
	[tilespmem:$0x500] =	vst v63  }
0x22: {  	_ =	swait.ge [sflag:s13], $0x100  }
0x23: {  	[sflag:s13] =	ssyncset.done $0x0  }
0x24: {  	[sflag:s13] =	ssyncadd.s32 $0xFFFFFF00  }
0x25: {  	[spmem:s3] =	stream.indirect.scatter.add.f32 [tilespmem:s16], [sflag:$0x1], $0x1, s15, s15, $0xb8;
	[tilespmem:$0x500] =	vst v63  }
0x26: {  	_ =	swait.ge [sflag:s12], $0x80  }
0x27: {  	s21 =	sadd.s32 $0xFFFEC800, s10;
	[sflag:s12] =	ssyncset.done $0x0  }
0x28: {  	s22 =	sadd.s32 $0x14000, s21;
	[sflag:s12] =	ssyncadd.s32 $0xFFFFFF80  }
0x29: {  	[tilespmem:s4], [sflag:$0x4] =	stream.linear.gather [hbm4b:s22+s4], $0x100, $0x38;
	[tilespmem:$0x500] =	vst v63  }
0x2a: {  	_ =	swait.ge [sflag:s17], $0x100  }
0x2b: {  	[sflag:s17] =	ssyncset.done $0x0  }
0x2c: {  	[sflag:s17] =	ssyncadd.s32 $0xFFFFFF00  }
0x2d: {  	[spmem:s3] =	stream.indirect.scatter.add.f32 [tilespmem:s16], [sflag:$0x2], $0x1, s18, s15, $0xb8;
	[tilespmem:$0x500] =	vst v63  }
0x2e: {  	_ =	swait.ge [sflag:s19], $0x80  }
0x2f: {  	[sflag:s19] =	ssyncset.done $0x0  }
0x30: {  	s21 =	sadd.s32 $0x14400, s21;
	[sflag:s19] =	ssyncadd.s32 $0xFFFFFF80  }
0x31: {  	[tilespmem:s14], [sflag:$0x3] =	stream.linear.gather [hbm4b:s21+s4], $0x100, $0x38;
	[tilespmem:$0x500] =	vst v63  }
0x32: {  	_ =	swait.ge [sflag:s13], $0x100  }
0x33: {  	s21 =	simm.s32 $0xFFFED000;
	[sflag:s13] =	ssyncset.done $0x0  }
.LBB2_2:
0x34: {  	p0 =	sne.s32 s21, $0xFFFFF800  }
0x35: {  	[sflag:s13] =	ssyncadd.s32 $0xFFFFFF00;
	s22 =	smov.u32 s21;
	s21 =	sadd.s32 $0x800, s21  }
0x36: {  	[spmem:s3] =	stream.indirect.scatter.add.f32 [tilespmem:s16], [sflag:$0x1], $0x1, s15, s15, $0xb8;
	[tilespmem:$0x500] =	vst v63  }
0x37: {  	_ =	swait.ge [sflag:s12], $0x80  }
0x38: {  	s22 =	sadd.s32 s22, s10;
	[sflag:s12] =	ssyncset.done $0x0  }
0x39: {  	s23 =	sadd.s32 $0x14000, s22;
	[sflag:s12] =	ssyncadd.s32 $0xFFFFFF80  }
0x3a: {  	[tilespmem:s4], [sflag:$0x4] =	stream.linear.gather [hbm4b:s23+s4], $0x100, $0x38;
	[tilespmem:$0x500] =	vst v63  }
0x3b: {  	_ =	swait.ge [sflag:s17], $0x100  }
0x3c: {  	[sflag:s17] =	ssyncset.done $0x0  }
0x3d: {  	[sflag:s17] =	ssyncadd.s32 $0xFFFFFF00  }
0x3e: {  	[spmem:s3] =	stream.indirect.scatter.add.f32 [tilespmem:s16], [sflag:$0x2], $0x1, s18, s15, $0xb8;
	[tilespmem:$0x500] =	vst v63  }
0x3f: {  	_ =	swait.ge [sflag:s19], $0x80  }
.Ltmp0:
0x40: {  	[sflag:s19] =	ssyncset.done $0x0;
	(pc) =	sbr.rel @p0 .LBB2_2-.Ltmp0, $4  }
0x41: {  	s22 =	sadd.s32 $0x14400, s22;
	[sflag:s19] =	ssyncadd.s32 $0xFFFFFF80  }
0x42: {  	[tilespmem:s14], [sflag:$0x3] =	stream.linear.gather [hbm4b:s22+s4], $0x100, $0x38;
	[tilespmem:$0x500] =	vst v63  }
0x43: {  	_ =	swait.ge [sflag:s13], $0x100  }
0x44: {  	[sflag:s13] =	ssyncset.done $0x0  }
0x45: {  	[sflag:s13] =	ssyncadd.s32 $0xFFFFFF00  }
0x46: {  	[spmem:s3] =	stream.indirect.scatter.add.f32 [tilespmem:s16], [sflag:$0x1], $0x1, s15, s15, $0xb8;
	[tilespmem:$0x500] =	vst v63  }
0x47: {  	_ = 	snop  }
0x48: {  	[spmem:s3] =	stream.indirect.scatter.add.f32 [tilespmem:s16], [sflag:$0x2], $0x1, s18, s15, $0xb8;
	[tilespmem:$0x500] =	vst v63  }
0x49: {  	_ =	swait.ge [sflag:s12], $0x80  }
0x4a: {  	[sflag:s12] =	ssyncset.done $0x0  }
0x4b: {  	[sflag:s12] =	ssyncadd.s32 $0xFFFFFF80  }
0x4c: {  	_ =	swait.ge [sflag:s19], $0x80  }
0x4d: {  	s20 =	sadd.s32 $0x1, s20;
	[sflag:s19] =	ssyncset.done $0x0  }
0x4e: {  	p0 =	sne.s32 s20, s9;
	[sflag:s19] =	ssyncadd.s32 $0xFFFFFF80  }
.Ltmp1:
0x4f: {  	[bflag:$0x0] =	sbarrier.arrive $0xFFFF;
	(pc) =	sbr.rel @p0 .LBB2_1-.Ltmp1, $4  }
0x50: {  	[hbm:s8], [sflag:s5] =	dma.local [spmem:s11], $0x50  }
0x51: {  	_ =	swait.ge [sflag:s12], $0x50  }
0x52: {  	[sflag:s12] =	ssyncset.done $0x0  }
0x53: {  	[sflag:s12] =	ssyncadd.s32 $0xFFFFFFB0  }
0x54: {  	_ =	sfence.sel $0x180000  }
0x55: {  	[bflag:$0x0] =	sbarrier.arrive $0xFFFF  }
0x56: {  	p0 =	sne.s32 s0, $0x0;
	_ =	strace $0x90000047  }
0x57: {  	s0 =	sadd.s32 @!p0 $0x100000, s1;
	[bflag:$0x2] =	sbarrier.arrive $0xFFFF  }
0x58: {  	[sflag:s0] =	ssyncadd.tile.s32 @!p0 $0x1;
	_ =	shalt  }
.Lfunc_end2:
_tile_overlayer_lowered:
.L_overlay_start_2:
0x59: {  	(tag) =	ssettag $0x2  }
0x5a: {  	s0 =	rddreg [dreg:$0x0];
	s2 =	stileid.u32  }
0x5b: {  	s1 =	rddreg [dreg:$0x1];
	p0 =	sne.s32 s2, $0x0  }
0x5c: {  	s3 =	rddreg [dreg:$0x2];
	[bflag:$0x3] =	sbarrier.arrive $0xFFFF;
	s2 =	simm.s32 @!p0 $0x1C01  }
0x5d: {  	[timem:s3], [sflag:s2] =	dma.local @!p0 [hbm:s0], s1  }
0x5e: {  	s0 =	simm.s32 @!p0 $0x1  }
0x5f: {  	_ =	swait.ge @!p0 [sflag:s0], s1  }
0x60: {  	s1 =	ssub.s32 @!p0 $0x0, s1;
	[sflag:s0] =	ssyncset.done @!p0 $0x0  }
0x61: {  	[sflag:s0] =	ssyncadd.s32 @!p0 s1  }
0x62: {  	[bflag:$0x3] =	sbarrier.arrive $0xFFFF  }
0x63: {  	_ =	shalt  }

// kernel: kernel.17.cloned.1.call-start
scs
__scs_entry_jumppad:
0x0: {  	(pc) =	sbr.rel $0x88, $3  }
0x1: {  	(tag) =	ssettag $0x0;
	lr =	simm.s32 $0x1  }
0x2: {  	[smem:$0x3F8D] =	sst lr;
	_ =	strace $0xD0000000  }
0x3: {  	_ = 	snop  }
0x4: {  	_ = 	snop  }
0x5: {  	_ = 	snop  }
0x6: {  	_ = 	snop  }
0x7: {  	_ = 	snop  }
__scs_overlays_trampoline_lowered:
0x8: {  	[smem:$0x3F9C] =	sst s0  }
0x9: {  	[smem:$0x3F9D] =	sst s1  }
0xa: {  	[smem:$0x3F9E] =	sst s2  }
0xb: {  	[smem:$0x3F9F] =	sst s3  }
0xc: {  	[smem:$0x3FA0] =	sst s4  }
0xd: {  	[smem:$0x3FA1] =	sst s5  }
0xe: {  	[smem:$0x3FA2] =	sst s6  }
0xf: {  	[smem:$0x3FA3] =	sst s7  }
0x10: {  	[smem:$0x3FA4] =	sst s8  }
0x11: {  	[smem:$0x3FA5] =	sst s9;
	s0 =	simm.s32 @!p0 $0x0  }
0x12: {  	s1 =	sld [smem:$0x3F8B];
	s0 =	simm.s32 @p0 $0x1  }
0x13: {  	[smem:$0x3FA6] =	sst s0;
	s0 =	simm.s32 @!p1 $0x0  }
0x14: {  	s2 =	sld [smem:$0x3F8A];
	s0 =	simm.s32 @p1 $0x1  }
0x15: {  	[smem:$0x3FA7] =	sst s0;
	s0 =	simm.s32 @!p2 $0x0  }
0x16: {  	s3 =	sld [smem:$0x3FDB];
	s0 =	simm.s32 @p2 $0x1  }
0x17: {  	s4 =	simm.s32 $0x1BF5;
	[smem:$0x3FA9] =	sst s0  }
0x18: {  	s0 =	sld [smem:$0x3F8C];
	_ =	swait.ge [sflag:s4], $0x0  }
0x19: {  	s7 =	sld [smem:$0x3F8D]  }
0x1a: {  	s8 =	sadd.s32 $0xFFFFE003, lr  }
0x1b: {  	s9 =	sadd.s32 $0xFFFFFEF7, lr;
	s5 =	simm.s32 $0xFFFFFFFF;
	p2 =	slt.u32 s8, $0xFFFFF086  }
0x1c: {  	p1 =	slt.u32 s9, $0xF7A;
	s5 =	simm.s32 @!p2 $0x0  }
0x1d: {  	s5 =	simm.s32 @p1 $0x1;
	p0 =	seq.s32 s7, s2  }
0x1e: {  	s7 =	smul.u32 @!p0 $0xF7A, s2;
	p2 =	seq.s32 @!p0 s5, $0x0  }
0x1f: {  	s9 =	smul.u32 $0xF7A, s1;
	s8 =	simm.s32 @!p0 $0x1BF5;
	p2 =	por !p2, p0  }
0x20: {  	[sflag:s8] =	ssyncset.s32 @!p0 $0xFFFFF086;
	s6 =	sadd.s32 @!p0 s3, s7;
	s7 =	simm.s32 @!p0 $0x108  }
0x21: {  	s3 =	sadd.s32 s3, s9;
	s6 =	sadd.s32 @!p0 $0x88, s6;
	s7 =	simm.s32 @p2 $0x1082  }
0x22: {  	[simem:s7], [sflag:s8] =	dma.local @!p0 [hbm:s6], $0xF7A  }
0x23: {  	s9 =	sor.u32 $0xD0000000, s2;
	s6 =	simm.s32 $0x108;
	_ =	swait.ge @!p0 [sflag:s8], $0x0  }
0x24: {  	s3 =	sadd.s32 $0x88, s3;
	s6 =	simm.s32 @!p1 $0x1082;
	[sflag:s4] =	ssyncset.s32 $0xFFFFF086  }
0x25: {  	[simem:s6], [sflag:s4] =	dma.local [hbm:s3], $0xF7A  }
0x26: {  	[smem:$0x3F8D] =	sst s1;
	(tag) =	ssettag s2;
	_ =	strace s9  }
0x27: {  	s1 =	sld [smem:$0x3F9D]  }
0x28: {  	s2 =	sld [smem:$0x3F9E]  }
0x29: {  	s4 =	sld [smem:$0x3FA0]  }
0x2a: {  	p0 =	seq.s32 s5, $0x0;
	s5 =	sld [smem:$0x3FA1]  }
0x2b: {  	s6 =	sld [smem:$0x3FA2]  }
0x2c: {  	s7 =	sld [smem:$0x3FA3]  }
0x2d: {  	s3 =	simm.s32 $0x108;
	s8 =	sld [smem:$0x3FA4]  }
0x2e: {  	s3 =	simm.s32 @!p0 $0x1082;
	s9 =	sld [smem:$0x3FA5]  }
0x2f: {  	lr =	sadd.s32 s0, s3;
	s0 =	sld [smem:$0x3F9C]  }
0x30: {  	s3 =	sld [smem:$0x3F9F]  }
0x31: {  	[smem:$0x3FA8] =	sst s10  }
0x32: {  	s10 =	sld [smem:$0x3FA6];
	_ =	sdelay $0x3  }
0x33: {  	p0 =	seq.s32 s10, $0x1;
	s10 =	sld [smem:$0x3FA8];
	_ =	sdelay $0x3  }
0x34: {  	[smem:$0x3FA8] =	sst s10  }
0x35: {  	s10 =	sld [smem:$0x3FA7];
	_ =	sdelay $0x3  }
0x36: {  	p1 =	seq.s32 s10, $0x1;
	s10 =	sld [smem:$0x3FA8];
	_ =	sdelay $0x3  }
0x37: {  	[smem:$0x3FA8] =	sst s10  }
0x38: {  	s10 =	sld [smem:$0x3FA9]  }
0x39: {  	_ = 	snop;
	(pc) =	sbr.ind lr, $3  }
0x3a: {  	_ = 	snop  }
0x3b: {  	_ = 	snop  }
0x3c: {  	p2 =	seq.s32 s10, $0x1;
	s10 =	sld [smem:$0x3FA8]  }
0x3d: {  	_ =	shalt  }
0x3e: {  	_ =	shalt  }
0x3f: {  	_ =	shalt  }
0x40: {  	_ =	shalt  }
0x41: {  	_ =	shalt  }
0x42: {  	_ =	shalt  }
0x43: {  	_ =	shalt  }
0x44: {  	_ =	shalt  }
0x45: {  	_ =	shalt  }
0x46: {  	_ =	shalt  }
0x47: {  	_ =	shalt  }
0x48: {  	_ =	shalt  }
0x49: {  	_ =	shalt  }
0x4a: {  	_ =	shalt  }
0x4b: {  	_ =	shalt  }
0x4c: {  	_ =	shalt  }
0x4d: {  	_ =	shalt  }
0x4e: {  	_ =	shalt  }
0x4f: {  	_ =	shalt  }
0x50: {  	_ =	shalt  }
0x51: {  	_ =	shalt  }
0x52: {  	_ =	shalt  }
0x53: {  	_ =	shalt  }
0x54: {  	_ =	shalt  }
0x55: {  	_ =	shalt  }
0x56: {  	_ =	shalt  }
0x57: {  	_ =	shalt  }
0x58: {  	_ =	shalt  }
0x59: {  	_ =	shalt  }
0x5a: {  	_ =	shalt  }
0x5b: {  	_ =	shalt  }
0x5c: {  	_ =	shalt  }
0x5d: {  	_ =	shalt  }
0x5e: {  	_ =	shalt  }
0x5f: {  	_ =	shalt  }
0x60: {  	_ =	shalt  }
0x61: {  	_ =	shalt  }
0x62: {  	_ =	shalt  }
0x63: {  	_ =	shalt  }
0x64: {  	_ =	shalt  }
0x65: {  	_ =	shalt  }
0x66: {  	_ =	shalt  }
0x67: {  	_ =	shalt  }
0x68: {  	_ =	shalt  }
0x69: {  	_ =	shalt  }
0x6a: {  	_ =	shalt  }
0x6b: {  	_ =	shalt  }
0x6c: {  	_ =	shalt  }
0x6d: {  	_ =	shalt  }
0x6e: {  	_ =	shalt  }
0x6f: {  	_ =	shalt  }
0x70: {  	_ =	shalt  }
0x71: {  	_ =	shalt  }
0x72: {  	_ =	shalt  }
0x73: {  	_ =	shalt  }
0x74: {  	_ =	shalt  }
0x75: {  	_ =	shalt  }
0x76: {  	_ =	shalt  }
0x77: {  	_ =	shalt  }
0x78: {  	_ =	shalt  }
0x79: {  	_ =	shalt  }
0x7a: {  	_ =	shalt  }
0x7b: {  	_ =	shalt  }
0x7c: {  	_ =	shalt  }
0x7d: {  	_ =	shalt  }
0x7e: {  	_ =	shalt  }
0x7f: {  	_ =	shalt  }
0x80: {  	_ =	shalt  }
0x81: {  	_ =	shalt  }
0x82: {  	_ =	shalt  }
0x83: {  	_ =	shalt  }
0x84: {  	_ =	shalt  }
0x85: {  	_ =	shalt  }
0x86: {  	_ =	shalt  }
0x87: {  	_ =	shalt  }
.Lfunc_end0:
.L_simem_size_0:
called_computation.1_lowered:
.L_overlay_start_0:
0x88: {  	s2 =	sld [smem:$0x3FD9]  }
0x89: {  	s3 =	sld [smem:$0x3FFE];
	_ =	sdelay $0x1  }
0x8a: {  	s1 =	srdreg.scid  }
0x8b: {  	s0 =	sand.u32 $0x1, s1  }
0x8c: {  	s16 =	sshll.u32 s0, $0xA;
	s2 =	sadd.s32 s3, s2  }
0x8d: {  	s2 =	sadd.s32 s2, s16  }
0x8e: {  	[smem:$0x3FB4] =	sst s2  }
0x8f: {  	_ = 	snop  }
0x90: {  	(tm) =	ssettm $0x1  }
0x91: {  	s17 =	sld [smem:$0x3FFB];
	_ =	sdelay $0x3  }
0x92: {  	_ =	strace s17  }
0x93: {  	s2 =	sld [smem:$0x3FFC];
	_ =	sdelay $0x3  }
0x94: {  	_ =	strace s2  }
0x95: {  	s2 =	sld [smem:$0x3FFD];
	_ =	sdelay $0x3  }
0x96: {  	_ =	strace s2  }
0x97: {  	_ =	strace $0x8FFFFFFF  }
0x98: {  	s18 =	sld [smem:$0x3FDB];
	_ =	sdelay $0x1  }
0x99: {  	s19 =	simm.s32 $_scs_section_size  }
0x9a: {  	s4 =	simm.s32 $_size__tile_overlayer_lowered;
	s5 =	simm.s32 $_tile_overlayer_lowered  }
0x9b: {  	s22 =	simm.s32 $0x1BFF;
	s21 =	sshll.u32 s5, $0x1;
	s2 =	sadd.s32 s19, s18  }
0x9c: {  	s6 =	simm.s32 $0x0;
	s20 =	sshll.u32 s4, $0x1;
	s4 =	sadd.s32 s21, s2  }
0x9d: {  	[timem:s6], [sflag:s22] =	dma.local [hbm:s4], s20  }
0x9e: {  	_ =	swait.ge [sflag:s22], s20  }
0x9f: {  	s3 =	ssub.s32 $0x0, s20;
	[sflag:s22] =	ssyncset.done $0x0  }
0xa0: {  	[sflag:s22] =	ssyncadd.s32 s3;
	_ =	sdelay $0x1  }
0xa1: {  	s23 =	simm.s32 $0x1B8B  }
0xa2: {  	_ =	swait.ge [sflag:s23], $0x1  }
0xa3: {  	[sflag:s23] =	ssyncset.done $0x0  }
0xa4: {  	s25 =	simm.s32 $0x1B8E;
	s24 =	sld [smem:$0x3FFE];
	[sflag:s23] =	ssyncadd.s32 $0xFFFFFFFF  }
0xa5: {  	s26 =	simm.s32 $execute0_lowered;
	[smem:$0x3FD2] =	sst s25  }
0xa6: {  	s4 =	sshll.u32 s26, $0x1;
	_ =	strace $0x80000049;
	[dreg:$0x1] =	wrdreg $0xFFFFFFFF  }
0xa7: {  	s28 =	simm.s32 $_size_execute0_lowered;
	s2 =	sadd.s32 s2, s4;
	[dreg:$0x0] =	wrdreg $0x0  }
0xa8: {  	s4 =	sshll.u32 s28, $0x1;
	[dreg:$0x2] =	wrdreg s2  }
0xa9: {  	[dreg:$0x3] =	wrdreg s4  }
0xaa: {  	[dreg:$0x4] =	wrdreg $0xC0  }
0xab: {  	_ =	task [dreg:s6], $0x5FFFF  }
0xac: {  	[dreg:$0x1] =	wrdreg $0xFFFFFFFF  }
0xad: {  	[dreg:$0x0] =	wrdreg $0x60  }
0xae: {  	[dreg:$0x2] =	wrdreg s24  }
0xaf: {  	[dreg:$0x3] =	wrdreg $0x82000  }
0xb0: {  	[dreg:$0x4] =	wrdreg $0x9  }
0xb1: {  	_ =	task.clear_ibuf [dreg:s6], $0x5FFFF;
	_ =	strace $0x90000049  }
0xb2: {  	s29 =	simm.s32 $0x9;
	_ =	strace $0x8000004B  }
0xb3: {  	_ =	swait.ge [sflag:s29], $0x1  }
0xb4: {  	[sflag:s29] =	ssyncadd.s32 $0xFFFFFFFF  }
0xb5: {  	_ =	strace $0x9000004B  }
0xb6: {  	_ =	sfence  }
0xb7: {  	s30 =	sld [smem:$0x0];
	_ =	sdelay $0x2  }
0xb8: {  	s31 =	sshll.u32 s1, $0xD;
	s1 =	sshrl.u32 s1, $0x2  }
0xb9: {  	s3 =	sand.u32 $0x4000, s31;
	s1 =	sadd.s32 s1, s30  }
0xba: {  	s0 =	sor.u32 s3, s0;
	s1 =	sshll.u32 s1, $0x11  }
0xbb: {  	s0 =	sor.u32 s1, s0  }
0xbc: {  	s0 =	sadd.s32 $0x8F2B, s0  }
0xbd: {  	[sflag:s0] =	ssyncadd.remote.s32 $0x1  }
0xbe: {  	_ =	sfence.sel $0xFFFF  }
0xbf: {  	[dreg:$0x0] =	wrdreg $0xFFFFFFFF;
	(pc) =	sbr.abs _section_cstart, $3  }
0xc0: {  	[dreg:$0x1] =	wrdreg $0xFFFFFFFF  }
0xc1: {  	_ =	task.clear_ibuf [dreg:s6], $0x2FFFF;
	_ =	strace $0x9FFFFFFF  }
0xc2: {  	(tm) =	ssettm $0x7FFFFFFF  }
0xc3: {  	_ =	shalt  }
tec
execute0_lowered:
.L_overlay_start_1:
0x0: {  	(tag) =	ssettag $0x1  }
0x1: {  	s6 =	rddreg [dreg:$0x0]  }
0x2: {  	s0 =	srdreg.scid;
	s2 =	rddreg [dreg:$0x1]  }
0x3: {  	s1 =	stileid.u32;
	s3 =	simm.s32 $0x0;
	s16 =	simm.s32 $0x200  }
0x4: {  	s17 =	simm.s32 $0x100;
	s18 =	simm.s32 $0x4200;
	s19 =	simm.s32 $0x3  }
0x5: {  	s20 =	simm.s32 $0x2;
	s21 =	simm.s32 $0x180;
	s22 =	simm.s32 $0x4  }
0x6: {  	s7 =	sand.u32 $0x1, s0;
	s0 =	rddreg [dreg:$0x2];
	s5 =	smul.u32 $0x14000, s1  }
0x7: {  	s23 =	simm.s32 $0x0;
	[smem:$0x7FF] =	sst s3;
	s29 =	smul.u32 $0x50000, s1  }
0x8: {  	s9 =	sadd.s32 $0x5400, s6;
	s11 =	sshll.u32 s1, $0x6;
	s4 =	smul.u32 $0x140000, s7  }
0x9: {  	_ =	strace $0x8000004A;
	s30 =	ssub.s32 $0x2, s7;
	s12 =	sshll.u32 s7, $0x5  }
0xa: {  	s7 =	sor.u32 $0x1C01, s11;
	s31 =	sshrl.u32 s30, $0x1;
	s13 =	sor.u32 s12, s11  }
0xb: {  	s11 =	sadd.s32 s11, s9;
	s5 =	sadd.s32 s5, s4;
	s4 =	sadd.s32 $0x19400, s6  }
0xc: {  	s14 =	ssub.s32 s30, s31;
	s11 =	sadd.s32 s12, s11;
	s8 =	sshrl.u32 s5, $0x3  }
0xd: {  	s5 =	sadd.s32 $0x40600, s6;
	s10 =	sadd.s32 s8, s6;
	s6 =	sshrl.u32 s29, $0x2  }
0xe: {  	s15 =	sadd.s32 s6, s2;
	s6 =	sadd.s32 s9, s13;
	s9 =	sadd.s32 $0x42E00, s10  }
0xf: {  	s10 =	smax.u32 s14, $0x1;
	s13 =	simm.s32 $0x1;
	s14 =	simm.s32 $0x5  }
0x10: {  	s8 =	sadd.s32 $0x400, s6;
	s12 =	sshrl.u32 s15, $0x3;
	s15 =	simm.s32 $0x80  }
.LBB2_1:
0x11: {  	[spmem:s12], [sflag:s7] =	dma.local [hbm:s5], $0x2800  }
0x12: {  	_ =	swait.ge [sflag:s13], $0x2800  }
0x13: {  	[sflag:s13] =	ssyncset.done $0x0  }
0x14: {  	[sflag:s13] =	ssyncadd.s32 $0xFFFFD800  }
0x15: {  	[bflag:$0x0] =	sbarrier.arrive $0xFFFF  }
0x16: {  	[tilespmem:s3], [sflag:$0x5] =	stream.linear.gather [hbm4b:s6+s3], $0x100, $0x38;
	[tilespmem:$0x1C200] =	vst v63  }
0x17: {  	_ =	swait.ge [sflag:s14], $0x100  }
0x18: {  	[sflag:s14] =	ssyncset.done $0x0  }
0x19: {  	[sflag:s14] =	ssyncadd.s32 $0xFFFFFF00  }
0x1a: {  	[tilespmem:s16], [sflag:$0x1] =	stream.indirect.gather [hbm4b:s4+s15], $0x80, s3, s15, $0xb8;
	[tilespmem:$0x1C200] =	vst v63  }
0x1b: {  	_ = 	snop  }
0x1c: {  	[tilespmem:s17], [sflag:$0x5] =	stream.linear.gather [hbm4b:s8+s3], $0x100, $0x38;
	[tilespmem:$0x1C200] =	vst v63  }
0x1d: {  	_ =	swait.ge [sflag:s14], $0x100  }
0x1e: {  	[sflag:s14] =	ssyncset.done $0x0  }
0x1f: {  	[sflag:s14] =	ssyncadd.s32 $0xFFFFFF00  }
0x20: {  	[tilespmem:s18], [sflag:$0x2] =	stream.indirect.gather [hbm4b:s4+s15], $0x80, s17, s15, $0xb8;
	[tilespmem:$0x1C200] =	vst v63  }
0x21: {  	_ =	swait.ge [sflag:s13], $0x4000  }
0x22: {  	[sflag:s13] =	ssyncset.done $0x0  }
0x23: {  	[sflag:s13] =	ssyncadd.s32 $0xFFFFC000  }
0x24: {  	[spmem:s2] =	stream.indirect.scatter.add.f32 [tilespmem:s16], [sflag:$0x3], $0x80, s15, s15, $0xb8;
	[tilespmem:$0x1C200] =	vst v63  }
0x25: {  	_ =	swait.ge [sflag:s19], $0x4000  }
0x26: {  	s24 =	sadd.s32 $0xFFFEC800, s11;
	[sflag:s19] =	ssyncset.done $0x0  }
0x27: {  	s25 =	sadd.s32 $0x14000, s24;
	[sflag:s19] =	ssyncadd.s32 $0xFFFFC000  }
0x28: {  	[tilespmem:s3], [sflag:$0x5] =	stream.linear.gather [hbm4b:s25+s3], $0x100, $0x38;
	[tilespmem:$0x1C200] =	vst v63  }
0x29: {  	_ =	swait.ge [sflag:s14], $0x100  }
0x2a: {  	[sflag:s14] =	ssyncset.done $0x0  }
0x2b: {  	[sflag:s14] =	ssyncadd.s32 $0xFFFFFF00  }
0x2c: {  	[tilespmem:s16], [sflag:$0x1] =	stream.indirect.gather [hbm4b:s4+s15], $0x80, s3, s15, $0xb8;
	[tilespmem:$0x1C200] =	vst v63  }
0x2d: {  	_ =	swait.ge [sflag:s20], $0x4000  }
0x2e: {  	[sflag:s20] =	ssyncset.done $0x0  }
0x2f: {  	[sflag:s20] =	ssyncadd.s32 $0xFFFFC000  }
0x30: {  	[spmem:s2] =	stream.indirect.scatter.add.f32 [tilespmem:s18], [sflag:$0x4], $0x80, s21, s15, $0xb8;
	[tilespmem:$0x1C200] =	vst v63  }
0x31: {  	_ =	swait.ge [sflag:s22], $0x4000  }
0x32: {  	[sflag:s22] =	ssyncset.done $0x0  }
0x33: {  	s24 =	sadd.s32 $0x14400, s24;
	[sflag:s22] =	ssyncadd.s32 $0xFFFFC000  }
0x34: {  	[tilespmem:s17], [sflag:$0x5] =	stream.linear.gather [hbm4b:s24+s3], $0x100, $0x38;
	[tilespmem:$0x1C200] =	vst v63  }
0x35: {  	_ =	swait.ge [sflag:s14], $0x100  }
0x36: {  	[sflag:s14] =	ssyncset.done $0x0  }
0x37: {  	s24 =	simm.s32 $0xFFFED000;
	[sflag:s14] =	ssyncadd.s32 $0xFFFFFF00  }
.LBB2_2:
0x38: {  	[tilespmem:s18], [sflag:$0x2] =	stream.indirect.gather [hbm4b:s4+s15], $0x80, s17, s15, $0xb8;
	[tilespmem:$0x1C200] =	vst v63  }
0x39: {  	s25 =	smov.u32 s24  }
0x3a: {  	p0 =	sne.s32 s24, $0xFFFFF800;
	s24 =	sadd.s32 $0x800, s24;
	_ =	swait.ge [sflag:s13], $0x4000  }
0x3b: {  	[sflag:s13] =	ssyncset.done $0x0  }
0x3c: {  	[sflag:s13] =	ssyncadd.s32 $0xFFFFC000  }
0x3d: {  	[spmem:s2] =	stream.indirect.scatter.add.f32 [tilespmem:s16], [sflag:$0x3], $0x80, s15, s15, $0xb8;
	[tilespmem:$0x1C200] =	vst v63  }
0x3e: {  	_ =	swait.ge [sflag:s19], $0x4000  }
0x3f: {  	s25 =	sadd.s32 s25, s11;
	[sflag:s19] =	ssyncset.done $0x0  }
0x40: {  	s26 =	sadd.s32 $0x14000, s25;
	[sflag:s19] =	ssyncadd.s32 $0xFFFFC000  }
0x41: {  	[tilespmem:s3], [sflag:$0x5] =	stream.linear.gather [hbm4b:s26+s3], $0x100, $0x38;
	[tilespmem:$0x1C200] =	vst v63  }
0x42: {  	_ =	swait.ge [sflag:s14], $0x100  }
0x43: {  	[sflag:s14] =	ssyncset.done $0x0  }
0x44: {  	[sflag:s14] =	ssyncadd.s32 $0xFFFFFF00  }
0x45: {  	[tilespmem:s16], [sflag:$0x1] =	stream.indirect.gather [hbm4b:s4+s15], $0x80, s3, s15, $0xb8;
	[tilespmem:$0x1C200] =	vst v63  }
0x46: {  	_ =	swait.ge [sflag:s20], $0x4000  }
0x47: {  	[sflag:s20] =	ssyncset.done $0x0  }
0x48: {  	[sflag:s20] =	ssyncadd.s32 $0xFFFFC000  }
0x49: {  	[spmem:s2] =	stream.indirect.scatter.add.f32 [tilespmem:s18], [sflag:$0x4], $0x80, s21, s15, $0xb8;
	[tilespmem:$0x1C200] =	vst v63  }
0x4a: {  	_ =	swait.ge [sflag:s22], $0x4000  }
0x4b: {  	[sflag:s22] =	ssyncset.done $0x0  }
.Ltmp0:
0x4c: {  	s25 =	sadd.s32 $0x14400, s25;
	[sflag:s22] =	ssyncadd.s32 $0xFFFFC000;
	(pc) =	sbr.rel @p0 .LBB2_2-.Ltmp0, $4  }
0x4d: {  	[tilespmem:s17], [sflag:$0x5] =	stream.linear.gather [hbm4b:s25+s3], $0x100, $0x38;
	[tilespmem:$0x1C200] =	vst v63  }
0x4e: {  	_ =	swait.ge [sflag:s14], $0x100  }
0x4f: {  	[sflag:s14] =	ssyncset.done $0x0  }
0x50: {  	[sflag:s14] =	ssyncadd.s32 $0xFFFFFF00  }
0x51: {  	[tilespmem:s18], [sflag:$0x2] =	stream.indirect.gather [hbm4b:s4+s15], $0x80, s17, s15, $0xb8;
	[tilespmem:$0x1C200] =	vst v63  }
0x52: {  	_ =	swait.ge [sflag:s13], $0x4000  }
0x53: {  	[sflag:s13] =	ssyncset.done $0x0  }
0x54: {  	[sflag:s13] =	ssyncadd.s32 $0xFFFFC000  }
0x55: {  	[spmem:s2] =	stream.indirect.scatter.add.f32 [tilespmem:s16], [sflag:$0x3], $0x80, s15, s15, $0xb8;
	[tilespmem:$0x1C200] =	vst v63  }
0x56: {  	_ =	swait.ge [sflag:s20], $0x4000  }
0x57: {  	[sflag:s20] =	ssyncset.done $0x0  }
0x58: {  	[sflag:s20] =	ssyncadd.s32 $0xFFFFC000  }
0x59: {  	[spmem:s2] =	stream.indirect.scatter.add.f32 [tilespmem:s18], [sflag:$0x4], $0x80, s21, s15, $0xb8;
	[tilespmem:$0x1C200] =	vst v63  }
0x5a: {  	_ =	swait.ge [sflag:s19], $0x4000  }
0x5b: {  	[sflag:s19] =	ssyncset.done $0x0  }
0x5c: {  	[sflag:s19] =	ssyncadd.s32 $0xFFFFC000  }
0x5d: {  	_ =	swait.ge [sflag:s22], $0x4000  }
0x5e: {  	s23 =	sadd.s32 $0x1, s23;
	[sflag:s22] =	ssyncset.done $0x0  }
0x5f: {  	p0 =	sne.s32 s23, s10;
	[sflag:s22] =	ssyncadd.s32 $0xFFFFC000  }
.Ltmp1:
0x60: {  	[bflag:$0x0] =	sbarrier.arrive $0xFFFF;
	(pc) =	sbr.rel @p0 .LBB2_1-.Ltmp1, $4  }
0x61: {  	[hbm:s9], [sflag:s7] =	dma.local [spmem:s12], $0x2800  }
0x62: {  	_ =	swait.ge [sflag:s13], $0x2800  }
0x63: {  	[sflag:s13] =	ssyncset.done $0x0  }
0x64: {  	[sflag:s13] =	ssyncadd.s32 $0xFFFFD800  }
0x65: {  	_ =	sfence.sel $0x180000  }
0x66: {  	[bflag:$0x0] =	sbarrier.arrive $0xFFFF  }
0x67: {  	p0 =	sne.s32 s1, $0x0;
	_ =	strace $0x9000004A  }
0x68: {  	s0 =	sadd.s32 @!p0 $0x100000, s0;
	[bflag:$0x2] =	sbarrier.arrive $0xFFFF  }
0x69: {  	[sflag:s0] =	ssyncadd.tile.s32 @!p0 $0x1;
	_ =	shalt  }
.Lfunc_end2:
_tile_overlayer_lowered:
.L_overlay_start_2:
0x6a: {  	(tag) =	ssettag $0x2  }
0x6b: {  	s0 =	rddreg [dreg:$0x0];
	s2 =	stileid.u32  }
0x6c: {  	s1 =	rddreg [dreg:$0x1];
	p0 =	sne.s32 s2, $0x0  }
0x6d: {  	s3 =	rddreg [dreg:$0x2];
	[bflag:$0x3] =	sbarrier.arrive $0xFFFF;
	s2 =	simm.s32 @!p0 $0x1C01  }
0x6e: {  	[timem:s3], [sflag:s2] =	dma.local @!p0 [hbm:s0], s1  }
0x6f: {  	s0 =	simm.s32 @!p0 $0x1  }
0x70: {  	_ =	swait.ge @!p0 [sflag:s0], s1  }
0x71: {  	s1 =	ssub.s32 @!p0 $0x0, s1;
	[sflag:s0] =	ssyncset.done @!p0 $0x0  }
0x72: {  	[sflag:s0] =	ssyncadd.s32 @!p0 s1  }
0x73: {  	[bflag:$0x3] =	sbarrier.arrive $0xFFFF  }
0x74: {  	_ =	shalt  }

// kernel: kernel.20.cloned.1.call-start
scs
__scs_entry_jumppad:
0x0: {  	(pc) =	sbr.rel $0x88, $3  }
0x1: {  	(tag) =	ssettag $0x0;
	lr =	simm.s32 $0x1  }
0x2: {  	[smem:$0x3F8D] =	sst lr;
	_ =	strace $0xD0000000  }
0x3: {  	_ = 	snop  }
0x4: {  	_ = 	snop  }
0x5: {  	_ = 	snop  }
0x6: {  	_ = 	snop  }
0x7: {  	_ = 	snop  }
__scs_overlays_trampoline_lowered:
0x8: {  	[smem:$0x3F9C] =	sst s0  }
0x9: {  	[smem:$0x3F9D] =	sst s1  }
0xa: {  	[smem:$0x3F9E] =	sst s2  }
0xb: {  	[smem:$0x3F9F] =	sst s3  }
0xc: {  	[smem:$0x3FA0] =	sst s4  }
0xd: {  	[smem:$0x3FA1] =	sst s5  }
0xe: {  	[smem:$0x3FA2] =	sst s6  }
0xf: {  	[smem:$0x3FA3] =	sst s7  }
0x10: {  	[smem:$0x3FA4] =	sst s8  }
0x11: {  	[smem:$0x3FA5] =	sst s9;
	s0 =	simm.s32 @!p0 $0x0  }
0x12: {  	s1 =	sld [smem:$0x3F8B];
	s0 =	simm.s32 @p0 $0x1  }
0x13: {  	[smem:$0x3FA6] =	sst s0;
	s0 =	simm.s32 @!p1 $0x0  }
0x14: {  	s2 =	sld [smem:$0x3F8A];
	s0 =	simm.s32 @p1 $0x1  }
0x15: {  	[smem:$0x3FA7] =	sst s0;
	s0 =	simm.s32 @!p2 $0x0  }
0x16: {  	s3 =	sld [smem:$0x3FDB];
	s0 =	simm.s32 @p2 $0x1  }
0x17: {  	s4 =	simm.s32 $0x1BF5;
	[smem:$0x3FA9] =	sst s0  }
0x18: {  	s0 =	sld [smem:$0x3F8C];
	_ =	swait.ge [sflag:s4], $0x0  }
0x19: {  	s7 =	sld [smem:$0x3F8D]  }
0x1a: {  	s8 =	sadd.s32 $0xFFFFE003, lr  }
0x1b: {  	s9 =	sadd.s32 $0xFFFFFEF7, lr;
	s5 =	simm.s32 $0xFFFFFFFF;
	p2 =	slt.u32 s8, $0xFFFFF086  }
0x1c: {  	p1 =	slt.u32 s9, $0xF7A;
	s5 =	simm.s32 @!p2 $0x0  }
0x1d: {  	s5 =	simm.s32 @p1 $0x1;
	p0 =	seq.s32 s7, s2  }
0x1e: {  	s7 =	smul.u32 @!p0 $0xF7A, s2;
	p2 =	seq.s32 @!p0 s5, $0x0  }
0x1f: {  	s9 =	smul.u32 $0xF7A, s1;
	s8 =	simm.s32 @!p0 $0x1BF5;
	p2 =	por !p2, p0  }
0x20: {  	[sflag:s8] =	ssyncset.s32 @!p0 $0xFFFFF086;
	s6 =	sadd.s32 @!p0 s3, s7;
	s7 =	simm.s32 @!p0 $0x108  }
0x21: {  	s3 =	sadd.s32 s3, s9;
	s6 =	sadd.s32 @!p0 $0x88, s6;
	s7 =	simm.s32 @p2 $0x1082  }
0x22: {  	[simem:s7], [sflag:s8] =	dma.local @!p0 [hbm:s6], $0xF7A  }
0x23: {  	s9 =	sor.u32 $0xD0000000, s2;
	s6 =	simm.s32 $0x108;
	_ =	swait.ge @!p0 [sflag:s8], $0x0  }
0x24: {  	s3 =	sadd.s32 $0x88, s3;
	s6 =	simm.s32 @!p1 $0x1082;
	[sflag:s4] =	ssyncset.s32 $0xFFFFF086  }
0x25: {  	[simem:s6], [sflag:s4] =	dma.local [hbm:s3], $0xF7A  }
0x26: {  	[smem:$0x3F8D] =	sst s1;
	(tag) =	ssettag s2;
	_ =	strace s9  }
0x27: {  	s1 =	sld [smem:$0x3F9D]  }
0x28: {  	s2 =	sld [smem:$0x3F9E]  }
0x29: {  	s4 =	sld [smem:$0x3FA0]  }
0x2a: {  	p0 =	seq.s32 s5, $0x0;
	s5 =	sld [smem:$0x3FA1]  }
0x2b: {  	s6 =	sld [smem:$0x3FA2]  }
0x2c: {  	s7 =	sld [smem:$0x3FA3]  }
0x2d: {  	s3 =	simm.s32 $0x108;
	s8 =	sld [smem:$0x3FA4]  }
0x2e: {  	s3 =	simm.s32 @!p0 $0x1082;
	s9 =	sld [smem:$0x3FA5]  }
0x2f: {  	lr =	sadd.s32 s0, s3;
	s0 =	sld [smem:$0x3F9C]  }
0x30: {  	s3 =	sld [smem:$0x3F9F]  }
0x31: {  	[smem:$0x3FA8] =	sst s10  }
0x32: {  	s10 =	sld [smem:$0x3FA6];
	_ =	sdelay $0x3  }
0x33: {  	p0 =	seq.s32 s10, $0x1;
	s10 =	sld [smem:$0x3FA8];
	_ =	sdelay $0x3  }
0x34: {  	[smem:$0x3FA8] =	sst s10  }
0x35: {  	s10 =	sld [smem:$0x3FA7];
	_ =	sdelay $0x3  }
0x36: {  	p1 =	seq.s32 s10, $0x1;
	s10 =	sld [smem:$0x3FA8];
	_ =	sdelay $0x3  }
0x37: {  	[smem:$0x3FA8] =	sst s10  }
0x38: {  	s10 =	sld [smem:$0x3FA9]  }
0x39: {  	_ = 	snop;
	(pc) =	sbr.ind lr, $3  }
0x3a: {  	_ = 	snop  }
0x3b: {  	_ = 	snop  }
0x3c: {  	p2 =	seq.s32 s10, $0x1;
	s10 =	sld [smem:$0x3FA8]  }
0x3d: {  	_ =	shalt  }
0x3e: {  	_ =	shalt  }
0x3f: {  	_ =	shalt  }
0x40: {  	_ =	shalt  }
0x41: {  	_ =	shalt  }
0x42: {  	_ =	shalt  }
0x43: {  	_ =	shalt  }
0x44: {  	_ =	shalt  }
0x45: {  	_ =	shalt  }
0x46: {  	_ =	shalt  }
0x47: {  	_ =	shalt  }
0x48: {  	_ =	shalt  }
0x49: {  	_ =	shalt  }
0x4a: {  	_ =	shalt  }
0x4b: {  	_ =	shalt  }
0x4c: {  	_ =	shalt  }
0x4d: {  	_ =	shalt  }
0x4e: {  	_ =	shalt  }
0x4f: {  	_ =	shalt  }
0x50: {  	_ =	shalt  }
0x51: {  	_ =	shalt  }
0x52: {  	_ =	shalt  }
0x53: {  	_ =	shalt  }
0x54: {  	_ =	shalt  }
0x55: {  	_ =	shalt  }
0x56: {  	_ =	shalt  }
0x57: {  	_ =	shalt  }
0x58: {  	_ =	shalt  }
0x59: {  	_ =	shalt  }
0x5a: {  	_ =	shalt  }
0x5b: {  	_ =	shalt  }
0x5c: {  	_ =	shalt  }
0x5d: {  	_ =	shalt  }
0x5e: {  	_ =	shalt  }
0x5f: {  	_ =	shalt  }
0x60: {  	_ =	shalt  }
0x61: {  	_ =	shalt  }
0x62: {  	_ =	shalt  }
0x63: {  	_ =	shalt  }
0x64: {  	_ =	shalt  }
0x65: {  	_ =	shalt  }
0x66: {  	_ =	shalt  }
0x67: {  	_ =	shalt  }
0x68: {  	_ =	shalt  }
0x69: {  	_ =	shalt  }
0x6a: {  	_ =	shalt  }
0x6b: {  	_ =	shalt  }
0x6c: {  	_ =	shalt  }
0x6d: {  	_ =	shalt  }
0x6e: {  	_ =	shalt  }
0x6f: {  	_ =	shalt  }
0x70: {  	_ =	shalt  }
0x71: {  	_ =	shalt  }
0x72: {  	_ =	shalt  }
0x73: {  	_ =	shalt  }
0x74: {  	_ =	shalt  }
0x75: {  	_ =	shalt  }
0x76: {  	_ =	shalt  }
0x77: {  	_ =	shalt  }
0x78: {  	_ =	shalt  }
0x79: {  	_ =	shalt  }
0x7a: {  	_ =	shalt  }
0x7b: {  	_ =	shalt  }
0x7c: {  	_ =	shalt  }
0x7d: {  	_ =	shalt  }
0x7e: {  	_ =	shalt  }
0x7f: {  	_ =	shalt  }
0x80: {  	_ =	shalt  }
0x81: {  	_ =	shalt  }
0x82: {  	_ =	shalt  }
0x83: {  	_ =	shalt  }
0x84: {  	_ =	shalt  }
0x85: {  	_ =	shalt  }
0x86: {  	_ =	shalt  }
0x87: {  	_ =	shalt  }
.Lfunc_end0:
.L_simem_size_0:
called_computation.2_lowered:
.L_overlay_start_0:
0x88: {  	s2 =	sld [smem:$0x3FD9]  }
0x89: {  	s3 =	sld [smem:$0x3FFE];
	_ =	sdelay $0x1  }
0x8a: {  	s1 =	srdreg.scid  }
0x8b: {  	s0 =	sand.u32 $0x1, s1  }
0x8c: {  	s16 =	sshll.u32 s0, $0xA;
	s2 =	sadd.s32 s3, s2  }
0x8d: {  	s2 =	sadd.s32 s2, s16  }
0x8e: {  	[smem:$0x3FB4] =	sst s2  }
0x8f: {  	_ = 	snop  }
0x90: {  	(tm) =	ssettm $0x1  }
0x91: {  	s17 =	sld [smem:$0x3FFB];
	_ =	sdelay $0x3  }
0x92: {  	_ =	strace s17  }
0x93: {  	s2 =	sld [smem:$0x3FFC];
	_ =	sdelay $0x3  }
0x94: {  	_ =	strace s2  }
0x95: {  	s2 =	sld [smem:$0x3FFD];
	_ =	sdelay $0x3  }
0x96: {  	_ =	strace s2  }
0x97: {  	_ =	strace $0x8FFFFFFF  }
0x98: {  	s18 =	sld [smem:$0x3FDB];
	_ =	sdelay $0x1  }
0x99: {  	s19 =	simm.s32 $_scs_section_size  }
0x9a: {  	s4 =	simm.s32 $_size__tile_overlayer_lowered;
	s5 =	simm.s32 $_tile_overlayer_lowered  }
0x9b: {  	s22 =	simm.s32 $0x1BFF;
	s21 =	sshll.u32 s5, $0x1;
	s2 =	sadd.s32 s19, s18  }
0x9c: {  	s6 =	simm.s32 $0x0;
	s20 =	sshll.u32 s4, $0x1;
	s4 =	sadd.s32 s21, s2  }
0x9d: {  	[timem:s6], [sflag:s22] =	dma.local [hbm:s4], s20  }
0x9e: {  	_ =	swait.ge [sflag:s22], s20  }
0x9f: {  	s3 =	ssub.s32 $0x0, s20;
	[sflag:s22] =	ssyncset.done $0x0  }
0xa0: {  	[sflag:s22] =	ssyncadd.s32 s3;
	_ =	sdelay $0x1  }
0xa1: {  	s23 =	simm.s32 $0x1B8B  }
0xa2: {  	_ =	swait.ge [sflag:s23], $0x1  }
0xa3: {  	[sflag:s23] =	ssyncset.done $0x0  }
0xa4: {  	s25 =	simm.s32 $0x1B8E;
	s24 =	sld [smem:$0x3FFE];
	[sflag:s23] =	ssyncadd.s32 $0xFFFFFFFF  }
0xa5: {  	s26 =	simm.s32 $execute0_lowered;
	[smem:$0x3FD2] =	sst s25  }
0xa6: {  	s4 =	sshll.u32 s26, $0x1;
	_ =	strace $0x8000004C;
	[dreg:$0x1] =	wrdreg $0xFFFFFFFF  }
0xa7: {  	s28 =	simm.s32 $_size_execute0_lowered;
	s2 =	sadd.s32 s2, s4;
	[dreg:$0x0] =	wrdreg $0x0  }
0xa8: {  	s4 =	sshll.u32 s28, $0x1;
	[dreg:$0x2] =	wrdreg s2  }
0xa9: {  	[dreg:$0x3] =	wrdreg s4  }
0xaa: {  	[dreg:$0x4] =	wrdreg $0xC0  }
0xab: {  	_ =	task [dreg:s6], $0x5FFFF  }
0xac: {  	[dreg:$0x1] =	wrdreg $0xFFFFFFFF  }
0xad: {  	[dreg:$0x0] =	wrdreg $0x60  }
0xae: {  	[dreg:$0x2] =	wrdreg s24  }
0xaf: {  	[dreg:$0x3] =	wrdreg $0x82000  }
0xb0: {  	[dreg:$0x4] =	wrdreg $0x9  }
0xb1: {  	_ =	task.clear_ibuf [dreg:s6], $0x5FFFF;
	_ =	strace $0x9000004C  }
0xb2: {  	s29 =	simm.s32 $0x9;
	_ =	strace $0x8000004E  }
0xb3: {  	_ =	swait.ge [sflag:s29], $0x1  }
0xb4: {  	[sflag:s29] =	ssyncadd.s32 $0xFFFFFFFF  }
0xb5: {  	_ =	strace $0x9000004E  }
0xb6: {  	_ =	sfence  }
0xb7: {  	s30 =	sld [smem:$0x0];
	_ =	sdelay $0x2  }
0xb8: {  	s31 =	sshll.u32 s1, $0xD;
	s1 =	sshrl.u32 s1, $0x2  }
0xb9: {  	s3 =	sand.u32 $0x4000, s31;
	s1 =	sadd.s32 s1, s30  }
0xba: {  	s0 =	sor.u32 s3, s0;
	s1 =	sshll.u32 s1, $0x11  }
0xbb: {  	s0 =	sor.u32 s1, s0  }
0xbc: {  	s0 =	sadd.s32 $0x8F2B, s0  }
0xbd: {  	[sflag:s0] =	ssyncadd.remote.s32 $0x1  }
0xbe: {  	_ =	sfence.sel $0xFFFF  }
0xbf: {  	[dreg:$0x0] =	wrdreg $0xFFFFFFFF;
	(pc) =	sbr.abs _section_cstart, $3  }
0xc0: {  	[dreg:$0x1] =	wrdreg $0xFFFFFFFF  }
0xc1: {  	_ =	task.clear_ibuf [dreg:s6], $0x2FFFF;
	_ =	strace $0x9FFFFFFF  }
0xc2: {  	(tm) =	ssettm $0x7FFFFFFF  }
0xc3: {  	_ =	shalt  }
tec
execute0_lowered:
.L_overlay_start_1:
0x0: {  	(tag) =	ssettag $0x1  }
0x1: {  	s6 =	rddreg [dreg:$0x0]  }
0x2: {  	s0 =	srdreg.scid;
	s2 =	rddreg [dreg:$0x1]  }
0x3: {  	s1 =	stileid.u32;
	s3 =	simm.s32 $0x0;
	s16 =	simm.s32 $0x200  }
0x4: {  	s17 =	simm.s32 $0x100;
	s18 =	simm.s32 $0x4200;
	s19 =	simm.s32 $0x3  }
0x5: {  	s20 =	simm.s32 $0x2;
	s21 =	simm.s32 $0x180;
	s22 =	simm.s32 $0x4  }
0x6: {  	s7 =	sand.u32 $0x1, s0;
	s0 =	rddreg [dreg:$0x2];
	s5 =	smul.u32 $0x14000, s1  }
0x7: {  	s23 =	simm.s32 $0x0;
	[smem:$0x7FF] =	sst s3;
	s29 =	smul.u32 $0x50000, s1  }
0x8: {  	s9 =	sadd.s32 $0x5400, s6;
	s11 =	sshll.u32 s1, $0x6;
	s4 =	smul.u32 $0x140000, s7  }
0x9: {  	_ =	strace $0x8000004D;
	s30 =	ssub.s32 $0x2, s7;
	s12 =	sshll.u32 s7, $0x5  }
0xa: {  	s7 =	sor.u32 $0x1C01, s11;
	s31 =	sshrl.u32 s30, $0x1;
	s13 =	sor.u32 s12, s11  }
0xb: {  	s11 =	sadd.s32 s11, s9;
	s5 =	sadd.s32 s5, s4;
	s4 =	sadd.s32 $0x19400, s6  }
0xc: {  	s14 =	ssub.s32 s30, s31;
	s11 =	sadd.s32 s12, s11;
	s8 =	sshrl.u32 s5, $0x3  }
0xd: {  	s5 =	sadd.s32 $0x40600, s6;
	s10 =	sadd.s32 s8, s6;
	s6 =	sshrl.u32 s29, $0x2  }
0xe: {  	s15 =	sadd.s32 s6, s2;
	s6 =	sadd.s32 s9, s13;
	s9 =	sadd.s32 $0x42E00, s10  }
0xf: {  	s10 =	smax.u32 s14, $0x1;
	s13 =	simm.s32 $0x1;
	s14 =	simm.s32 $0x5  }
0x10: {  	s8 =	sadd.s32 $0x400, s6;
	s12 =	sshrl.u32 s15, $0x3;
	s15 =	simm.s32 $0x80  }
.LBB2_1:
0x11: {  	[spmem:s12], [sflag:s7] =	dma.local [hbm:s5], $0x2800  }
0x12: {  	_ =	swait.ge [sflag:s13], $0x2800  }
0x13: {  	[sflag:s13] =	ssyncset.done $0x0  }
0x14: {  	[sflag:s13] =	ssyncadd.s32 $0xFFFFD800  }
0x15: {  	[bflag:$0x0] =	sbarrier.arrive $0xFFFF  }
0x16: {  	[tilespmem:s3], [sflag:$0x5] =	stream.linear.gather [hbm4b:s6+s3], $0x100, $0x38;
	[tilespmem:$0x1C200] =	vst v63  }
0x17: {  	_ =	swait.ge [sflag:s14], $0x100  }
0x18: {  	[sflag:s14] =	ssyncset.done $0x0  }
0x19: {  	[sflag:s14] =	ssyncadd.s32 $0xFFFFFF00  }
0x1a: {  	[tilespmem:s16], [sflag:$0x1] =	stream.indirect.gather [hbm4b:s4+s15], $0x80, s3, s15, $0xb8;
	[tilespmem:$0x1C200] =	vst v63  }
0x1b: {  	_ = 	snop  }
0x1c: {  	[tilespmem:s17], [sflag:$0x5] =	stream.linear.gather [hbm4b:s8+s3], $0x100, $0x38;
	[tilespmem:$0x1C200] =	vst v63  }
0x1d: {  	_ =	swait.ge [sflag:s14], $0x100  }
0x1e: {  	[sflag:s14] =	ssyncset.done $0x0  }
0x1f: {  	[sflag:s14] =	ssyncadd.s32 $0xFFFFFF00  }
0x20: {  	[tilespmem:s18], [sflag:$0x2] =	stream.indirect.gather [hbm4b:s4+s15], $0x80, s17, s15, $0xb8;
	[tilespmem:$0x1C200] =	vst v63  }
0x21: {  	_ =	swait.ge [sflag:s13], $0x4000  }
0x22: {  	[sflag:s13] =	ssyncset.done $0x0  }
0x23: {  	[sflag:s13] =	ssyncadd.s32 $0xFFFFC000  }
0x24: {  	[spmem:s2] =	stream.indirect.scatter.add.f32 [tilespmem:s16], [sflag:$0x3], $0x80, s15, s15, $0xb8;
	[tilespmem:$0x1C200] =	vst v63  }
0x25: {  	_ =	swait.ge [sflag:s19], $0x4000  }
0x26: {  	s24 =	sadd.s32 $0xFFFEC800, s11;
	[sflag:s19] =	ssyncset.done $0x0  }
0x27: {  	s25 =	sadd.s32 $0x14000, s24;
	[sflag:s19] =	ssyncadd.s32 $0xFFFFC000  }
0x28: {  	[tilespmem:s3], [sflag:$0x5] =	stream.linear.gather [hbm4b:s25+s3], $0x100, $0x38;
	[tilespmem:$0x1C200] =	vst v63  }
0x29: {  	_ =	swait.ge [sflag:s14], $0x100  }
0x2a: {  	[sflag:s14] =	ssyncset.done $0x0  }
0x2b: {  	[sflag:s14] =	ssyncadd.s32 $0xFFFFFF00  }
0x2c: {  	[tilespmem:s16], [sflag:$0x1] =	stream.indirect.gather [hbm4b:s4+s15], $0x80, s3, s15, $0xb8;
	[tilespmem:$0x1C200] =	vst v63  }
0x2d: {  	_ =	swait.ge [sflag:s20], $0x4000  }
0x2e: {  	[sflag:s20] =	ssyncset.done $0x0  }
0x2f: {  	[sflag:s20] =	ssyncadd.s32 $0xFFFFC000  }
0x30: {  	[spmem:s2] =	stream.indirect.scatter.add.f32 [tilespmem:s18], [sflag:$0x4], $0x80, s21, s15, $0xb8;
	[tilespmem:$0x1C200] =	vst v63  }
0x31: {  	_ =	swait.ge [sflag:s22], $0x4000  }
0x32: {  	[sflag:s22] =	ssyncset.done $0x0  }
0x33: {  	s24 =	sadd.s32 $0x14400, s24;
	[sflag:s22] =	ssyncadd.s32 $0xFFFFC000  }
0x34: {  	[tilespmem:s17], [sflag:$0x5] =	stream.linear.gather [hbm4b:s24+s3], $0x100, $0x38;
	[tilespmem:$0x1C200] =	vst v63  }
0x35: {  	_ =	swait.ge [sflag:s14], $0x100  }
0x36: {  	[sflag:s14] =	ssyncset.done $0x0  }
0x37: {  	s24 =	simm.s32 $0xFFFED000;
	[sflag:s14] =	ssyncadd.s32 $0xFFFFFF00  }
.LBB2_2:
0x38: {  	[tilespmem:s18], [sflag:$0x2] =	stream.indirect.gather [hbm4b:s4+s15], $0x80, s17, s15, $0xb8;
	[tilespmem:$0x1C200] =	vst v63  }
0x39: {  	s25 =	smov.u32 s24  }
0x3a: {  	p0 =	sne.s32 s24, $0xFFFFF800;
	s24 =	sadd.s32 $0x800, s24;
	_ =	swait.ge [sflag:s13], $0x4000  }
0x3b: {  	[sflag:s13] =	ssyncset.done $0x0  }
0x3c: {  	[sflag:s13] =	ssyncadd.s32 $0xFFFFC000  }
0x3d: {  	[spmem:s2] =	stream.indirect.scatter.add.f32 [tilespmem:s16], [sflag:$0x3], $0x80, s15, s15, $0xb8;
	[tilespmem:$0x1C200] =	vst v63  }
0x3e: {  	_ =	swait.ge [sflag:s19], $0x4000  }
0x3f: {  	s25 =	sadd.s32 s25, s11;
	[sflag:s19] =	ssyncset.done $0x0  }
0x40: {  	s26 =	sadd.s32 $0x14000, s25;
	[sflag:s19] =	ssyncadd.s32 $0xFFFFC000  }
0x41: {  	[tilespmem:s3], [sflag:$0x5] =	stream.linear.gather [hbm4b:s26+s3], $0x100, $0x38;
	[tilespmem:$0x1C200] =	vst v63  }
0x42: {  	_ =	swait.ge [sflag:s14], $0x100  }
0x43: {  	[sflag:s14] =	ssyncset.done $0x0  }
0x44: {  	[sflag:s14] =	ssyncadd.s32 $0xFFFFFF00  }
0x45: {  	[tilespmem:s16], [sflag:$0x1] =	stream.indirect.gather [hbm4b:s4+s15], $0x80, s3, s15, $0xb8;
	[tilespmem:$0x1C200] =	vst v63  }
0x46: {  	_ =	swait.ge [sflag:s20], $0x4000  }
0x47: {  	[sflag:s20] =	ssyncset.done $0x0  }
0x48: {  	[sflag:s20] =	ssyncadd.s32 $0xFFFFC000  }
0x49: {  	[spmem:s2] =	stream.indirect.scatter.add.f32 [tilespmem:s18], [sflag:$0x4], $0x80, s21, s15, $0xb8;
	[tilespmem:$0x1C200] =	vst v63  }
0x4a: {  	_ =	swait.ge [sflag:s22], $0x4000  }
0x4b: {  	[sflag:s22] =	ssyncset.done $0x0  }
.Ltmp0:
0x4c: {  	s25 =	sadd.s32 $0x14400, s25;
	[sflag:s22] =	ssyncadd.s32 $0xFFFFC000;
	(pc) =	sbr.rel @p0 .LBB2_2-.Ltmp0, $4  }
0x4d: {  	[tilespmem:s17], [sflag:$0x5] =	stream.linear.gather [hbm4b:s25+s3], $0x100, $0x38;
	[tilespmem:$0x1C200] =	vst v63  }
0x4e: {  	_ =	swait.ge [sflag:s14], $0x100  }
0x4f: {  	[sflag:s14] =	ssyncset.done $0x0  }
0x50: {  	[sflag:s14] =	ssyncadd.s32 $0xFFFFFF00  }
0x51: {  	[tilespmem:s18], [sflag:$0x2] =	stream.indirect.gather [hbm4b:s4+s15], $0x80, s17, s15, $0xb8;
	[tilespmem:$0x1C200] =	vst v63  }
0x52: {  	_ =	swait.ge [sflag:s13], $0x4000  }
0x53: {  	[sflag:s13] =	ssyncset.done $0x0  }
0x54: {  	[sflag:s13] =	ssyncadd.s32 $0xFFFFC000  }
0x55: {  	[spmem:s2] =	stream.indirect.scatter.add.f32 [tilespmem:s16], [sflag:$0x3], $0x80, s15, s15, $0xb8;
	[tilespmem:$0x1C200] =	vst v63  }
0x56: {  	_ =	swait.ge [sflag:s20], $0x4000  }
0x57: {  	[sflag:s20] =	ssyncset.done $0x0  }
0x58: {  	[sflag:s20] =	ssyncadd.s32 $0xFFFFC000  }
0x59: {  	[spmem:s2] =	stream.indirect.scatter.add.f32 [tilespmem:s18], [sflag:$0x4], $0x80, s21, s15, $0xb8;
	[tilespmem:$0x1C200] =	vst v63  }
0x5a: {  	_ =	swait.ge [sflag:s19], $0x4000  }
0x5b: {  	[sflag:s19] =	ssyncset.done $0x0  }
0x5c: {  	[sflag:s19] =	ssyncadd.s32 $0xFFFFC000  }
0x5d: {  	_ =	swait.ge [sflag:s22], $0x4000  }
0x5e: {  	s23 =	sadd.s32 $0x1, s23;
	[sflag:s22] =	ssyncset.done $0x0  }
0x5f: {  	p0 =	sne.s32 s23, s10;
	[sflag:s22] =	ssyncadd.s32 $0xFFFFC000  }
.Ltmp1:
0x60: {  	[bflag:$0x0] =	sbarrier.arrive $0xFFFF;
	(pc) =	sbr.rel @p0 .LBB2_1-.Ltmp1, $4  }
0x61: {  	[hbm:s9], [sflag:s7] =	dma.local [spmem:s12], $0x2800  }
0x62: {  	_ =	swait.ge [sflag:s13], $0x2800  }
0x63: {  	[sflag:s13] =	ssyncset.done $0x0  }
0x64: {  	[sflag:s13] =	ssyncadd.s32 $0xFFFFD800  }
0x65: {  	_ =	sfence.sel $0x180000  }
0x66: {  	[bflag:$0x0] =	sbarrier.arrive $0xFFFF  }
0x67: {  	p0 =	sne.s32 s1, $0x0;
	_ =	strace $0x9000004D  }
0x68: {  	s0 =	sadd.s32 @!p0 $0x100000, s0;
	[bflag:$0x2] =	sbarrier.arrive $0xFFFF  }
0x69: {  	[sflag:s0] =	ssyncadd.tile.s32 @!p0 $0x1;
	_ =	shalt  }
.Lfunc_end2:
_tile_overlayer_lowered:
.L_overlay_start_2:
0x6a: {  	(tag) =	ssettag $0x2  }
0x6b: {  	s0 =	rddreg [dreg:$0x0];
	s2 =	stileid.u32  }
0x6c: {  	s1 =	rddreg [dreg:$0x1];
	p0 =	sne.s32 s2, $0x0  }
0x6d: {  	s3 =	rddreg [dreg:$0x2];
	[bflag:$0x3] =	sbarrier.arrive $0xFFFF;
	s2 =	simm.s32 @!p0 $0x1C01  }
0x6e: {  	[timem:s3], [sflag:s2] =	dma.local @!p0 [hbm:s0], s1  }
0x6f: {  	s0 =	simm.s32 @!p0 $0x1  }
0x70: {  	_ =	swait.ge @!p0 [sflag:s0], s1  }
0x71: {  	s1 =	ssub.s32 @!p0 $0x0, s1;
	[sflag:s0] =	ssyncset.done @!p0 $0x0  }
0x72: {  	[sflag:s0] =	ssyncadd.s32 @!p0 s1  }
0x73: {  	[bflag:$0x3] =	sbarrier.arrive $0xFFFF  }
0x74: {  	_ =	shalt  }

// kernel: kernel.23.cloned.1.call-start
scs
__scs_entry_jumppad:
0x0: {  	(pc) =	sbr.rel $0x88, $3  }
0x1: {  	(tag) =	ssettag $0x0;
	lr =	simm.s32 $0x1  }
0x2: {  	[smem:$0x3F8D] =	sst lr;
	_ =	strace $0xD0000000  }
0x3: {  	_ = 	snop  }
0x4: {  	_ = 	snop  }
0x5: {  	_ = 	snop  }
0x6: {  	_ = 	snop  }
0x7: {  	_ = 	snop  }
__scs_overlays_trampoline_lowered:
0x8: {  	[smem:$0x3F9C] =	sst s0  }
0x9: {  	[smem:$0x3F9D] =	sst s1  }
0xa: {  	[smem:$0x3F9E] =	sst s2  }
0xb: {  	[smem:$0x3F9F] =	sst s3  }
0xc: {  	[smem:$0x3FA0] =	sst s4  }
0xd: {  	[smem:$0x3FA1] =	sst s5  }
0xe: {  	[smem:$0x3FA2] =	sst s6  }
0xf: {  	[smem:$0x3FA3] =	sst s7  }
0x10: {  	[smem:$0x3FA4] =	sst s8  }
0x11: {  	[smem:$0x3FA5] =	sst s9;
	s0 =	simm.s32 @!p0 $0x0  }
0x12: {  	s1 =	sld [smem:$0x3F8B];
	s0 =	simm.s32 @p0 $0x1  }
0x13: {  	[smem:$0x3FA6] =	sst s0;
	s0 =	simm.s32 @!p1 $0x0  }
0x14: {  	s2 =	sld [smem:$0x3F8A];
	s0 =	simm.s32 @p1 $0x1  }
0x15: {  	[smem:$0x3FA7] =	sst s0;
	s0 =	simm.s32 @!p2 $0x0  }
0x16: {  	s3 =	sld [smem:$0x3FDB];
	s0 =	simm.s32 @p2 $0x1  }
0x17: {  	s4 =	simm.s32 $0x1BF5;
	[smem:$0x3FA9] =	sst s0  }
0x18: {  	s0 =	sld [smem:$0x3F8C];
	_ =	swait.ge [sflag:s4], $0x0  }
0x19: {  	s7 =	sld [smem:$0x3F8D]  }
0x1a: {  	s8 =	sadd.s32 $0xFFFFE003, lr  }
0x1b: {  	s9 =	sadd.s32 $0xFFFFFEF7, lr;
	s5 =	simm.s32 $0xFFFFFFFF;
	p2 =	slt.u32 s8, $0xFFFFF086  }
0x1c: {  	p1 =	slt.u32 s9, $0xF7A;
	s5 =	simm.s32 @!p2 $0x0  }
0x1d: {  	s5 =	simm.s32 @p1 $0x1;
	p0 =	seq.s32 s7, s2  }
0x1e: {  	s7 =	smul.u32 @!p0 $0xF7A, s2;
	p2 =	seq.s32 @!p0 s5, $0x0  }
0x1f: {  	s9 =	smul.u32 $0xF7A, s1;
	s8 =	simm.s32 @!p0 $0x1BF5;
	p2 =	por !p2, p0  }
0x20: {  	[sflag:s8] =	ssyncset.s32 @!p0 $0xFFFFF086;
	s6 =	sadd.s32 @!p0 s3, s7;
	s7 =	simm.s32 @!p0 $0x108  }
0x21: {  	s3 =	sadd.s32 s3, s9;
	s6 =	sadd.s32 @!p0 $0x88, s6;
	s7 =	simm.s32 @p2 $0x1082  }
0x22: {  	[simem:s7], [sflag:s8] =	dma.local @!p0 [hbm:s6], $0xF7A  }
0x23: {  	s9 =	sor.u32 $0xD0000000, s2;
	s6 =	simm.s32 $0x108;
	_ =	swait.ge @!p0 [sflag:s8], $0x0  }
0x24: {  	s3 =	sadd.s32 $0x88, s3;
	s6 =	simm.s32 @!p1 $0x1082;
	[sflag:s4] =	ssyncset.s32 $0xFFFFF086  }
0x25: {  	[simem:s6], [sflag:s4] =	dma.local [hbm:s3], $0xF7A  }
0x26: {  	[smem:$0x3F8D] =	sst s1;
	(tag) =	ssettag s2;
	_ =	strace s9  }
0x27: {  	s1 =	sld [smem:$0x3F9D]  }
0x28: {  	s2 =	sld [smem:$0x3F9E]  }
0x29: {  	s4 =	sld [smem:$0x3FA0]  }
0x2a: {  	p0 =	seq.s32 s5, $0x0;
	s5 =	sld [smem:$0x3FA1]  }
0x2b: {  	s6 =	sld [smem:$0x3FA2]  }
0x2c: {  	s7 =	sld [smem:$0x3FA3]  }
0x2d: {  	s3 =	simm.s32 $0x108;
	s8 =	sld [smem:$0x3FA4]  }
0x2e: {  	s3 =	simm.s32 @!p0 $0x1082;
	s9 =	sld [smem:$0x3FA5]  }
0x2f: {  	lr =	sadd.s32 s0, s3;
	s0 =	sld [smem:$0x3F9C]  }
0x30: {  	s3 =	sld [smem:$0x3F9F]  }
0x31: {  	[smem:$0x3FA8] =	sst s10  }
0x32: {  	s10 =	sld [smem:$0x3FA6];
	_ =	sdelay $0x3  }
0x33: {  	p0 =	seq.s32 s10, $0x1;
	s10 =	sld [smem:$0x3FA8];
	_ =	sdelay $0x3  }
0x34: {  	[smem:$0x3FA8] =	sst s10  }
0x35: {  	s10 =	sld [smem:$0x3FA7];
	_ =	sdelay $0x3  }
0x36: {  	p1 =	seq.s32 s10, $0x1;
	s10 =	sld [smem:$0x3FA8];
	_ =	sdelay $0x3  }
0x37: {  	[smem:$0x3FA8] =	sst s10  }
0x38: {  	s10 =	sld [smem:$0x3FA9]  }
0x39: {  	_ = 	snop;
	(pc) =	sbr.ind lr, $3  }
0x3a: {  	_ = 	snop  }
0x3b: {  	_ = 	snop  }
0x3c: {  	p2 =	seq.s32 s10, $0x1;
	s10 =	sld [smem:$0x3FA8]  }
0x3d: {  	_ =	shalt  }
0x3e: {  	_ =	shalt  }
0x3f: {  	_ =	shalt  }
0x40: {  	_ =	shalt  }
0x41: {  	_ =	shalt  }
0x42: {  	_ =	shalt  }
0x43: {  	_ =	shalt  }
0x44: {  	_ =	shalt  }
0x45: {  	_ =	shalt  }
0x46: {  	_ =	shalt  }
0x47: {  	_ =	shalt  }
0x48: {  	_ =	shalt  }
0x49: {  	_ =	shalt  }
0x4a: {  	_ =	shalt  }
0x4b: {  	_ =	shalt  }
0x4c: {  	_ =	shalt  }
0x4d: {  	_ =	shalt  }
0x4e: {  	_ =	shalt  }
0x4f: {  	_ =	shalt  }
0x50: {  	_ =	shalt  }
0x51: {  	_ =	shalt  }
0x52: {  	_ =	shalt  }
0x53: {  	_ =	shalt  }
0x54: {  	_ =	shalt  }
0x55: {  	_ =	shalt  }
0x56: {  	_ =	shalt  }
0x57: {  	_ =	shalt  }
0x58: {  	_ =	shalt  }
0x59: {  	_ =	shalt  }
0x5a: {  	_ =	shalt  }
0x5b: {  	_ =	shalt  }
0x5c: {  	_ =	shalt  }
0x5d: {  	_ =	shalt  }
0x5e: {  	_ =	shalt  }
0x5f: {  	_ =	shalt  }
0x60: {  	_ =	shalt  }
0x61: {  	_ =	shalt  }
0x62: {  	_ =	shalt  }
0x63: {  	_ =	shalt  }
0x64: {  	_ =	shalt  }
0x65: {  	_ =	shalt  }
0x66: {  	_ =	shalt  }
0x67: {  	_ =	shalt  }
0x68: {  	_ =	shalt  }
0x69: {  	_ =	shalt  }
0x6a: {  	_ =	shalt  }
0x6b: {  	_ =	shalt  }
0x6c: {  	_ =	shalt  }
0x6d: {  	_ =	shalt  }
0x6e: {  	_ =	shalt  }
0x6f: {  	_ =	shalt  }
0x70: {  	_ =	shalt  }
0x71: {  	_ =	shalt  }
0x72: {  	_ =	shalt  }
0x73: {  	_ =	shalt  }
0x74: {  	_ =	shalt  }
0x75: {  	_ =	shalt  }
0x76: {  	_ =	shalt  }
0x77: {  	_ =	shalt  }
0x78: {  	_ =	shalt  }
0x79: {  	_ =	shalt  }
0x7a: {  	_ =	shalt  }
0x7b: {  	_ =	shalt  }
0x7c: {  	_ =	shalt  }
0x7d: {  	_ =	shalt  }
0x7e: {  	_ =	shalt  }
0x7f: {  	_ =	shalt  }
0x80: {  	_ =	shalt  }
0x81: {  	_ =	shalt  }
0x82: {  	_ =	shalt  }
0x83: {  	_ =	shalt  }
0x84: {  	_ =	shalt  }
0x85: {  	_ =	shalt  }
0x86: {  	_ =	shalt  }
0x87: {  	_ =	shalt  }
.Lfunc_end0:
.L_simem_size_0:
called_computation.3_lowered:
.L_overlay_start_0:
0x88: {  	s2 =	sld [smem:$0x3FD9]  }
0x89: {  	s3 =	sld [smem:$0x3FFE];
	_ =	sdelay $0x1  }
0x8a: {  	s1 =	srdreg.scid  }
0x8b: {  	s0 =	sand.u32 $0x1, s1  }
0x8c: {  	s16 =	sshll.u32 s0, $0xA;
	s2 =	sadd.s32 s3, s2  }
0x8d: {  	s2 =	sadd.s32 s2, s16  }
0x8e: {  	[smem:$0x3FB4] =	sst s2  }
0x8f: {  	_ = 	snop  }
0x90: {  	(tm) =	ssettm $0x1  }
0x91: {  	s17 =	sld [smem:$0x3FFB];
	_ =	sdelay $0x3  }
0x92: {  	_ =	strace s17  }
0x93: {  	s2 =	sld [smem:$0x3FFC];
	_ =	sdelay $0x3  }
0x94: {  	_ =	strace s2  }
0x95: {  	s2 =	sld [smem:$0x3FFD];
	_ =	sdelay $0x3  }
0x96: {  	_ =	strace s2  }
0x97: {  	_ =	strace $0x8FFFFFFF  }
0x98: {  	s18 =	sld [smem:$0x3FDB];
	_ =	sdelay $0x1  }
0x99: {  	s19 =	simm.s32 $_scs_section_size  }
0x9a: {  	s4 =	simm.s32 $_size__tile_overlayer_lowered;
	s5 =	simm.s32 $_tile_overlayer_lowered  }
0x9b: {  	s22 =	simm.s32 $0x1BFF;
	s21 =	sshll.u32 s5, $0x1;
	s2 =	sadd.s32 s19, s18  }
0x9c: {  	s6 =	simm.s32 $0x0;
	s20 =	sshll.u32 s4, $0x1;
	s4 =	sadd.s32 s21, s2  }
0x9d: {  	[timem:s6], [sflag:s22] =	dma.local [hbm:s4], s20  }
0x9e: {  	_ =	swait.ge [sflag:s22], s20  }
0x9f: {  	s3 =	ssub.s32 $0x0, s20;
	[sflag:s22] =	ssyncset.done $0x0  }
0xa0: {  	[sflag:s22] =	ssyncadd.s32 s3;
	_ =	sdelay $0x1  }
0xa1: {  	s23 =	simm.s32 $0x1B8B  }
0xa2: {  	_ =	swait.ge [sflag:s23], $0x1  }
0xa3: {  	[sflag:s23] =	ssyncset.done $0x0  }
0xa4: {  	s25 =	simm.s32 $0x1B8E;
	s24 =	sld [smem:$0x3FFE];
	[sflag:s23] =	ssyncadd.s32 $0xFFFFFFFF  }
0xa5: {  	s26 =	simm.s32 $execute0_lowered;
	[smem:$0x3FD2] =	sst s25  }
0xa6: {  	s4 =	sshll.u32 s26, $0x1;
	_ =	strace $0x8000004F;
	[dreg:$0x1] =	wrdreg $0xFFFFFFFF  }
0xa7: {  	s28 =	simm.s32 $_size_execute0_lowered;
	s2 =	sadd.s32 s2, s4;
	[dreg:$0x0] =	wrdreg $0x0  }
0xa8: {  	s4 =	sshll.u32 s28, $0x1;
	[dreg:$0x2] =	wrdreg s2  }
0xa9: {  	[dreg:$0x3] =	wrdreg s4  }
0xaa: {  	[dreg:$0x4] =	wrdreg $0xC0  }
0xab: {  	_ =	task [dreg:s6], $0x5FFFF  }
0xac: {  	[dreg:$0x1] =	wrdreg $0xFFFFFFFF  }
0xad: {  	[dreg:$0x0] =	wrdreg $0x60  }
0xae: {  	[dreg:$0x2] =	wrdreg s24  }
0xaf: {  	[dreg:$0x3] =	wrdreg $0x82000  }
0xb0: {  	[dreg:$0x4] =	wrdreg $0x9  }
0xb1: {  	_ =	task.clear_ibuf [dreg:s6], $0x5FFFF;
	_ =	strace $0x9000004F  }
0xb2: {  	s29 =	simm.s32 $0x9;
	_ =	strace $0x80000051  }
0xb3: {  	_ =	swait.ge [sflag:s29], $0x1  }
0xb4: {  	[sflag:s29] =	ssyncadd.s32 $0xFFFFFFFF  }
0xb5: {  	_ =	strace $0x90000051  }
0xb6: {  	_ =	sfence  }
0xb7: {  	s30 =	sld [smem:$0x0];
	_ =	sdelay $0x2  }
0xb8: {  	s31 =	sshll.u32 s1, $0xD;
	s1 =	sshrl.u32 s1, $0x2  }
0xb9: {  	s3 =	sand.u32 $0x4000, s31;
	s1 =	sadd.s32 s1, s30  }
0xba: {  	s0 =	sor.u32 s3, s0;
	s1 =	sshll.u32 s1, $0x11  }
0xbb: {  	s0 =	sor.u32 s1, s0  }
0xbc: {  	s0 =	sadd.s32 $0x8F2B, s0  }
0xbd: {  	[sflag:s0] =	ssyncadd.remote.s32 $0x1  }
0xbe: {  	_ =	sfence.sel $0xFFFF  }
0xbf: {  	[dreg:$0x0] =	wrdreg $0xFFFFFFFF;
	(pc) =	sbr.abs _section_cstart, $3  }
0xc0: {  	[dreg:$0x1] =	wrdreg $0xFFFFFFFF  }
0xc1: {  	_ =	task.clear_ibuf [dreg:s6], $0x2FFFF;
	_ =	strace $0x9FFFFFFF  }
0xc2: {  	(tm) =	ssettm $0x7FFFFFFF  }
0xc3: {  	_ =	shalt  }
tec
execute0_lowered:
.L_overlay_start_1:
0x0: {  	(tag) =	ssettag $0x1  }
0x1: {  	s6 =	rddreg [dreg:$0x0]  }
0x2: {  	s0 =	srdreg.scid;
	s2 =	rddreg [dreg:$0x1]  }
0x3: {  	s1 =	stileid.u32;
	s3 =	simm.s32 $0x0;
	s16 =	simm.s32 $0x200  }
0x4: {  	s17 =	simm.s32 $0x100;
	s18 =	simm.s32 $0x4200;
	s19 =	simm.s32 $0x3  }
0x5: {  	s20 =	simm.s32 $0x2;
	s21 =	simm.s32 $0x180;
	s22 =	simm.s32 $0x4  }
0x6: {  	s7 =	sand.u32 $0x1, s0;
	s0 =	rddreg [dreg:$0x2];
	s5 =	smul.u32 $0x14000, s1  }
0x7: {  	s23 =	simm.s32 $0x0;
	[smem:$0x7FF] =	sst s3;
	s29 =	smul.u32 $0x50000, s1  }
0x8: {  	s9 =	sadd.s32 $0x5400, s6;
	s11 =	sshll.u32 s1, $0x6;
	s4 =	smul.u32 $0x140000, s7  }
0x9: {  	_ =	strace $0x80000050;
	s30 =	ssub.s32 $0x2, s7;
	s12 =	sshll.u32 s7, $0x5  }
0xa: {  	s7 =	sor.u32 $0x1C01, s11;
	s31 =	sshrl.u32 s30, $0x1;
	s13 =	sor.u32 s12, s11  }
0xb: {  	s11 =	sadd.s32 s11, s9;
	s5 =	sadd.s32 s5, s4;
	s4 =	sadd.s32 $0x19400, s6  }
0xc: {  	s14 =	ssub.s32 s30, s31;
	s11 =	sadd.s32 s12, s11;
	s8 =	sshrl.u32 s5, $0x3  }
0xd: {  	s5 =	sadd.s32 $0x40600, s6;
	s10 =	sadd.s32 s8, s6;
	s6 =	sshrl.u32 s29, $0x2  }
0xe: {  	s15 =	sadd.s32 s6, s2;
	s6 =	sadd.s32 s9, s13;
	s9 =	sadd.s32 $0x42E00, s10  }
0xf: {  	s10 =	smax.u32 s14, $0x1;
	s13 =	simm.s32 $0x1;
	s14 =	simm.s32 $0x5  }
0x10: {  	s8 =	sadd.s32 $0x400, s6;
	s12 =	sshrl.u32 s15, $0x3;
	s15 =	simm.s32 $0x80  }
.LBB2_1:
0x11: {  	[spmem:s12], [sflag:s7] =	dma.local [hbm:s5], $0x2800  }
0x12: {  	_ =	swait.ge [sflag:s13], $0x2800  }
0x13: {  	[sflag:s13] =	ssyncset.done $0x0  }
0x14: {  	[sflag:s13] =	ssyncadd.s32 $0xFFFFD800  }
0x15: {  	[bflag:$0x0] =	sbarrier.arrive $0xFFFF  }
0x16: {  	[tilespmem:s3], [sflag:$0x5] =	stream.linear.gather [hbm4b:s6+s3], $0x100, $0x38;
	[tilespmem:$0x1C200] =	vst v63  }
0x17: {  	_ =	swait.ge [sflag:s14], $0x100  }
0x18: {  	[sflag:s14] =	ssyncset.done $0x0  }
0x19: {  	[sflag:s14] =	ssyncadd.s32 $0xFFFFFF00  }
0x1a: {  	[tilespmem:s16], [sflag:$0x1] =	stream.indirect.gather [hbm4b:s4+s15], $0x80, s3, s15, $0xb8;
	[tilespmem:$0x1C200] =	vst v63  }
0x1b: {  	_ = 	snop  }
0x1c: {  	[tilespmem:s17], [sflag:$0x5] =	stream.linear.gather [hbm4b:s8+s3], $0x100, $0x38;
	[tilespmem:$0x1C200] =	vst v63  }
0x1d: {  	_ =	swait.ge [sflag:s14], $0x100  }
0x1e: {  	[sflag:s14] =	ssyncset.done $0x0  }
0x1f: {  	[sflag:s14] =	ssyncadd.s32 $0xFFFFFF00  }
0x20: {  	[tilespmem:s18], [sflag:$0x2] =	stream.indirect.gather [hbm4b:s4+s15], $0x80, s17, s15, $0xb8;
	[tilespmem:$0x1C200] =	vst v63  }
0x21: {  	_ =	swait.ge [sflag:s13], $0x4000  }
0x22: {  	[sflag:s13] =	ssyncset.done $0x0  }
0x23: {  	[sflag:s13] =	ssyncadd.s32 $0xFFFFC000  }
0x24: {  	[spmem:s2] =	stream.indirect.scatter.add.f32 [tilespmem:s16], [sflag:$0x3], $0x80, s15, s15, $0xb8;
	[tilespmem:$0x1C200] =	vst v63  }
0x25: {  	_ =	swait.ge [sflag:s19], $0x4000  }
0x26: {  	s24 =	sadd.s32 $0xFFFEC800, s11;
	[sflag:s19] =	ssyncset.done $0x0  }
0x27: {  	s25 =	sadd.s32 $0x14000, s24;
	[sflag:s19] =	ssyncadd.s32 $0xFFFFC000  }
0x28: {  	[tilespmem:s3], [sflag:$0x5] =	stream.linear.gather [hbm4b:s25+s3], $0x100, $0x38;
	[tilespmem:$0x1C200] =	vst v63  }
0x29: {  	_ =	swait.ge [sflag:s14], $0x100  }
0x2a: {  	[sflag:s14] =	ssyncset.done $0x0  }
0x2b: {  	[sflag:s14] =	ssyncadd.s32 $0xFFFFFF00  }
0x2c: {  	[tilespmem:s16], [sflag:$0x1] =	stream.indirect.gather [hbm4b:s4+s15], $0x80, s3, s15, $0xb8;
	[tilespmem:$0x1C200] =	vst v63  }
0x2d: {  	_ =	swait.ge [sflag:s20], $0x4000  }
0x2e: {  	[sflag:s20] =	ssyncset.done $0x0  }
0x2f: {  	[sflag:s20] =	ssyncadd.s32 $0xFFFFC000  }
0x30: {  	[spmem:s2] =	stream.indirect.scatter.add.f32 [tilespmem:s18], [sflag:$0x4], $0x80, s21, s15, $0xb8;
	[tilespmem:$0x1C200] =	vst v63  }
0x31: {  	_ =	swait.ge [sflag:s22], $0x4000  }
0x32: {  	[sflag:s22] =	ssyncset.done $0x0  }
0x33: {  	s24 =	sadd.s32 $0x14400, s24;
	[sflag:s22] =	ssyncadd.s32 $0xFFFFC000  }
0x34: {  	[tilespmem:s17], [sflag:$0x5] =	stream.linear.gather [hbm4b:s24+s3], $0x100, $0x38;
	[tilespmem:$0x1C200] =	vst v63  }
0x35: {  	_ =	swait.ge [sflag:s14], $0x100  }
0x36: {  	[sflag:s14] =	ssyncset.done $0x0  }
0x37: {  	s24 =	simm.s32 $0xFFFED000;
	[sflag:s14] =	ssyncadd.s32 $0xFFFFFF00  }
.LBB2_2:
0x38: {  	[tilespmem:s18], [sflag:$0x2] =	stream.indirect.gather [hbm4b:s4+s15], $0x80, s17, s15, $0xb8;
	[tilespmem:$0x1C200] =	vst v63  }
0x39: {  	s25 =	smov.u32 s24  }
0x3a: {  	p0 =	sne.s32 s24, $0xFFFFF800;
	s24 =	sadd.s32 $0x800, s24;
	_ =	swait.ge [sflag:s13], $0x4000  }
0x3b: {  	[sflag:s13] =	ssyncset.done $0x0  }
0x3c: {  	[sflag:s13] =	ssyncadd.s32 $0xFFFFC000  }
0x3d: {  	[spmem:s2] =	stream.indirect.scatter.add.f32 [tilespmem:s16], [sflag:$0x3], $0x80, s15, s15, $0xb8;
	[tilespmem:$0x1C200] =	vst v63  }
0x3e: {  	_ =	swait.ge [sflag:s19], $0x4000  }
0x3f: {  	s25 =	sadd.s32 s25, s11;
	[sflag:s19] =	ssyncset.done $0x0  }
0x40: {  	s26 =	sadd.s32 $0x14000, s25;
	[sflag:s19] =	ssyncadd.s32 $0xFFFFC000  }
0x41: {  	[tilespmem:s3], [sflag:$0x5] =	stream.linear.gather [hbm4b:s26+s3], $0x100, $0x38;
	[tilespmem:$0x1C200] =	vst v63  }
0x42: {  	_ =	swait.ge [sflag:s14], $0x100  }
0x43: {  	[sflag:s14] =	ssyncset.done $0x0  }
0x44: {  	[sflag:s14] =	ssyncadd.s32 $0xFFFFFF00  }
0x45: {  	[tilespmem:s16], [sflag:$0x1] =	stream.indirect.gather [hbm4b:s4+s15], $0x80, s3, s15, $0xb8;
	[tilespmem:$0x1C200] =	vst v63  }
0x46: {  	_ =	swait.ge [sflag:s20], $0x4000  }
0x47: {  	[sflag:s20] =	ssyncset.done $0x0  }
0x48: {  	[sflag:s20] =	ssyncadd.s32 $0xFFFFC000  }
0x49: {  	[spmem:s2] =	stream.indirect.scatter.add.f32 [tilespmem:s18], [sflag:$0x4], $0x80, s21, s15, $0xb8;
	[tilespmem:$0x1C200] =	vst v63  }
0x4a: {  	_ =	swait.ge [sflag:s22], $0x4000  }
0x4b: {  	[sflag:s22] =	ssyncset.done $0x0  }
.Ltmp0:
0x4c: {  	s25 =	sadd.s32 $0x14400, s25;
	[sflag:s22] =	ssyncadd.s32 $0xFFFFC000;
	(pc) =	sbr.rel @p0 .LBB2_2-.Ltmp0, $4  }
0x4d: {  	[tilespmem:s17], [sflag:$0x5] =	stream.linear.gather [hbm4b:s25+s3], $0x100, $0x38;
	[tilespmem:$0x1C200] =	vst v63  }
0x4e: {  	_ =	swait.ge [sflag:s14], $0x100  }
0x4f: {  	[sflag:s14] =	ssyncset.done $0x0  }
0x50: {  	[sflag:s14] =	ssyncadd.s32 $0xFFFFFF00  }
0x51: {  	[tilespmem:s18], [sflag:$0x2] =	stream.indirect.gather [hbm4b:s4+s15], $0x80, s17, s15, $0xb8;
	[tilespmem:$0x1C200] =	vst v63  }
0x52: {  	_ =	swait.ge [sflag:s13], $0x4000  }
0x53: {  	[sflag:s13] =	ssyncset.done $0x0  }
0x54: {  	[sflag:s13] =	ssyncadd.s32 $0xFFFFC000  }
0x55: {  	[spmem:s2] =	stream.indirect.scatter.add.f32 [tilespmem:s16], [sflag:$0x3], $0x80, s15, s15, $0xb8;
	[tilespmem:$0x1C200] =	vst v63  }
0x56: {  	_ =	swait.ge [sflag:s20], $0x4000  }
0x57: {  	[sflag:s20] =	ssyncset.done $0x0  }
0x58: {  	[sflag:s20] =	ssyncadd.s32 $0xFFFFC000  }
0x59: {  	[spmem:s2] =	stream.indirect.scatter.add.f32 [tilespmem:s18], [sflag:$0x4], $0x80, s21, s15, $0xb8;
	[tilespmem:$0x1C200] =	vst v63  }
0x5a: {  	_ =	swait.ge [sflag:s19], $0x4000  }
0x5b: {  	[sflag:s19] =	ssyncset.done $0x0  }
0x5c: {  	[sflag:s19] =	ssyncadd.s32 $0xFFFFC000  }
0x5d: {  	_ =	swait.ge [sflag:s22], $0x4000  }
0x5e: {  	s23 =	sadd.s32 $0x1, s23;
	[sflag:s22] =	ssyncset.done $0x0  }
0x5f: {  	p0 =	sne.s32 s23, s10;
	[sflag:s22] =	ssyncadd.s32 $0xFFFFC000  }
.Ltmp1:
0x60: {  	[bflag:$0x0] =	sbarrier.arrive $0xFFFF;
	(pc) =	sbr.rel @p0 .LBB2_1-.Ltmp1, $4  }
0x61: {  	[hbm:s9], [sflag:s7] =	dma.local [spmem:s12], $0x2800  }
0x62: {  	_ =	swait.ge [sflag:s13], $0x2800  }
0x63: {  	[sflag:s13] =	ssyncset.done $0x0  }
0x64: {  	[sflag:s13] =	ssyncadd.s32 $0xFFFFD800  }
0x65: {  	_ =	sfence.sel $0x180000  }
0x66: {  	[bflag:$0x0] =	sbarrier.arrive $0xFFFF  }
0x67: {  	p0 =	sne.s32 s1, $0x0;
	_ =	strace $0x90000050  }
0x68: {  	s0 =	sadd.s32 @!p0 $0x100000, s0;
	[bflag:$0x2] =	sbarrier.arrive $0xFFFF  }
0x69: {  	[sflag:s0] =	ssyncadd.tile.s32 @!p0 $0x1;
	_ =	shalt  }
.Lfunc_end2:
_tile_overlayer_lowered:
.L_overlay_start_2:
0x6a: {  	(tag) =	ssettag $0x2  }
0x6b: {  	s0 =	rddreg [dreg:$0x0];
	s2 =	stileid.u32  }
0x6c: {  	s1 =	rddreg [dreg:$0x1];
	p0 =	sne.s32 s2, $0x0  }
0x6d: {  	s3 =	rddreg [dreg:$0x2];
	[bflag:$0x3] =	sbarrier.arrive $0xFFFF;
	s2 =	simm.s32 @!p0 $0x1C01  }
0x6e: {  	[timem:s3], [sflag:s2] =	dma.local @!p0 [hbm:s0], s1  }
0x6f: {  	s0 =	simm.s32 @!p0 $0x1  }
0x70: {  	_ =	swait.ge @!p0 [sflag:s0], s1  }
0x71: {  	s1 =	ssub.s32 @!p0 $0x0, s1;
	[sflag:s0] =	ssyncset.done @!p0 $0x0  }
0x72: {  	[sflag:s0] =	ssyncadd.s32 @!p0 s1  }
0x73: {  	[bflag:$0x3] =	sbarrier.arrive $0xFFFF  }
0x74: {  	_ =	shalt  }

</sc_bundles>
